<compile_context>
chip_gen: v7x
topology: tpu7x:2x2x1
jax: 0.10.2.dev20260603
libtpu: 0.0.44.dev20260713+nightly
codegen_flags: <defaults>
</compile_context>

<pallas_src>
import jax
import jax.numpy as jnp
from jax import lax
from jax.experimental import pallas as pl
from jax.experimental.pallas import tpu as pltpu
from jax.experimental.pallas import tpu_sc as plsc

T = 2048
H = 1024
E = 64
F = 2048
K = 2
TILE = 128
NTILES = T * K // TILE + E
NROWS = NTILES * TILE
NC = 2
NS = 16
NW = NC * NS
TPW = T // NW
CH_E = 16


def _router_body(x_ref, wg_ref, inv_ref, wt_ref, te_ref, tv_ref):
    x = x_ref[...]
    wg = wg_ref[...]
    logits = lax.dot_general(x, wg, (((1,), (1,)), ((), ())),
                             preferred_element_type=jnp.float32)
    iota_e = lax.broadcasted_iota(jnp.int32, (T, E), 1)
    v1 = jnp.max(logits, axis=1, keepdims=True)
    i1 = jnp.min(jnp.where(logits == v1, iota_e, E), axis=1, keepdims=True)
    m1 = iota_e == i1
    masked = jnp.where(m1, -jnp.inf, logits)
    v2 = jnp.max(masked, axis=1, keepdims=True)
    i2 = jnp.min(jnp.where(masked == v2, iota_e, E), axis=1, keepdims=True)
    m2 = iota_e == i2
    e2 = jnp.exp(v2 - v1)
    w1 = 1.0 / (1.0 + e2)
    w2 = e2 / (1.0 + e2)

    madd = m1.astype(jnp.float32) + m2.astype(jnp.float32)
    cnt = jnp.sum(madd, axis=0, keepdims=True)
    nt = jnp.floor((cnt + (TILE - 1)) / TILE)
    ii = lax.broadcasted_iota(jnp.int32, (E, E), 0)
    jj = lax.broadcasted_iota(jnp.int32, (E, E), 1)
    upper = (ii < jj).astype(jnp.bfloat16)
    tstart = lax.dot_general(nt.astype(jnp.bfloat16), upper,
                             (((1,), (0,)), ((), ())),
                             preferred_element_type=jnp.float32)
    seg = tstart * TILE
    ti = lax.broadcasted_iota(jnp.int32, (T, T), 0)
    tj = lax.broadcasted_iota(jnp.int32, (T, T), 1)
    tril = (tj < ti).astype(jnp.bfloat16)
    rank = lax.dot_general(tril, madd.astype(jnp.bfloat16),
                           (((1,), (0,)), ((), ())),
                           preferred_element_type=jnp.float32)
    dpos = seg + rank
    dest0 = jnp.sum(jnp.where(m1, dpos, 0.0), axis=1, keepdims=True)
    dest1 = jnp.sum(jnp.where(m2, dpos, 0.0), axis=1, keepdims=True)
    inv_ref[...] = jnp.concatenate([dest0, dest1], axis=1).astype(jnp.int32)
    wt_ref[...] = jnp.concatenate([w1, w2], axis=1)

    nt_i = nt.astype(jnp.int32)
    ts_i = tstart.astype(jnp.int32)
    used = jnp.sum(nt_i, axis=1, keepdims=True)
    iota_er = lax.broadcasted_iota(jnp.int32, (1, E), 1)
    last_e = jnp.max(jnp.where(nt_i > 0, iota_er, 0), axis=1, keepdims=True)
    jcol = lax.broadcasted_iota(jnp.int32, (NTILES, 1), 0)
    inrange = jnp.logical_and(jcol >= ts_i, jcol < ts_i + nt_i)
    te_sum = jnp.sum(jnp.where(inrange, iota_er, 0), axis=1, keepdims=True)
    tv = (jcol < used).astype(jnp.int32)
    te_ref[...] = jnp.where(tv == 1, te_sum, last_e)
    tv_ref[...] = tv


def _router(tokens, Wg):
    return pl.pallas_call(
        _router_body,
        out_shape=(
            jax.ShapeDtypeStruct((T, K), jnp.int32),
            jax.ShapeDtypeStruct((T, K), jnp.float32),
            jax.ShapeDtypeStruct((NTILES, 1), jnp.int32),
            jax.ShapeDtypeStruct((NTILES, 1), jnp.int32),
        ),
    )(tokens, Wg)


def _scatter_body(inv_hbm, w_hbm, tok_out, w_out, idxb, wb, stok, sw):
    ci = lax.axis_index("c")
    si = lax.axis_index("s")

    @pl.when(jnp.logical_and(ci == 0, si == 0))
    def _():
        pltpu.sync_copy(inv_hbm, idxb)
        pltpu.sync_copy(w_hbm, wb)
        zi = jnp.zeros((16,), jnp.int32)
        zf = jnp.zeros((16,), jnp.float32)

        def zero_step(p, _):
            stok[pl.ds(16 * p, 16)] = zi
            sw[pl.ds(16 * p, 16)] = zf
            return 0

        lax.fori_loop(0, NROWS // 16, zero_step, 0)

        def scat_step(p, _):
            idx16 = idxb[pl.ds(16 * p, 16)]
            tvec = lax.shift_right_logical(lax.iota(jnp.int32, 16) + 16 * p, 1)
            plsc.store_scatter(stok, [idx16], tvec)
            wv = wb[pl.ds(16 * p, 16)]
            plsc.store_scatter(sw, [idx16], wv)
            return 0

        lax.fori_loop(0, T * K // 16, scat_step, 0)
        pltpu.sync_copy(stok, tok_out)
        pltpu.sync_copy(sw, w_out)


def _scatter(inv_flat, w_flat):
    return pl.kernel(
        _scatter_body,
        out_type=(
            jax.ShapeDtypeStruct((NROWS,), jnp.int32),
            jax.ShapeDtypeStruct((NROWS,), jnp.float32),
        ),
        mesh=plsc.VectorSubcoreMesh(core_axis_name="c", subcore_axis_name="s"),
        compiler_params=pltpu.CompilerParams(needs_layout_passes=False),
        scratch_types=[
            pltpu.VMEM((T * K,), jnp.int32),
            pltpu.VMEM((T * K,), jnp.float32),
            pltpu.VMEM((NROWS,), jnp.int32),
            pltpu.VMEM((NROWS,), jnp.float32),
        ],
    )(inv_flat, w_flat)


FC = 1024
NF = F // FC


def _gemm_body(te_ref, tv_ref, tokr_ref, x_ref, w1_ref, w3_ref, w2_ref,
               rw_ref, ys_ref, xb_ref):
    j = pl.program_id(0)
    f = pl.program_id(1)

    @pl.when(tv_ref[j] == 1)
    def _():
        @pl.when(f == 0)
        def _():
            tok_col = tokr_ref[0]
            iota_t = lax.broadcasted_iota(jnp.int32, (TILE, T), 1)
            onehot = (iota_t == tok_col).astype(jnp.float32)
            xb_ref[...] = lax.dot_general(
                onehot, x_ref[...], (((1,), (0,)), ((), ())),
                preferred_element_type=jnp.float32)

        xb = xb_ref[...]
        a = lax.dot_general(xb, w1_ref[0], (((1,), (1,)), ((), ())),
                            preferred_element_type=jnp.float32)
        b = lax.dot_general(xb, w3_ref[0], (((1,), (1,)), ((), ())),
                            preferred_element_type=jnp.float32)
        h = a * lax.logistic(a) * b
        yp = lax.dot_general(h, w2_ref[0], (((1,), (1,)), ((), ())),
                             preferred_element_type=jnp.float32)

        @pl.when(f == 0)
        def _():
            ys_ref[...] = yp

        @pl.when(f > 0)
        def _():
            ys_ref[...] += yp

        @pl.when(f == NF - 1)
        def _():
            ys_ref[...] *= rw_ref[0]


def _fsel(f, tvj):
    return jnp.where(tvj == 1, f, NF - 1)


def _gemm(te1, tv1, tokr, tokens, W1, W3, W2, roww):
    grid_spec = pltpu.PrefetchScalarGridSpec(
        num_scalar_prefetch=2,
        grid=(NTILES, NF),
        in_specs=[
            pl.BlockSpec((1, TILE, 1), lambda j, f, te, tv: (j, 0, 0)),
            pl.BlockSpec((T, H), lambda j, f, te, tv: (0, 0)),
            pl.BlockSpec((1, FC, H),
                         lambda j, f, te, tv: (te[j], _fsel(f, tv[j]), 0)),
            pl.BlockSpec((1, FC, H),
                         lambda j, f, te, tv: (te[j], _fsel(f, tv[j]), 0)),
            pl.BlockSpec((1, H, FC),
                         lambda j, f, te, tv: (te[j], 0, _fsel(f, tv[j]))),
            pl.BlockSpec((1, TILE, 1), lambda j, f, te, tv: (j, 0, 0)),
        ],
        out_specs=pl.BlockSpec((TILE, H), lambda j, f, te, tv: (j, 0)),
        scratch_shapes=[pltpu.VMEM((TILE, H), jnp.float32)],
    )
    return pl.pallas_call(
        _gemm_body,
        grid_spec=grid_spec,
        out_shape=jax.ShapeDtypeStruct((NROWS, H), jnp.float32),
    )(te1, tv1, tokr, tokens, W1, W3, W2, roww)


def _combine_body(invr_hbm, ys_hbm, out_hbm, idxe, buf, ob, sem):
    ci = lax.axis_index("c")
    si = lax.axis_index("s")
    wid = si * NC + ci
    pltpu.sync_copy(invr_hbm.at[wid], idxe)
    for c in range(TPW // CH_E):
        pltpu.async_copy(ys_hbm.at[idxe.at[c]], buf, sem).wait()

        def add_step(m, _):
            for i in range(CH_E):
                ob[i, pl.ds(16 * m, 16)] = (
                    buf[2 * i, pl.ds(16 * m, 16)]
                    + buf[2 * i + 1, pl.ds(16 * m, 16)])
            return 0

        lax.fori_loop(0, H // 16, add_step, 0)
        pltpu.sync_copy(ob, out_hbm.at[pl.ds(wid * TPW + c * CH_E, CH_E)])


def _combine(invr, ys):
    return pl.kernel(
        _combine_body,
        out_type=jax.ShapeDtypeStruct((T, H), jnp.float32),
        mesh=plsc.VectorSubcoreMesh(core_axis_name="c", subcore_axis_name="s"),
        scratch_types=[
            pltpu.VMEM((TPW // CH_E, 2 * CH_E), jnp.int32),
            pltpu.VMEM((2 * CH_E, H), jnp.float32),
            pltpu.VMEM((CH_E, H), jnp.float32),
            pltpu.SemaphoreType.DMA,
        ],
    )(invr, ys)


def kernel(x, Wg, W1, W3, W2):
    Bx, Sx, Hx = x.shape
    tokens = x.reshape(T, H)
    inv, wt, te, tv = _router(tokens, Wg)
    inv_flat = inv.reshape(T * K)
    w_flat = wt.reshape(T * K)
    tok, sw = _scatter(inv_flat, w_flat)
    ys = _gemm(
        te.reshape(NTILES), tv.reshape(NTILES),
        tok.reshape(NTILES, TILE, 1), tokens,
        W1, W3, W2, sw.reshape(NTILES, TILE, 1))
    out = _combine(inv_flat.reshape(NW, TPW // CH_E, 2 * CH_E), ys)
    return out.reshape(Bx, Sx, Hx)

# --- scband reference (transcript-rebuilt; emitter-appended) ---
"""Pipeline reference for scband-grinmixture-of-expert-ffn-5909874999574 (READ-ONLY COPY).

The authoritative reference and input builder live on the scoring server;
editing this copy changes nothing except your own understanding.
"""

import jax, jax.numpy as jnp
import numpy as np

H = 1024
F = 2048
E = 64
K = 2
B = 1
S = 2048


def setup_inputs(seed: int = 0) -> dict:
    key = jax.random.key(seed)
    ks = jax.random.split(key, 5)
    x = jax.random.normal(ks[0], (B, S, H), dtype=jnp.float32)
    Wg = jax.random.normal(ks[1], (E, H), dtype=jnp.float32) * 0.02
    W1 = jax.random.normal(ks[2], (E, F, H), dtype=jnp.float32) * 0.02
    W3 = jax.random.normal(ks[3], (E, F, H), dtype=jnp.float32) * 0.02
    W2 = jax.random.normal(ks[4], (E, H, F), dtype=jnp.float32) * 0.02
    return {"x": x, "Wg": Wg, "W1": W1, "W3": W3, "W2": W2}


def reference(x, Wg, W1, W3, W2):
    # GRIN-MoE style sparse mixture-of-experts SwiGLU FFN (eval mode, no jitter noise).
    Bx, Sx, Hx = x.shape
    tokens = x.reshape(-1, Hx)                     # [T, H]
    T = tokens.shape[0]
    # router
    logits = tokens @ Wg.T                         # [T, E]
    top_vals, top_idx = jax.lax.top_k(logits, K)   # [T, K]
    weights = jax.nn.softmax(top_vals, axis=-1)    # [T, K] renormalized over selected experts
    out = jnp.zeros_like(tokens)
    # dispatch tokens to experts via fixed-shape masked routing weights
    for e in range(E):
        w = jnp.sum(jnp.where(top_idx == e, weights, 0.0), axis=-1, keepdims=True)  # [T, 1]
        h = jax.nn.silu(tokens @ W1[e].T) * (tokens @ W3[e].T)   # SwiGLU up-proj [T, F]
        ye = h @ W2[e].T                           # down-proj [T, H]
        out = out + w * ye                         # weighted combine
    return out.reshape(Bx, Sx, Hx)

if __name__ == "__main__":
    import jax
    _d = setup_inputs()
    print(jax.jit(kernel)(*tuple(_d.values())))

</pallas_src>

<mosaic_0001>
#map = affine_map<(d0, d1) -> (0)>
module attributes {stable_mosaic.version = 14 : i64} {
  func.func @_scatter_body(%arg0: i32, %arg1: i32, %arg2: memref<4096xi32, #tpu.memory_space<hbm>>, %arg3: memref<4096xf32, #tpu.memory_space<hbm>>, %arg4: memref<12288xi32, #tpu.memory_space<hbm>>, %arg5: memref<12288xf32, #tpu.memory_space<hbm>>, %arg6: memref<4096xi32, #tpu.memory_space<vmem>>, %arg7: memref<4096xf32, #tpu.memory_space<vmem>>, %arg8: memref<12288xi32, #tpu.memory_space<vmem>>, %arg9: memref<12288xf32, #tpu.memory_space<vmem>>) attributes {dimension_semantics = [#tpu.dimension_semantics<core_parallel>, #tpu.dimension_semantics<subcore_parallel>], iteration_bounds = array<i64: 2, 16>, scalar_prefetch = 0 : i64, scratch_operands = 4 : i64, tpu.core_type = #tpu.core_type<sc_vector_subcore>, window_params = [{transform_indices = #map}, {transform_indices = #map}, {transform_indices = #map}, {transform_indices = #map}]} {
    %eq3A = arith.constant 0 : i32
    %eq3A_0 = arith.cmpi eq, %arg0, %eq3A : i32
    %eq3A_1 = arith.constant 0 : i32
    %eq3A_2 = arith.cmpi eq, %arg1, %eq3A_1 : i32
    %and3A = arith.andi %eq3A_0, %eq3A_2 : i1
    %convert_element_type3A = arith.extui %and3A : i1 to i32
    %cond3A = arith.constant 0 : i32
    %cond3A_3 = arith.cmpi ne, %convert_element_type3A, %cond3A : i32
    scf.if %cond3A_3 {
      "tpu.region"() ({
        %run_scoped3A = tpu.sem_alloc : memref<!tpu.dma_semaphore, #tpu.memory_space<semaphore_mem>>
        tpu.enqueue_dma source(%arg2 : memref<4096xi32, #tpu.memory_space<hbm>>) target(%arg6 : memref<4096xi32, #tpu.memory_space<vmem>>) target_semaphore(%run_scoped3A : memref<!tpu.dma_semaphore, #tpu.memory_space<semaphore_mem>>)
        tpu.wait_dma2 semaphore(%run_scoped3A : memref<!tpu.dma_semaphore, #tpu.memory_space<semaphore_mem>>) src(%arg2 : memref<4096xi32, #tpu.memory_space<hbm>>) dst(%arg6 : memref<4096xi32, #tpu.memory_space<vmem>>)
        tpu.yield
      }) : () -> ()
      "tpu.region"() ({
        %run_scoped3A = tpu.sem_alloc : memref<!tpu.dma_semaphore, #tpu.memory_space<semaphore_mem>>
        tpu.enqueue_dma source(%arg3 : memref<4096xf32, #tpu.memory_space<hbm>>) target(%arg7 : memref<4096xf32, #tpu.memory_space<vmem>>) target_semaphore(%run_scoped3A : memref<!tpu.dma_semaphore, #tpu.memory_space<semaphore_mem>>)
        tpu.wait_dma2 semaphore(%run_scoped3A : memref<!tpu.dma_semaphore, #tpu.memory_space<semaphore_mem>>) src(%arg3 : memref<4096xf32, #tpu.memory_space<hbm>>) dst(%arg7 : memref<4096xf32, #tpu.memory_space<vmem>>)
        tpu.yield
      }) : () -> ()
      %broadcast_in_dim3A = arith.constant 0 : i32
      %broadcast_in_dim3A_4 = vector.broadcast %broadcast_in_dim3A : i32 to vector<16xi32>
      %broadcast_in_dim3A_5 = arith.constant 0.000000e+00 : f32
      %broadcast_in_dim3A_6 = vector.broadcast %broadcast_in_dim3A_5 : f32 to vector<16xf32>
      %scan3A = arith.constant 0 : i32
      %scan3A_7 = arith.constant 0 : i32
      %scan3A_8 = arith.constant 768 : i32
      %scan3A_9 = arith.addi %scan3A_7, %scan3A_8 : i32
      %scan3A_10 = arith.constant 1 : i32
      %scan3A_11 = scf.for %scan3A_20 = %scan3A_7 to %scan3A_9 step %scan3A_10 iter_args(%scan3A_21 = %scan3A) -> (i32)  : i32 {
        %mul3A = arith.constant 16 : i32
        %mul3A_22 = arith.muli %mul3A, %scan3A_20 : i32
        %swap3A = arith.index_cast %mul3A_22 : i32 to index
        %swap3A_23 = tpu.vector_load %arg8[%swap3A] {strides = array<i32>} : memref<12288xi32, #tpu.memory_space<vmem>>, vector<16xi32>,
        tpu.vector_store %arg8[%swap3A], %broadcast_in_dim3A_4 {strides = array<i32>} : memref<12288xi32, #tpu.memory_space<vmem>>, vector<16xi32>,
        %mul3A_24 = arith.constant 16 : i32
        %mul3A_25 = arith.muli %mul3A_24, %scan3A_20 : i32
        %swap3A_26 = arith.index_cast %mul3A_25 : i32 to index
        %swap3A_27 = tpu.vector_load %arg9[%swap3A_26] {strides = array<i32>} : memref<12288xf32, #tpu.memory_space<vmem>>, vector<16xf32>,
        tpu.vector_store %arg9[%swap3A_26], %broadcast_in_dim3A_6 {strides = array<i32>} : memref<12288xf32, #tpu.memory_space<vmem>>, vector<16xf32>,
        %scan3A_28 = arith.constant 0 : i32
        scf.yield %scan3A_28 : i32
      }
      %scan3A_12 = arith.constant 768 : i32
      %scan3A_13 = arith.constant 0 : i32
      %scan3A_14 = arith.constant 0 : i32
      %scan3A_15 = arith.constant 256 : i32
      %scan3A_16 = arith.addi %scan3A_14, %scan3A_15 : i32
      %scan3A_17 = arith.constant 1 : i32
      %scan3A_18 = scf.for %scan3A_20 = %scan3A_14 to %scan3A_16 step %scan3A_17 iter_args(%scan3A_21 = %scan3A_13) -> (i32)  : i32 {
        %mul3A = arith.constant 16 : i32
        %mul3A_22 = arith.muli %mul3A, %scan3A_20 : i32
        %get3A = arith.index_cast %mul3A_22 : i32 to index
        %get3A_23 = tpu.vector_load %arg6[%get3A] {strides = array<i32>} : memref<4096xi32, #tpu.memory_space<vmem>>, vector<16xi32>,
        %iota3A = tpu.iota {dimensions = array<i32: 0>} : vector<16xi32>
        %mul3A_24 = arith.constant 16 : i32
        %mul3A_25 = arith.muli %mul3A_24, %scan3A_20 : i32
        %add3A = vector.broadcast %mul3A_25 : i32 to vector<16xi32>
        %add3A_26 = arith.addi %iota3A, %add3A : vector<16xi32>
        %shift_right_logical3A = arith.constant 1 : i32
        %shift_right_logical3A_27 = vector.broadcast %shift_right_logical3A : i32 to vector<16xi32>
        %shift_right_logical3A_28 = arith.shrui %add3A_26, %shift_right_logical3A_27 : vector<16xi32>
        tpu.vector_store_idx %arg8[%get3A_23], %shift_right_logical3A_28 : memref<12288xi32, #tpu.memory_space<vmem>>[vector<16xi32>], vector<16xi32>,
        %mul3A_29 = arith.constant 16 : i32
        %mul3A_30 = arith.muli %mul3A_29, %scan3A_20 : i32
        %get3A_31 = arith.index_cast %mul3A_30 : i32 to index
        %get3A_32 = tpu.vector_load %arg7[%get3A_31] {strides = array<i32>} : memref<4096xf32, #tpu.memory_space<vmem>>, vector<16xf32>,
        tpu.vector_store_idx %arg9[%get3A_23], %get3A_32 : memref<12288xf32, #tpu.memory_space<vmem>>[vector<16xi32>], vector<16xf32>,
        %scan3A_33 = arith.constant 0 : i32
        scf.yield %scan3A_33 : i32
      }
      %scan3A_19 = arith.constant 256 : i32
      "tpu.region"() ({
        %run_scoped3A = tpu.sem_alloc : memref<!tpu.dma_semaphore, #tpu.memory_space<semaphore_mem>>
        tpu.enqueue_dma source(%arg8 : memref<12288xi32, #tpu.memory_space<vmem>>) target(%arg4 : memref<12288xi32, #tpu.memory_space<hbm>>) target_semaphore(%run_scoped3A : memref<!tpu.dma_semaphore, #tpu.memory_space<semaphore_mem>>)
        tpu.wait_dma2 semaphore(%run_scoped3A : memref<!tpu.dma_semaphore, #tpu.memory_space<semaphore_mem>>) src(%arg8 : memref<12288xi32, #tpu.memory_space<vmem>>) dst(%arg4 : memref<12288xi32, #tpu.memory_space<hbm>>)
        tpu.yield
      }) : () -> ()
      "tpu.region"() ({
        %run_scoped3A = tpu.sem_alloc : memref<!tpu.dma_semaphore, #tpu.memory_space<semaphore_mem>>
        tpu.enqueue_dma source(%arg9 : memref<12288xf32, #tpu.memory_space<vmem>>) target(%arg5 : memref<12288xf32, #tpu.memory_space<hbm>>) target_semaphore(%run_scoped3A : memref<!tpu.dma_semaphore, #tpu.memory_space<semaphore_mem>>)
        tpu.wait_dma2 semaphore(%run_scoped3A : memref<!tpu.dma_semaphore, #tpu.memory_space<semaphore_mem>>) src(%arg9 : memref<12288xf32, #tpu.memory_space<vmem>>) dst(%arg5 : memref<12288xf32, #tpu.memory_space<hbm>>)
        tpu.yield
      }) : () -> ()
    } else {
    }
    return
  }
}

#map = affine_map<(d0, d1) -> (0, 0, 0)>
#map1 = affine_map<(d0, d1) -> (0, 0)>
module attributes {stable_mosaic.version = 14 : i64} {
  func.func @_combine_body(%arg0: i32, %arg1: i32, %arg2: memref<32x4x32xi32, #tpu.memory_space<hbm>>, %arg3: memref<12288x1024xf32, #tpu.memory_space<hbm>>, %arg4: memref<2048x1024xf32, #tpu.memory_space<hbm>>, %arg5: memref<4x32xi32, #tpu.memory_space<vmem>>, %arg6: memref<32x1024xf32, #tpu.memory_space<vmem>>, %arg7: memref<16x1024xf32, #tpu.memory_space<vmem>>, %arg8: memref<!tpu.dma_semaphore, #tpu.memory_space<semaphore_mem>>) attributes {dimension_semantics = [#tpu.dimension_semantics<core_parallel>, #tpu.dimension_semantics<subcore_parallel>], iteration_bounds = array<i64: 2, 16>, scalar_prefetch = 0 : i64, scratch_operands = 4 : i64, tpu.core_type = #tpu.core_type<sc_vector_subcore>, window_params = [{transform_indices = #map}, {transform_indices = #map1}, {transform_indices = #map1}]} {
    %mul3A = arith.constant 2 : i32
    %mul3A_0 = arith.muli %arg1, %mul3A : i32
    %add3A = arith.addi %mul3A_0, %arg0 : i32
    "tpu.region"() ({
      %run_scoped3A = tpu.sem_alloc : memref<!tpu.dma_semaphore, #tpu.memory_space<semaphore_mem>>
      %dma_start3A_98 = arith.constant 0 : i32
      %dma_start3A_99 = arith.constant 0 : i32
      %dma_start3A_100 = tpu.memref_slice %arg2[%add3A, %dma_start3A_98, %dma_start3A_99] : memref<32x4x32xi32, #tpu.memory_space<hbm>> -> memref<1x4x32xi32, #tpu.memory_space<hbm>>
      %dma_start3A_101 = tpu.memref_squeeze %dma_start3A_100 : memref<1x4x32xi32, #tpu.memory_space<hbm>> -> memref<4x32xi32, #tpu.memory_space<hbm>>
      %dma_start3A_102 = arith.constant 0 : i32
      %dma_start3A_103 = arith.constant 0 : i32
      %dma_start3A_104 = tpu.memref_slice %arg2[%add3A, %dma_start3A_102, %dma_start3A_103] : memref<32x4x32xi32, #tpu.memory_space<hbm>> -> memref<1x4x32xi32, #tpu.memory_space<hbm>>
      %dma_start3A_105 = tpu.memref_squeeze %dma_start3A_104 : memref<1x4x32xi32, #tpu.memory_space<hbm>> -> memref<4x32xi32, #tpu.memory_space<hbm>>
      tpu.enqueue_dma source(%dma_start3A_105 : memref<4x32xi32, #tpu.memory_space<hbm>>) target(%arg5 : memref<4x32xi32, #tpu.memory_space<vmem>>) target_semaphore(%run_scoped3A : memref<!tpu.dma_semaphore, #tpu.memory_space<semaphore_mem>>)
      %dma_wait3A_106 = arith.constant 0 : i32
      %dma_wait3A_107 = arith.constant 0 : i32
      %dma_wait3A_108 = tpu.memref_slice %arg2[%add3A, %dma_wait3A_106, %dma_wait3A_107] : memref<32x4x32xi32, #tpu.memory_space<hbm>> -> memref<1x4x32xi32, #tpu.memory_space<hbm>>
      %dma_wait3A_109 = tpu.memref_squeeze %dma_wait3A_108 : memref<1x4x32xi32, #tpu.memory_space<hbm>> -> memref<4x32xi32, #tpu.memory_space<hbm>>
      %dma_wait3A_110 = arith.constant 0 : i32
      %dma_wait3A_111 = arith.constant 0 : i32
      %dma_wait3A_112 = tpu.memref_slice %arg2[%add3A, %dma_wait3A_110, %dma_wait3A_111] : memref<32x4x32xi32, #tpu.memory_space<hbm>> -> memref<1x4x32xi32, #tpu.memory_space<hbm>>
      %dma_wait3A_113 = tpu.memref_squeeze %dma_wait3A_112 : memref<1x4x32xi32, #tpu.memory_space<hbm>> -> memref<4x32xi32, #tpu.memory_space<hbm>>
      tpu.wait_dma2 semaphore(%run_scoped3A : memref<!tpu.dma_semaphore, #tpu.memory_space<semaphore_mem>>) src(%dma_wait3A_113 : memref<4x32xi32, #tpu.memory_space<hbm>>) dst(%arg5 : memref<4x32xi32, #tpu.memory_space<vmem>>)
      tpu.yield
    }) : () -> ()
    %dma_start3A = arith.constant 0 : i32
    %dma_start3A_1 = arith.constant 0 : i32
    %dma_start3A_2 = tpu.memref_slice %arg5[%dma_start3A, %dma_start3A_1] : memref<4x32xi32, #tpu.memory_space<vmem>> -> memref<1x32xi32, #tpu.memory_space<vmem>>
    %dma_start3A_3 = tpu.memref_squeeze %dma_start3A_2 : memref<1x32xi32, #tpu.memory_space<vmem>> -> memref<32xi32, #tpu.memory_space<vmem>>
    %dma_start3A_4 = arith.constant 0 : i32
    %dma_start3A_5 = arith.constant 0 : i32
    %dma_start3A_6 = tpu.memref_slice %arg3[%dma_start3A_4, %dma_start3A_5] : memref<12288x1024xf32, #tpu.memory_space<hbm>> -> memref<12288x1024xf32, #tpu.memory_space<hbm>>
    tpu.enqueue_indirect_dma source(%dma_start3A_6 : memref<12288x1024xf32, #tpu.memory_space<hbm>>) target(%arg6 : memref<32x1024xf32, #tpu.memory_space<vmem>>) offsets(%dma_start3A_3 : memref<32xi32, #tpu.memory_space<vmem>>) semaphore(%arg8 : memref<!tpu.dma_semaphore, #tpu.memory_space<semaphore_mem>>)
    %dma_wait3A = arith.constant 0 : i32
    %dma_wait3A_7 = arith.constant 0 : i32
    %dma_wait3A_8 = tpu.memref_slice %arg5[%dma_wait3A, %dma_wait3A_7] : memref<4x32xi32, #tpu.memory_space<vmem>> -> memref<1x32xi32, #tpu.memory_space<vmem>>
    %dma_wait3A_9 = tpu.memref_squeeze %dma_wait3A_8 : memref<1x32xi32, #tpu.memory_space<vmem>> -> memref<32xi32, #tpu.memory_space<vmem>>
    %dma_wait3A_10 = arith.constant 0 : i32
    %dma_wait3A_11 = arith.constant 0 : i32
    %dma_wait3A_12 = tpu.memref_slice %arg3[%dma_wait3A_10, %dma_wait3A_11] : memref<12288x1024xf32, #tpu.memory_space<hbm>> -> memref<12288x1024xf32, #tpu.memory_space<hbm>>
    tpu.wait_indirect_dma semaphore(%arg8 : memref<!tpu.dma_semaphore, #tpu.memory_space<semaphore_mem>>) src(%dma_wait3A_12 : memref<12288x1024xf32, #tpu.memory_space<hbm>>) dst(%arg6 : memref<32x1024xf32, #tpu.memory_space<vmem>>)
    %scan3A = arith.constant 0 : i32
    %scan3A_13 = arith.constant 0 : i32
    %scan3A_14 = arith.constant 64 : i32
    %scan3A_15 = arith.addi %scan3A_13, %scan3A_14 : i32
    %scan3A_16 = arith.constant 1 : i32
    %scan3A_17 = scf.for %scan3A_98 = %scan3A_13 to %scan3A_15 step %scan3A_16 iter_args(%scan3A_99 = %scan3A) -> (i32)  : i32 {
      %mul3A_100 = arith.constant 16 : i32
      %mul3A_101 = arith.muli %mul3A_100, %scan3A_98 : i32
      %get3A = arith.constant 0 : i32
      %get3A_102 = arith.index_cast %get3A : i32 to index
      %get3A_103 = arith.index_cast %mul3A_101 : i32 to index
      %get3A_104 = tpu.vector_load %arg6[%get3A_102, %get3A_103] {strides = array<i32>} : memref<32x1024xf32, #tpu.memory_space<vmem>>, vector<1x16xf32>,
      %get3A_105 = vector.shape_cast %get3A_104 : vector<1x16xf32> to vector<16xf32>
      %mul3A_106 = arith.constant 16 : i32
      %mul3A_107 = arith.muli %mul3A_106, %scan3A_98 : i32
      %get3A_108 = arith.constant 1 : i32
      %get3A_109 = arith.index_cast %get3A_108 : i32 to index
      %get3A_110 = arith.index_cast %mul3A_107 : i32 to index
      %get3A_111 = tpu.vector_load %arg6[%get3A_109, %get3A_110] {strides = array<i32>} : memref<32x1024xf32, #tpu.memory_space<vmem>>, vector<1x16xf32>,
      %get3A_112 = vector.shape_cast %get3A_111 : vector<1x16xf32> to vector<16xf32>
      %add3A_113 = arith.addf %get3A_105, %get3A_112 : vector<16xf32>
      %mul3A_114 = arith.constant 16 : i32
      %mul3A_115 = arith.muli %mul3A_114, %scan3A_98 : i32
      %swap3A = arith.constant 0 : i32
      %swap3A_116 = arith.index_cast %swap3A : i32 to index
      %swap3A_117 = arith.index_cast %mul3A_115 : i32 to index
      %swap3A_118 = tpu.vector_load %arg7[%swap3A_116, %swap3A_117] {strides = array<i32>} : memref<16x1024xf32, #tpu.memory_space<vmem>>, vector<1x16xf32>,
      %swap3A_119 = vector.shape_cast %swap3A_118 : vector<1x16xf32> to vector<16xf32>
      %swap3A_120 = vector.shape_cast %add3A_113 : vector<16xf32> to vector<1x16xf32>
      tpu.vector_store %arg7[%swap3A_116, %swap3A_117], %swap3A_120 {strides = array<i32>} : memref<16x1024xf32, #tpu.memory_space<vmem>>, vector<1x16xf32>,
      %mul3A_121 = arith.constant 16 : i32
      %mul3A_122 = arith.muli %mul3A_121, %scan3A_98 : i32
      %get3A_123 = arith.constant 2 : i32
      %get3A_124 = arith.index_cast %get3A_123 : i32 to index
      %get3A_125 = arith.index_cast %mul3A_122 : i32 to index
      %get3A_126 = tpu.vector_load %arg6[%get3A_124, %get3A_125] {strides = array<i32>} : memref<32x1024xf32, #tpu.memory_space<vmem>>, vector<1x16xf32>,
      %get3A_127 = vector.shape_cast %get3A_126 : vector<1x16xf32> to vector<16xf32>
      %mul3A_128 = arith.constant 16 : i32
      %mul3A_129 = arith.muli %mul3A_128, %scan3A_98 : i32
      %get3A_130 = arith.constant 3 : i32
      %get3A_131 = arith.index_cast %get3A_130 : i32 to index
      %get3A_132 = arith.index_cast %mul3A_129 : i32 to index
      %get3A_133 = tpu.vector_load %arg6[%get3A_131, %get3A_132] {strides = array<i32>} : memref<32x1024xf32, #tpu.memory_space<vmem>>, vector<1x16xf32>,
      %get3A_134 = vector.shape_cast %get3A_133 : vector<1x16xf32> to vector<16xf32>
      %add3A_135 = arith.addf %get3A_127, %get3A_134 : vector<16xf32>
      %mul3A_136 = arith.constant 16 : i32
      %mul3A_137 = arith.muli %mul3A_136, %scan3A_98 : i32
      %swap3A_138 = arith.constant 1 : i32
      %swap3A_139 = arith.index_cast %swap3A_138 : i32 to index
      %swap3A_140 = arith.index_cast %mul3A_137 : i32 to index
      %swap3A_141 = tpu.vector_load %arg7[%swap3A_139, %swap3A_140] {strides = array<i32>} : memref<16x1024xf32, #tpu.memory_space<vmem>>, vector<1x16xf32>,
      %swap3A_142 = vector.shape_cast %swap3A_141 : vector<1x16xf32> to vector<16xf32>
      %swap3A_143 = vector.shape_cast %add3A_135 : vector<16xf32> to vector<1x16xf32>
      tpu.vector_store %arg7[%swap3A_139, %swap3A_140], %swap3A_143 {strides = array<i32>} : memref<16x1024xf32, #tpu.memory_space<vmem>>, vector<1x16xf32>,
      %mul3A_144 = arith.constant 16 : i32
      %mul3A_145 = arith.muli %mul3A_144, %scan3A_98 : i32
      %get3A_146 = arith.constant 4 : i32
      %get3A_147 = arith.index_cast %get3A_146 : i32 to index
      %get3A_148 = arith.index_cast %mul3A_145 : i32 to index
      %get3A_149 = tpu.vector_load %arg6[%get3A_147, %get3A_148] {strides = array<i32>} : memref<32x1024xf32, #tpu.memory_space<vmem>>, vector<1x16xf32>,
      %get3A_150 = vector.shape_cast %get3A_149 : vector<1x16xf32> to vector<16xf32>
      %mul3A_151 = arith.constant 16 : i32
      %mul3A_152 = arith.muli %mul3A_151, %scan3A_98 : i32
      %get3A_153 = arith.constant 5 : i32
      %get3A_154 = arith.index_cast %get3A_153 : i32 to index
      %get3A_155 = arith.index_cast %mul3A_152 : i32 to index
      %get3A_156 = tpu.vector_load %arg6[%get3A_154, %get3A_155] {strides = array<i32>} : memref<32x1024xf32, #tpu.memory_space<vmem>>, vector<1x16xf32>,
      %get3A_157 = vector.shape_cast %get3A_156 : vector<1x16xf32> to vector<16xf32>
      %add3A_158 = arith.addf %get3A_150, %get3A_157 : vector<16xf32>
      %mul3A_159 = arith.constant 16 : i32
      %mul3A_160 = arith.muli %mul3A_159, %scan3A_98 : i32
      %swap3A_161 = arith.constant 2 : i32
      %swap3A_162 = arith.index_cast %swap3A_161 : i32 to index
      %swap3A_163 = arith.index_cast %mul3A_160 : i32 to index
      %swap3A_164 = tpu.vector_load %arg7[%swap3A_162, %swap3A_163] {strides = array<i32>} : memref<16x1024xf32, #tpu.memory_space<vmem>>, vector<1x16xf32>,
      %swap3A_165 = vector.shape_cast %swap3A_164 : vector<1x16xf32> to vector<16xf32>
      %swap3A_166 = vector.shape_cast %add3A_158 : vector<16xf32> to vector<1x16xf32>
      tpu.vector_store %arg7[%swap3A_162, %swap3A_163], %swap3A_166 {strides = array<i32>} : memref<16x1024xf32, #tpu.memory_space<vmem>>, vector<1x16xf32>,
      %mul3A_167 = arith.constant 16 : i32
      %mul3A_168 = arith.muli %mul3A_167, %scan3A_98 : i32
      %get3A_169 = arith.constant 6 : i32
      %get3A_170 = arith.index_cast %get3A_169 : i32 to index
      %get3A_171 = arith.index_cast %mul3A_168 : i32 to index
      %get3A_172 = tpu.vector_load %arg6[%get3A_170, %get3A_171] {strides = array<i32>} : memref<32x1024xf32, #tpu.memory_space<vmem>>, vector<1x16xf32>,
      %get3A_173 = vector.shape_cast %get3A_172 : vector<1x16xf32> to vector<16xf32>
      %mul3A_174 = arith.constant 16 : i32
      %mul3A_175 = arith.muli %mul3A_174, %scan3A_98 : i32
      %get3A_176 = arith.constant 7 : i32
      %get3A_177 = arith.index_cast %get3A_176 : i32 to index
      %get3A_178 = arith.index_cast %mul3A_175 : i32 to index
      %get3A_179 = tpu.vector_load %arg6[%get3A_177, %get3A_178] {strides = array<i32>} : memref<32x1024xf32, #tpu.memory_space<vmem>>, vector<1x16xf32>,
      %get3A_180 = vector.shape_cast %get3A_179 : vector<1x16xf32> to vector<16xf32>
      %add3A_181 = arith.addf %get3A_173, %get3A_180 : vector<16xf32>
      %mul3A_182 = arith.constant 16 : i32
      %mul3A_183 = arith.muli %mul3A_182, %scan3A_98 : i32
      %swap3A_184 = arith.constant 3 : i32
      %swap3A_185 = arith.index_cast %swap3A_184 : i32 to index
      %swap3A_186 = arith.index_cast %mul3A_183 : i32 to index
      %swap3A_187 = tpu.vector_load %arg7[%swap3A_185, %swap3A_186] {strides = array<i32>} : memref<16x1024xf32, #tpu.memory_space<vmem>>, vector<1x16xf32>,
      %swap3A_188 = vector.shape_cast %swap3A_187 : vector<1x16xf32> to vector<16xf32>
      %swap3A_189 = vector.shape_cast %add3A_181 : vector<16xf32> to vector<1x16xf32>
      tpu.vector_store %arg7[%swap3A_185, %swap3A_186], %swap3A_189 {strides = array<i32>} : memref<16x1024xf32, #tpu.memory_space<vmem>>, vector<1x16xf32>,
      %mul3A_190 = arith.constant 16 : i32
      %mul3A_191 = arith.muli %mul3A_190, %scan3A_98 : i32
      %get3A_192 = arith.constant 8 : i32
      %get3A_193 = arith.index_cast %get3A_192 : i32 to index
      %get3A_194 = arith.index_cast %mul3A_191 : i32 to index
      %get3A_195 = tpu.vector_load %arg6[%get3A_193, %get3A_194] {strides = array<i32>} : memref<32x1024xf32, #tpu.memory_space<vmem>>, vector<1x16xf32>,
      %get3A_196 = vector.shape_cast %get3A_195 : vector<1x16xf32> to vector<16xf32>
      %mul3A_197 = arith.constant 16 : i32
      %mul3A_198 = arith.muli %mul3A_197, %scan3A_98 : i32
      %get3A_199 = arith.constant 9 : i32
      %get3A_200 = arith.index_cast %get3A_199 : i32 to index
      %get3A_201 = arith.index_cast %mul3A_198 : i32 to index
      %get3A_202 = tpu.vector_load %arg6[%get3A_200, %get3A_201] {strides = array<i32>} : memref<32x1024xf32, #tpu.memory_space<vmem>>, vector<1x16xf32>,
      %get3A_203 = vector.shape_cast %get3A_202 : vector<1x16xf32> to vector<16xf32>
      %add3A_204 = arith.addf %get3A_196, %get3A_203 : vector<16xf32>
      %mul3A_205 = arith.constant 16 : i32
      %mul3A_206 = arith.muli %mul3A_205, %scan3A_98 : i32
      %swap3A_207 = arith.constant 4 : i32
      %swap3A_208 = arith.index_cast %swap3A_207 : i32 to index
      %swap3A_209 = arith.index_cast %mul3A_206 : i32 to index
      %swap3A_210 = tpu.vector_load %arg7[%swap3A_208, %swap3A_209] {strides = array<i32>} : memref<16x1024xf32, #tpu.memory_space<vmem>>, vector<1x16xf32>,
      %swap3A_211 = vector.shape_cast %swap3A_210 : vector<1x16xf32> to vector<16xf32>
      %swap3A_212 = vector.shape_cast %add3A_204 : vector<16xf32> to vector<1x16xf32>
      tpu.vector_store %arg7[%swap3A_208, %swap3A_209], %swap3A_212 {strides = array<i32>} : memref<16x1024xf32, #tpu.memory_space<vmem>>, vector<1x16xf32>,
      %mul3A_213 = arith.constant 16 : i32
      %mul3A_214 = arith.muli %mul3A_213, %scan3A_98 : i32
      %get3A_215 = arith.constant 10 : i32
      %get3A_216 = arith.index_cast %get3A_215 : i32 to index
      %get3A_217 = arith.index_cast %mul3A_214 : i32 to index
      %get3A_218 = tpu.vector_load %arg6[%get3A_216, %get3A_217] {strides = array<i32>} : memref<32x1024xf32, #tpu.memory_space<vmem>>, vector<1x16xf32>,
      %get3A_219 = vector.shape_cast %get3A_218 : vector<1x16xf32> to vector<16xf32>
      %mul3A_220 = arith.constant 16 : i32
      %mul3A_221 = arith.muli %mul3A_220, %scan3A_98 : i32
      %get3A_222 = arith.constant 11 : i32
      %get3A_223 = arith.index_cast %get3A_222 : i32 to index
      %get3A_224 = arith.index_cast %mul3A_221 : i32 to index
      %get3A_225 = tpu.vector_load %arg6[%get3A_223, %get3A_224] {strides = array<i32>} : memref<32x1024xf32, #tpu.memory_space<vmem>>, vector<1x16xf32>,
      %get3A_226 = vector.shape_cast %get3A_225 : vector<1x16xf32> to vector<16xf32>
      %add3A_227 = arith.addf %get3A_219, %get3A_226 : vector<16xf32>
      %mul3A_228 = arith.constant 16 : i32
      %mul3A_229 = arith.muli %mul3A_228, %scan3A_98 : i32
      %swap3A_230 = arith.constant 5 : i32
      %swap3A_231 = arith.index_cast %swap3A_230 : i32 to index
      %swap3A_232 = arith.index_cast %mul3A_229 : i32 to index
      %swap3A_233 = tpu.vector_load %arg7[%swap3A_231, %swap3A_232] {strides = array<i32>} : memref<16x1024xf32, #tpu.memory_space<vmem>>, vector<1x16xf32>,
      %swap3A_234 = vector.shape_cast %swap3A_233 : vector<1x16xf32> to vector<16xf32>
      %swap3A_235 = vector.shape_cast %add3A_227 : vector<16xf32> to vector<1x16xf32>
      tpu.vector_store %arg7[%swap3A_231, %swap3A_232], %swap3A_235 {strides = array<i32>} : memref<16x1024xf32, #tpu.memory_space<vmem>>, vector<1x16xf32>,
      %mul3A_236 = arith.constant 16 : i32
      %mul3A_237 = arith.muli %mul3A_236, %scan3A_98 : i32
      %get3A_238 = arith.constant 12 : i32
      %get3A_239 = arith.index_cast %get3A_238 : i32 to index
      %get3A_240 = arith.index_cast %mul3A_237 : i32 to index
      %get3A_241 = tpu.vector_load %arg6[%get3A_239, %get3A_240] {strides = array<i32>} : memref<32x1024xf32, #tpu.memory_space<vmem>>, vector<1x16xf32>,
      %get3A_242 = vector.shape_cast %get3A_241 : vector<1x16xf32> to vector<16xf32>
      %mul3A_243 = arith.constant 16 : i32
      %mul3A_244 = arith.muli %mul3A_243, %scan3A_98 : i32
      %get3A_245 = arith.constant 13 : i32
      %get3A_246 = arith.index_cast %get3A_245 : i32 to index
      %get3A_247 = arith.index_cast %mul3A_244 : i32 to index
      %get3A_248 = tpu.vector_load %arg6[%get3A_246, %get3A_247] {strides = array<i32>} : memref<32x1024xf32, #tpu.memory_space<vmem>>, vector<1x16xf32>,
      %get3A_249 = vector.shape_cast %get3A_248 : vector<1x16xf32> to vector<16xf32>
      %add3A_250 = arith.addf %get3A_242, %get3A_249 : vector<16xf32>
      %mul3A_251 = arith.constant 16 : i32
      %mul3A_252 = arith.muli %mul3A_251, %scan3A_98 : i32
      %swap3A_253 = arith.constant 6 : i32
      %swap3A_254 = arith.index_cast %swap3A_253 : i32 to index
      %swap3A_255 = arith.index_cast %mul3A_252 : i32 to index
      %swap3A_256 = tpu.vector_load %arg7[%swap3A_254, %swap3A_255] {strides = array<i32>} : memref<16x1024xf32, #tpu.memory_space<vmem>>, vector<1x16xf32>,
      %swap3A_257 = vector.shape_cast %swap3A_256 : vector<1x16xf32> to vector<16xf32>
      %swap3A_258 = vector.shape_cast %add3A_250 : vector<16xf32> to vector<1x16xf32>
      tpu.vector_store %arg7[%swap3A_254, %swap3A_255], %swap3A_258 {strides = array<i32>} : memref<16x1024xf32, #tpu.memory_space<vmem>>, vector<1x16xf32>,
      %mul3A_259 = arith.constant 16 : i32
      %mul3A_260 = arith.muli %mul3A_259, %scan3A_98 : i32
      %get3A_261 = arith.constant 14 : i32
      %get3A_262 = arith.index_cast %get3A_261 : i32 to index
      %get3A_263 = arith.index_cast %mul3A_260 : i32 to index
      %get3A_264 = tpu.vector_load %arg6[%get3A_262, %get3A_263] {strides = array<i32>} : memref<32x1024xf32, #tpu.memory_space<vmem>>, vector<1x16xf32>,
      %get3A_265 = vector.shape_cast %get3A_264 : vector<1x16xf32> to vector<16xf32>
      %mul3A_266 = arith.constant 16 : i32
      %mul3A_267 = arith.muli %mul3A_266, %scan3A_98 : i32
      %get3A_268 = arith.constant 15 : i32
      %get3A_269 = arith.index_cast %get3A_268 : i32 to index
      %get3A_270 = arith.index_cast %mul3A_267 : i32 to index
      %get3A_271 = tpu.vector_load %arg6[%get3A_269, %get3A_270] {strides = array<i32>} : memref<32x1024xf32, #tpu.memory_space<vmem>>, vector<1x16xf32>,
      %get3A_272 = vector.shape_cast %get3A_271 : vector<1x16xf32> to vector<16xf32>
      %add3A_273 = arith.addf %get3A_265, %get3A_272 : vector<16xf32>
      %mul3A_274 = arith.constant 16 : i32
      %mul3A_275 = arith.muli %mul3A_274, %scan3A_98 : i32
      %swap3A_276 = arith.constant 7 : i32
      %swap3A_277 = arith.index_cast %swap3A_276 : i32 to index
      %swap3A_278 = arith.index_cast %mul3A_275 : i32 to index
      %swap3A_279 = tpu.vector_load %arg7[%swap3A_277, %swap3A_278] {strides = array<i32>} : memref<16x1024xf32, #tpu.memory_space<vmem>>, vector<1x16xf32>,
      %swap3A_280 = vector.shape_cast %swap3A_279 : vector<1x16xf32> to vector<16xf32>
      %swap3A_281 = vector.shape_cast %add3A_273 : vector<16xf32> to vector<1x16xf32>
      tpu.vector_store %arg7[%swap3A_277, %swap3A_278], %swap3A_281 {strides = array<i32>} : memref<16x1024xf32, #tpu.memory_space<vmem>>, vector<1x16xf32>,
      %mul3A_282 = arith.constant 16 : i32
      %mul3A_283 = arith.muli %mul3A_282, %scan3A_98 : i32
      %get3A_284 = arith.constant 16 : i32
      %get3A_285 = arith.index_cast %get3A_284 : i32 to index
      %get3A_286 = arith.index_cast %mul3A_283 : i32 to index
      %get3A_287 = tpu.vector_load %arg6[%get3A_285, %get3A_286] {strides = array<i32>} : memref<32x1024xf32, #tpu.memory_space<vmem>>, vector<1x16xf32>,
      %get3A_288 = vector.shape_cast %get3A_287 : vector<1x16xf32> to vector<16xf32>
      %mul3A_289 = arith.constant 16 : i32
      %mul3A_290 = arith.muli %mul3A_289, %scan3A_98 : i32
      %get3A_291 = arith.constant 17 : i32
      %get3A_292 = arith.index_cast %get3A_291 : i32 to index
      %get3A_293 = arith.index_cast %mul3A_290 : i32 to index
      %get3A_294 = tpu.vector_load %arg6[%get3A_292, %get3A_293] {strides = array<i32>} : memref<32x1024xf32, #tpu.memory_space<vmem>>, vector<1x16xf32>,
      %get3A_295 = vector.shape_cast %get3A_294 : vector<1x16xf32> to vector<16xf32>
      %add3A_296 = arith.addf %get3A_288, %get3A_295 : vector<16xf32>
      %mul3A_297 = arith.constant 16 : i32
      %mul3A_298 = arith.muli %mul3A_297, %scan3A_98 : i32
      %swap3A_299 = arith.constant 8 : i32
      %swap3A_300 = arith.index_cast %swap3A_299 : i32 to index
      %swap3A_301 = arith.index_cast %mul3A_298 : i32 to index
      %swap3A_302 = tpu.vector_load %arg7[%swap3A_300, %swap3A_301] {strides = array<i32>} : memref<16x1024xf32, #tpu.memory_space<vmem>>, vector<1x16xf32>,
      %swap3A_303 = vector.shape_cast %swap3A_302 : vector<1x16xf32> to vector<16xf32>
      %swap3A_304 = vector.shape_cast %add3A_296 : vector<16xf32> to vector<1x16xf32>
      tpu.vector_store %arg7[%swap3A_300, %swap3A_301], %swap3A_304 {strides = array<i32>} : memref<16x1024xf32, #tpu.memory_space<vmem>>, vector<1x16xf32>,
      %mul3A_305 = arith.constant 16 : i32
      %mul3A_306 = arith.muli %mul3A_305, %scan3A_98 : i32
      %get3A_307 = arith.constant 18 : i32
      %get3A_308 = arith.index_cast %get3A_307 : i32 to index
      %get3A_309 = arith.index_cast %mul3A_306 : i32 to index
      %get3A_310 = tpu.vector_load %arg6[%get3A_308, %get3A_309] {strides = array<i32>} : memref<32x1024xf32, #tpu.memory_space<vmem>>, vector<1x16xf32>,
      %get3A_311 = vector.shape_cast %get3A_310 : vector<1x16xf32> to vector<16xf32>
      %mul3A_312 = arith.constant 16 : i32
      %mul3A_313 = arith.muli %mul3A_312, %scan3A_98 : i32
      %get3A_314 = arith.constant 19 : i32
      %get3A_315 = arith.index_cast %get3A_314 : i32 to index
      %get3A_316 = arith.index_cast %mul3A_313 : i32 to index
      %get3A_317 = tpu.vector_load %arg6[%get3A_315, %get3A_316] {strides = array<i32>} : memref<32x1024xf32, #tpu.memory_space<vmem>>, vector<1x16xf32>,
      %get3A_318 = vector.shape_cast %get3A_317 : vector<1x16xf32> to vector<16xf32>
      %add3A_319 = arith.addf %get3A_311, %get3A_318 : vector<16xf32>
      %mul3A_320 = arith.constant 16 : i32
      %mul3A_321 = arith.muli %mul3A_320, %scan3A_98 : i32
      %swap3A_322 = arith.constant 9 : i32
      %swap3A_323 = arith.index_cast %swap3A_322 : i32 to index
      %swap3A_324 = arith.index_cast %mul3A_321 : i32 to index
      %swap3A_325 = tpu.vector_load %arg7[%swap3A_323, %swap3A_324] {strides = array<i32>} : memref<16x1024xf32, #tpu.memory_space<vmem>>, vector<1x16xf32>,
      %swap3A_326 = vector.shape_cast %swap3A_325 : vector<1x16xf32> to vector<16xf32>
      %swap3A_327 = vector.shape_cast %add3A_319 : vector<16xf32> to vector<1x16xf32>
      tpu.vector_store %arg7[%swap3A_323, %swap3A_324], %swap3A_327 {strides = array<i32>} : memref<16x1024xf32, #tpu.memory_space<vmem>>, vector<1x16xf32>,
      %mul3A_328 = arith.constant 16 : i32
      %mul3A_329 = arith.muli %mul3A_328, %scan3A_98 : i32
      %get3A_330 = arith.constant 20 : i32
      %get3A_331 = arith.index_cast %get3A_330 : i32 to index
      %get3A_332 = arith.index_cast %mul3A_329 : i32 to index
      %get3A_333 = tpu.vector_load %arg6[%get3A_331, %get3A_332] {strides = array<i32>} : memref<32x1024xf32, #tpu.memory_space<vmem>>, vector<1x16xf32>,
      %get3A_334 = vector.shape_cast %get3A_333 : vector<1x16xf32> to vector<16xf32>
      %mul3A_335 = arith.constant 16 : i32
      %mul3A_336 = arith.muli %mul3A_335, %scan3A_98 : i32
      %get3A_337 = arith.constant 21 : i32
      %get3A_338 = arith.index_cast %get3A_337 : i32 to index
      %get3A_339 = arith.index_cast %mul3A_336 : i32 to index
      %get3A_340 = tpu.vector_load %arg6[%get3A_338, %get3A_339] {strides = array<i32>} : memref<32x1024xf32, #tpu.memory_space<vmem>>, vector<1x16xf32>,
      %get3A_341 = vector.shape_cast %get3A_340 : vector<1x16xf32> to vector<16xf32>
      %add3A_342 = arith.addf %get3A_334, %get3A_341 : vector<16xf32>
      %mul3A_343 = arith.constant 16 : i32
      %mul3A_344 = arith.muli %mul3A_343, %scan3A_98 : i32
      %swap3A_345 = arith.constant 10 : i32
      %swap3A_346 = arith.index_cast %swap3A_345 : i32 to index
      %swap3A_347 = arith.index_cast %mul3A_344 : i32 to index
      %swap3A_348 = tpu.vector_load %arg7[%swap3A_346, %swap3A_347] {strides = array<i32>} : memref<16x1024xf32, #tpu.memory_space<vmem>>, vector<1x16xf32>,
      %swap3A_349 = vector.shape_cast %swap3A_348 : vector<1x16xf32> to vector<16xf32>
      %swap3A_350 = vector.shape_cast %add3A_342 : vector<16xf32> to vector<1x16xf32>
      tpu.vector_store %arg7[%swap3A_346, %swap3A_347], %swap3A_350 {strides = array<i32>} : memref<16x1024xf32, #tpu.memory_space<vmem>>, vector<1x16xf32>,
      %mul3A_351 = arith.constant 16 : i32
      %mul3A_352 = arith.muli %mul3A_351, %scan3A_98 : i32
      %get3A_353 = arith.constant 22 : i32
      %get3A_354 = arith.index_cast %get3A_353 : i32 to index
      %get3A_355 = arith.index_cast %mul3A_352 : i32 to index
      %get3A_356 = tpu.vector_load %arg6[%get3A_354, %get3A_355] {strides = array<i32>} : memref<32x1024xf32, #tpu.memory_space<vmem>>, vector<1x16xf32>,
      %get3A_357 = vector.shape_cast %get3A_356 : vector<1x16xf32> to vector<16xf32>
      %mul3A_358 = arith.constant 16 : i32
      %mul3A_359 = arith.muli %mul3A_358, %scan3A_98 : i32
      %get3A_360 = arith.constant 23 : i32
      %get3A_361 = arith.index_cast %get3A_360 : i32 to index
      %get3A_362 = arith.index_cast %mul3A_359 : i32 to index
      %get3A_363 = tpu.vector_load %arg6[%get3A_361, %get3A_362] {strides = array<i32>} : memref<32x1024xf32, #tpu.memory_space<vmem>>, vector<1x16xf32>,
      %get3A_364 = vector.shape_cast %get3A_363 : vector<1x16xf32> to vector<16xf32>
      %add3A_365 = arith.addf %get3A_357, %get3A_364 : vector<16xf32>
      %mul3A_366 = arith.constant 16 : i32
      %mul3A_367 = arith.muli %mul3A_366, %scan3A_98 : i32
      %swap3A_368 = arith.constant 11 : i32
      %swap3A_369 = arith.index_cast %swap3A_368 : i32 to index
      %swap3A_370 = arith.index_cast %mul3A_367 : i32 to index
      %swap3A_371 = tpu.vector_load %arg7[%swap3A_369, %swap3A_370] {strides = array<i32>} : memref<16x1024xf32, #tpu.memory_space<vmem>>, vector<1x16xf32>,
      %swap3A_372 = vector.shape_cast %swap3A_371 : vector<1x16xf32> to vector<16xf32>
      %swap3A_373 = vector.shape_cast %add3A_365 : vector<16xf32> to vector<1x16xf32>
      tpu.vector_store %arg7[%swap3A_369, %swap3A_370], %swap3A_373 {strides = array<i32>} : memref<16x1024xf32, #tpu.memory_space<vmem>>, vector<1x16xf32>,
      %mul3A_374 = arith.constant 16 : i32
      %mul3A_375 = arith.muli %mul3A_374, %scan3A_98 : i32
      %get3A_376 = arith.constant 24 : i32
      %get3A_377 = arith.index_cast %get3A_376 : i32 to index
      %get3A_378 = arith.index_cast %mul3A_375 : i32 to index
      %get3A_379 = tpu.vector_load %arg6[%get3A_377, %get3A_378] {strides = array<i32>} : memref<32x1024xf32, #tpu.memory_space<vmem>>, vector<1x16xf32>,
      %get3A_380 = vector.shape_cast %get3A_379 : vector<1x16xf32> to vector<16xf32>
      %mul3A_381 = arith.constant 16 : i32
      %mul3A_382 = arith.muli %mul3A_381, %scan3A_98 : i32
      %get3A_383 = arith.constant 25 : i32
      %get3A_384 = arith.index_cast %get3A_383 : i32 to index
      %get3A_385 = arith.index_cast %mul3A_382 : i32 to index
      %get3A_386 = tpu.vector_load %arg6[%get3A_384, %get3A_385] {strides = array<i32>} : memref<32x1024xf32, #tpu.memory_space<vmem>>, vector<1x16xf32>,
      %get3A_387 = vector.shape_cast %get3A_386 : vector<1x16xf32> to vector<16xf32>
      %add3A_388 = arith.addf %get3A_380, %get3A_387 : vector<16xf32>
      %mul3A_389 = arith.constant 16 : i32
      %mul3A_390 = arith.muli %mul3A_389, %scan3A_98 : i32
      %swap3A_391 = arith.constant 12 : i32
      %swap3A_392 = arith.index_cast %swap3A_391 : i32 to index
      %swap3A_393 = arith.index_cast %mul3A_390 : i32 to index
      %swap3A_394 = tpu.vector_load %arg7[%swap3A_392, %swap3A_393] {strides = array<i32>} : memref<16x1024xf32, #tpu.memory_space<vmem>>, vector<1x16xf32>,
      %swap3A_395 = vector.shape_cast %swap3A_394 : vector<1x16xf32> to vector<16xf32>
      %swap3A_396 = vector.shape_cast %add3A_388 : vector<16xf32> to vector<1x16xf32>
      tpu.vector_store %arg7[%swap3A_392, %swap3A_393], %swap3A_396 {strides = array<i32>} : memref<16x1024xf32, #tpu.memory_space<vmem>>, vector<1x16xf32>,
      %mul3A_397 = arith.constant 16 : i32
      %mul3A_398 = arith.muli %mul3A_397, %scan3A_98 : i32
      %get3A_399 = arith.constant 26 : i32
      %get3A_400 = arith.index_cast %get3A_399 : i32 to index
      %get3A_401 = arith.index_cast %mul3A_398 : i32 to index
      %get3A_402 = tpu.vector_load %arg6[%get3A_400, %get3A_401] {strides = array<i32>} : memref<32x1024xf32, #tpu.memory_space<vmem>>, vector<1x16xf32>,
      %get3A_403 = vector.shape_cast %get3A_402 : vector<1x16xf32> to vector<16xf32>
      %mul3A_404 = arith.constant 16 : i32
      %mul3A_405 = arith.muli %mul3A_404, %scan3A_98 : i32
      %get3A_406 = arith.constant 27 : i32
      %get3A_407 = arith.index_cast %get3A_406 : i32 to index
      %get3A_408 = arith.index_cast %mul3A_405 : i32 to index
      %get3A_409 = tpu.vector_load %arg6[%get3A_407, %get3A_408] {strides = array<i32>} : memref<32x1024xf32, #tpu.memory_space<vmem>>, vector<1x16xf32>,
      %get3A_410 = vector.shape_cast %get3A_409 : vector<1x16xf32> to vector<16xf32>
      %add3A_411 = arith.addf %get3A_403, %get3A_410 : vector<16xf32>
      %mul3A_412 = arith.constant 16 : i32
      %mul3A_413 = arith.muli %mul3A_412, %scan3A_98 : i32
      %swap3A_414 = arith.constant 13 : i32
      %swap3A_415 = arith.index_cast %swap3A_414 : i32 to index
      %swap3A_416 = arith.index_cast %mul3A_413 : i32 to index
      %swap3A_417 = tpu.vector_load %arg7[%swap3A_415, %swap3A_416] {strides = array<i32>} : memref<16x1024xf32, #tpu.memory_space<vmem>>, vector<1x16xf32>,
      %swap3A_418 = vector.shape_cast %swap3A_417 : vector<1x16xf32> to vector<16xf32>
      %swap3A_419 = vector.shape_cast %add3A_411 : vector<16xf32> to vector<1x16xf32>
      tpu.vector_store %arg7[%swap3A_415, %swap3A_416], %swap3A_419 {strides = array<i32>} : memref<16x1024xf32, #tpu.memory_space<vmem>>, vector<1x16xf32>,
      %mul3A_420 = arith.constant 16 : i32
      %mul3A_421 = arith.muli %mul3A_420, %scan3A_98 : i32
      %get3A_422 = arith.constant 28 : i32
      %get3A_423 = arith.index_cast %get3A_422 : i32 to index
      %get3A_424 = arith.index_cast %mul3A_421 : i32 to index
      %get3A_425 = tpu.vector_load %arg6[%get3A_423, %get3A_424] {strides = array<i32>} : memref<32x1024xf32, #tpu.memory_space<vmem>>, vector<1x16xf32>,
      %get3A_426 = vector.shape_cast %get3A_425 : vector<1x16xf32> to vector<16xf32>
      %mul3A_427 = arith.constant 16 : i32
      %mul3A_428 = arith.muli %mul3A_427, %scan3A_98 : i32
      %get3A_429 = arith.constant 29 : i32
      %get3A_430 = arith.index_cast %get3A_429 : i32 to index
      %get3A_431 = arith.index_cast %mul3A_428 : i32 to index
      %get3A_432 = tpu.vector_load %arg6[%get3A_430, %get3A_431] {strides = array<i32>} : memref<32x1024xf32, #tpu.memory_space<vmem>>, vector<1x16xf32>,
      %get3A_433 = vector.shape_cast %get3A_432 : vector<1x16xf32> to vector<16xf32>
      %add3A_434 = arith.addf %get3A_426, %get3A_433 : vector<16xf32>
      %mul3A_435 = arith.constant 16 : i32
      %mul3A_436 = arith.muli %mul3A_435, %scan3A_98 : i32
      %swap3A_437 = arith.constant 14 : i32
      %swap3A_438 = arith.index_cast %swap3A_437 : i32 to index
      %swap3A_439 = arith.index_cast %mul3A_436 : i32 to index
      %swap3A_440 = tpu.vector_load %arg7[%swap3A_438, %swap3A_439] {strides = array<i32>} : memref<16x1024xf32, #tpu.memory_space<vmem>>, vector<1x16xf32>,
      %swap3A_441 = vector.shape_cast %swap3A_440 : vector<1x16xf32> to vector<16xf32>
      %swap3A_442 = vector.shape_cast %add3A_434 : vector<16xf32> to vector<1x16xf32>
      tpu.vector_store %arg7[%swap3A_438, %swap3A_439], %swap3A_442 {strides = array<i32>} : memref<16x1024xf32, #tpu.memory_space<vmem>>, vector<1x16xf32>,
      %mul3A_443 = arith.constant 16 : i32
      %mul3A_444 = arith.muli %mul3A_443, %scan3A_98 : i32
      %get3A_445 = arith.constant 30 : i32
      %get3A_446 = arith.index_cast %get3A_445 : i32 to index
      %get3A_447 = arith.index_cast %mul3A_444 : i32 to index
      %get3A_448 = tpu.vector_load %arg6[%get3A_446, %get3A_447] {strides = array<i32>} : memref<32x1024xf32, #tpu.memory_space<vmem>>, vector<1x16xf32>,
      %get3A_449 = vector.shape_cast %get3A_448 : vector<1x16xf32> to vector<16xf32>
      %mul3A_450 = arith.constant 16 : i32
      %mul3A_451 = arith.muli %mul3A_450, %scan3A_98 : i32
      %get3A_452 = arith.constant 31 : i32
      %get3A_453 = arith.index_cast %get3A_452 : i32 to index
      %get3A_454 = arith.index_cast %mul3A_451 : i32 to index
      %get3A_455 = tpu.vector_load %arg6[%get3A_453, %get3A_454] {strides = array<i32>} : memref<32x1024xf32, #tpu.memory_space<vmem>>, vector<1x16xf32>,
      %get3A_456 = vector.shape_cast %get3A_455 : vector<1x16xf32> to vector<16xf32>
      %add3A_457 = arith.addf %get3A_449, %get3A_456 : vector<16xf32>
      %mul3A_458 = arith.constant 16 : i32
      %mul3A_459 = arith.muli %mul3A_458, %scan3A_98 : i32
      %swap3A_460 = arith.constant 15 : i32
      %swap3A_461 = arith.index_cast %swap3A_460 : i32 to index
      %swap3A_462 = arith.index_cast %mul3A_459 : i32 to index
      %swap3A_463 = tpu.vector_load %arg7[%swap3A_461, %swap3A_462] {strides = array<i32>} : memref<16x1024xf32, #tpu.memory_space<vmem>>, vector<1x16xf32>,
      %swap3A_464 = vector.shape_cast %swap3A_463 : vector<1x16xf32> to vector<16xf32>
      %swap3A_465 = vector.shape_cast %add3A_457 : vector<16xf32> to vector<1x16xf32>
      tpu.vector_store %arg7[%swap3A_461, %swap3A_462], %swap3A_465 {strides = array<i32>} : memref<16x1024xf32, #tpu.memory_space<vmem>>, vector<1x16xf32>,
      %scan3A_466 = arith.constant 0 : i32
      scf.yield %scan3A_466 : i32
    }
    %scan3A_18 = arith.constant 64 : i32
    %mul3A_19 = arith.constant 64 : i32
    %mul3A_20 = arith.muli %add3A, %mul3A_19 : i32
    %add3A_21 = arith.constant 0 : i32
    %add3A_22 = arith.addi %mul3A_20, %add3A_21 : i32
    "tpu.region"() ({
      %run_scoped3A = tpu.sem_alloc : memref<!tpu.dma_semaphore, #tpu.memory_space<semaphore_mem>>
      %dma_start3A_98 = arith.constant 0 : i32
      %dma_start3A_99 = tpu.memref_slice %arg4[%add3A_22, %dma_start3A_98] : memref<2048x1024xf32, #tpu.memory_space<hbm>> -> memref<16x1024xf32, #tpu.memory_space<hbm>>
      %dma_start3A_100 = arith.constant 0 : i32
      %dma_start3A_101 = tpu.memref_slice %arg4[%add3A_22, %dma_start3A_100] : memref<2048x1024xf32, #tpu.memory_space<hbm>> -> memref<16x1024xf32, #tpu.memory_space<hbm>>
      tpu.enqueue_dma source(%arg7 : memref<16x1024xf32, #tpu.memory_space<vmem>>) target(%dma_start3A_101 : memref<16x1024xf32, #tpu.memory_space<hbm>>) target_semaphore(%run_scoped3A : memref<!tpu.dma_semaphore, #tpu.memory_space<semaphore_mem>>)
      %dma_wait3A_102 = arith.constant 0 : i32
      %dma_wait3A_103 = tpu.memref_slice %arg4[%add3A_22, %dma_wait3A_102] : memref<2048x1024xf32, #tpu.memory_space<hbm>> -> memref<16x1024xf32, #tpu.memory_space<hbm>>
      %dma_wait3A_104 = arith.constant 0 : i32
      %dma_wait3A_105 = tpu.memref_slice %arg4[%add3A_22, %dma_wait3A_104] : memref<2048x1024xf32, #tpu.memory_space<hbm>> -> memref<16x1024xf32, #tpu.memory_space<hbm>>
      tpu.wait_dma2 semaphore(%run_scoped3A : memref<!tpu.dma_semaphore, #tpu.memory_space<semaphore_mem>>) src(%arg7 : memref<16x1024xf32, #tpu.memory_space<vmem>>) dst(%dma_wait3A_105 : memref<16x1024xf32, #tpu.memory_space<hbm>>)
      tpu.yield
    }) : () -> ()
    %dma_start3A_23 = arith.constant 1 : i32
    %dma_start3A_24 = arith.constant 0 : i32
    %dma_start3A_25 = tpu.memref_slice %arg5[%dma_start3A_23, %dma_start3A_24] : memref<4x32xi32, #tpu.memory_space<vmem>> -> memref<1x32xi32, #tpu.memory_space<vmem>>
    %dma_start3A_26 = tpu.memref_squeeze %dma_start3A_25 : memref<1x32xi32, #tpu.memory_space<vmem>> -> memref<32xi32, #tpu.memory_space<vmem>>
    %dma_start3A_27 = arith.constant 0 : i32
    %dma_start3A_28 = arith.constant 0 : i32
    %dma_start3A_29 = tpu.memref_slice %arg3[%dma_start3A_27, %dma_start3A_28] : memref<12288x1024xf32, #tpu.memory_space<hbm>> -> memref<12288x1024xf32, #tpu.memory_space<hbm>>
    tpu.enqueue_indirect_dma source(%dma_start3A_29 : memref<12288x1024xf32, #tpu.memory_space<hbm>>) target(%arg6 : memref<32x1024xf32, #tpu.memory_space<vmem>>) offsets(%dma_start3A_26 : memref<32xi32, #tpu.memory_space<vmem>>) semaphore(%arg8 : memref<!tpu.dma_semaphore, #tpu.memory_space<semaphore_mem>>)
    %dma_wait3A_30 = arith.constant 1 : i32
    %dma_wait3A_31 = arith.constant 0 : i32
    %dma_wait3A_32 = tpu.memref_slice %arg5[%dma_wait3A_30, %dma_wait3A_31] : memref<4x32xi32, #tpu.memory_space<vmem>> -> memref<1x32xi32, #tpu.memory_space<vmem>>
    %dma_wait3A_33 = tpu.memref_squeeze %dma_wait3A_32 : memref<1x32xi32, #tpu.memory_space<vmem>> -> memref<32xi32, #tpu.memory_space<vmem>>
    %dma_wait3A_34 = arith.constant 0 : i32
    %dma_wait3A_35 = arith.constant 0 : i32
    %dma_wait3A_36 = tpu.memref_slice %arg3[%dma_wait3A_34, %dma_wait3A_35] : memref<12288x1024xf32, #tpu.memory_space<hbm>> -> memref<12288x1024xf32, #tpu.memory_space<hbm>>
    tpu.wait_indirect_dma semaphore(%arg8 : memref<!tpu.dma_semaphore, #tpu.memory_space<semaphore_mem>>) src(%dma_wait3A_36 : memref<12288x1024xf32, #tpu.memory_space<hbm>>) dst(%arg6 : memref<32x1024xf32, #tpu.memory_space<vmem>>)
    %scan3A_37 = arith.constant 0 : i32
    %scan3A_38 = arith.constant 0 : i32
    %scan3A_39 = arith.constant 64 : i32
    %scan3A_40 = arith.addi %scan3A_38, %scan3A_39 : i32
    %scan3A_41 = arith.constant 1 : i32
    %scan3A_42 = scf.for %scan3A_98 = %scan3A_38 to %scan3A_40 step %scan3A_41 iter_args(%scan3A_99 = %scan3A_37) -> (i32)  : i32 {
      %mul3A_100 = arith.constant 16 : i32
      %mul3A_101 = arith.muli %mul3A_100, %scan3A_98 : i32
      %get3A = arith.constant 0 : i32
      %get3A_102 = arith.index_cast %get3A : i32 to index
      %get3A_103 = arith.index_cast %mul3A_101 : i32 to index
      %get3A_104 = tpu.vector_load %arg6[%get3A_102, %get3A_103] {strides = array<i32>} : memref<32x1024xf32, #tpu.memory_space<vmem>>, vector<1x16xf32>,
      %get3A_105 = vector.shape_cast %get3A_104 : vector<1x16xf32> to vector<16xf32>
      %mul3A_106 = arith.constant 16 : i32
      %mul3A_107 = arith.muli %mul3A_106, %scan3A_98 : i32
      %get3A_108 = arith.constant 1 : i32
      %get3A_109 = arith.index_cast %get3A_108 : i32 to index
      %get3A_110 = arith.index_cast %mul3A_107 : i32 to index
      %get3A_111 = tpu.vector_load %arg6[%get3A_109, %get3A_110] {strides = array<i32>} : memref<32x1024xf32, #tpu.memory_space<vmem>>, vector<1x16xf32>,
      %get3A_112 = vector.shape_cast %get3A_111 : vector<1x16xf32> to vector<16xf32>
      %add3A_113 = arith.addf %get3A_105, %get3A_112 : vector<16xf32>
      %mul3A_114 = arith.constant 16 : i32
      %mul3A_115 = arith.muli %mul3A_114, %scan3A_98 : i32
      %swap3A = arith.constant 0 : i32
      %swap3A_116 = arith.index_cast %swap3A : i32 to index
      %swap3A_117 = arith.index_cast %mul3A_115 : i32 to index
      %swap3A_118 = tpu.vector_load %arg7[%swap3A_116, %swap3A_117] {strides = array<i32>} : memref<16x1024xf32, #tpu.memory_space<vmem>>, vector<1x16xf32>,
      %swap3A_119 = vector.shape_cast %swap3A_118 : vector<1x16xf32> to vector<16xf32>
      %swap3A_120 = vector.shape_cast %add3A_113 : vector<16xf32> to vector<1x16xf32>
      tpu.vector_store %arg7[%swap3A_116, %swap3A_117], %swap3A_120 {strides = array<i32>} : memref<16x1024xf32, #tpu.memory_space<vmem>>, vector<1x16xf32>,
      %mul3A_121 = arith.constant 16 : i32
      %mul3A_122 = arith.muli %mul3A_121, %scan3A_98 : i32
      %get3A_123 = arith.constant 2 : i32
      %get3A_124 = arith.index_cast %get3A_123 : i32 to index
      %get3A_125 = arith.index_cast %mul3A_122 : i32 to index
      %get3A_126 = tpu.vector_load %arg6[%get3A_124, %get3A_125] {strides = array<i32>} : memref<32x1024xf32, #tpu.memory_space<vmem>>, vector<1x16xf32>,
      %get3A_127 = vector.shape_cast %get3A_126 : vector<1x16xf32> to vector<16xf32>
      %mul3A_128 = arith.constant 16 : i32
      %mul3A_129 = arith.muli %mul3A_128, %scan3A_98 : i32
      %get3A_130 = arith.constant 3 : i32
      %get3A_131 = arith.index_cast %get3A_130 : i32 to index
      %get3A_132 = arith.index_cast %mul3A_129 : i32 to index
      %get3A_133 = tpu.vector_load %arg6[%get3A_131, %get3A_132] {strides = array<i32>} : memref<32x1024xf32, #tpu.memory_space<vmem>>, vector<1x16xf32>,
      %get3A_134 = vector.shape_cast %get3A_133 : vector<1x16xf32> to vector<16xf32>
      %add3A_135 = arith.addf %get3A_127, %get3A_134 : vector<16xf32>
      %mul3A_136 = arith.constant 16 : i32
      %mul3A_137 = arith.muli %mul3A_136, %scan3A_98 : i32
      %swap3A_138 = arith.constant 1 : i32
      %swap3A_139 = arith.index_cast %swap3A_138 : i32 to index
      %swap3A_140 = arith.index_cast %mul3A_137 : i32 to index
      %swap3A_141 = tpu.vector_load %arg7[%swap3A_139, %swap3A_140] {strides = array<i32>} : memref<16x1024xf32, #tpu.memory_space<vmem>>, vector<1x16xf32>,
      %swap3A_142 = vector.shape_cast %swap3A_141 : vector<1x16xf32> to vector<16xf32>
      %swap3A_143 = vector.shape_cast %add3A_135 : vector<16xf32> to vector<1x16xf32>
      tpu.vector_store %arg7[%swap3A_139, %swap3A_140], %swap3A_143 {strides = array<i32>} : memref<16x1024xf32, #tpu.memory_space<vmem>>, vector<1x16xf32>,
      %mul3A_144 = arith.constant 16 : i32
      %mul3A_145 = arith.muli %mul3A_144, %scan3A_98 : i32
      %get3A_146 = arith.constant 4 : i32
      %get3A_147 = arith.index_cast %get3A_146 : i32 to index
      %get3A_148 = arith.index_cast %mul3A_145 : i32 to index
      %get3A_149 = tpu.vector_load %arg6[%get3A_147, %get3A_148] {strides = array<i32>} : memref<32x1024xf32, #tpu.memory_space<vmem>>, vector<1x16xf32>,
      %get3A_150 = vector.shape_cast %get3A_149 : vector<1x16xf32> to vector<16xf32>
      %mul3A_151 = arith.constant 16 : i32
      %mul3A_152 = arith.muli %mul3A_151, %scan3A_98 : i32
      %get3A_153 = arith.constant 5 : i32
      %get3A_154 = arith.index_cast %get3A_153 : i32 to index
      %get3A_155 = arith.index_cast %mul3A_152 : i32 to index
      %get3A_156 = tpu.vector_load %arg6[%get3A_154, %get3A_155] {strides = array<i32>} : memref<32x1024xf32, #tpu.memory_space<vmem>>, vector<1x16xf32>,
      %get3A_157 = vector.shape_cast %get3A_156 : vector<1x16xf32> to vector<16xf32>
      %add3A_158 = arith.addf %get3A_150, %get3A_157 : vector<16xf32>
      %mul3A_159 = arith.constant 16 : i32
      %mul3A_160 = arith.muli %mul3A_159, %scan3A_98 : i32
      %swap3A_161 = arith.constant 2 : i32
      %swap3A_162 = arith.index_cast %swap3A_161 : i32 to index
      %swap3A_163 = arith.index_cast %mul3A_160 : i32 to index
      %swap3A_164 = tpu.vector_load %arg7[%swap3A_162, %swap3A_163] {strides = array<i32>} : memref<16x1024xf32, #tpu.memory_space<vmem>>, vector<1x16xf32>,
      %swap3A_165 = vector.shape_cast %swap3A_164 : vector<1x16xf32> to vector<16xf32>
      %swap3A_166 = vector.shape_cast %add3A_158 : vector<16xf32> to vector<1x16xf32>
      tpu.vector_store %arg7[%swap3A_162, %swap3A_163], %swap3A_166 {strides = array<i32>} : memref<16x1024xf32, #tpu.memory_space<vmem>>, vector<1x16xf32>,
      %mul3A_167 = arith.constant 16 : i32
      %mul3A_168 = arith.muli %mul3A_167, %scan3A_98 : i32
      %get3A_169 = arith.constant 6 : i32
      %get3A_170 = arith.index_cast %get3A_169 : i32 to index
      %get3A_171 = arith.index_cast %mul3A_168 : i32 to index
      %get3A_172 = tpu.vector_load %arg6[%get3A_170, %get3A_171] {strides = array<i32>} : memref<32x1024xf32, #tpu.memory_space<vmem>>, vector<1x16xf32>,
      %get3A_173 = vector.shape_cast %get3A_172 : vector<1x16xf32> to vector<16xf32>
      %mul3A_174 = arith.constant 16 : i32
      %mul3A_175 = arith.muli %mul3A_174, %scan3A_98 : i32
      %get3A_176 = arith.constant 7 : i32
      %get3A_177 = arith.index_cast %get3A_176 : i32 to index
      %get3A_178 = arith.index_cast %mul3A_175 : i32 to index
      %get3A_179 = tpu.vector_load %arg6[%get3A_177, %get3A_178] {strides = array<i32>} : memref<32x1024xf32, #tpu.memory_space<vmem>>, vector<1x16xf32>,
      %get3A_180 = vector.shape_cast %get3A_179 : vector<1x16xf32> to vector<16xf32>
      %add3A_181 = arith.addf %get3A_173, %get3A_180 : vector<16xf32>
      %mul3A_182 = arith.constant 16 : i32
      %mul3A_183 = arith.muli %mul3A_182, %scan3A_98 : i32
      %swap3A_184 = arith.constant 3 : i32
      %swap3A_185 = arith.index_cast %swap3A_184 : i32 to index
      %swap3A_186 = arith.index_cast %mul3A_183 : i32 to index
      %swap3A_187 = tpu.vector_load %arg7[%swap3A_185, %swap3A_186] {strides = array<i32>} : memref<16x1024xf32, #tpu.memory_space<vmem>>, vector<1x16xf32>,
      %swap3A_188 = vector.shape_cast %swap3A_187 : vector<1x16xf32> to vector<16xf32>
      %swap3A_189 = vector.shape_cast %add3A_181 : vector<16xf32> to vector<1x16xf32>
      tpu.vector_store %arg7[%swap3A_185, %swap3A_186], %swap3A_189 {strides = array<i32>} : memref<16x1024xf32, #tpu.memory_space<vmem>>, vector<1x16xf32>,
      %mul3A_190 = arith.constant 16 : i32
      %mul3A_191 = arith.muli %mul3A_190, %scan3A_98 : i32
      %get3A_192 = arith.constant 8 : i32
      %get3A_193 = arith.index_cast %get3A_192 : i32 to index
      %get3A_194 = arith.index_cast %mul3A_191 : i32 to index
      %get3A_195 = tpu.vector_load %arg6[%get3A_193, %get3A_194] {strides = array<i32>} : memref<32x1024xf32, #tpu.memory_space<vmem>>, vector<1x16xf32>,
      %get3A_196 = vector.shape_cast %get3A_195 : vector<1x16xf32> to vector<16xf32>
      %mul3A_197 = arith.constant 16 : i32
      %mul3A_198 = arith.muli %mul3A_197, %scan3A_98 : i32
      %get3A_199 = arith.constant 9 : i32
      %get3A_200 = arith.index_cast %get3A_199 : i32 to index
      %get3A_201 = arith.index_cast %mul3A_198 : i32 to index
      %get3A_202 = tpu.vector_load %arg6[%get3A_200, %get3A_201] {strides = array<i32>} : memref<32x1024xf32, #tpu.memory_space<vmem>>, vector<1x16xf32>,
      %get3A_203 = vector.shape_cast %get3A_202 : vector<1x16xf32> to vector<16xf32>
      %add3A_204 = arith.addf %get3A_196, %get3A_203 : vector<16xf32>
      %mul3A_205 = arith.constant 16 : i32
      %mul3A_206 = arith.muli %mul3A_205, %scan3A_98 : i32
      %swap3A_207 = arith.constant 4 : i32
      %swap3A_208 = arith.index_cast %swap3A_207 : i32 to index
      %swap3A_209 = arith.index_cast %mul3A_206 : i32 to index
      %swap3A_210 = tpu.vector_load %arg7[%swap3A_208, %swap3A_209] {strides = array<i32>} : memref<16x1024xf32, #tpu.memory_space<vmem>>, vector<1x16xf32>,
      %swap3A_211 = vector.shape_cast %swap3A_210 : vector<1x16xf32> to vector<16xf32>
      %swap3A_212 = vector.shape_cast %add3A_204 : vector<16xf32> to vector<1x16xf32>
      tpu.vector_store %arg7[%swap3A_208, %swap3A_209], %swap3A_212 {strides = array<i32>} : memref<16x1024xf32, #tpu.memory_space<vmem>>, vector<1x16xf32>,
      %mul3A_213 = arith.constant 16 : i32
      %mul3A_214 = arith.muli %mul3A_213, %scan3A_98 : i32
      %get3A_215 = arith.constant 10 : i32
      %get3A_216 = arith.index_cast %get3A_215 : i32 to index
      %get3A_217 = arith.index_cast %mul3A_214 : i32 to index
      %get3A_218 = tpu.vector_load %arg6[%get3A_216, %get3A_217] {strides = array<i32>} : memref<32x1024xf32, #tpu.memory_space<vmem>>, vector<1x16xf32>,
      %get3A_219 = vector.shape_cast %get3A_218 : vector<1x16xf32> to vector<16xf32>
      %mul3A_220 = arith.constant 16 : i32
      %mul3A_221 = arith.muli %mul3A_220, %scan3A_98 : i32
      %get3A_222 = arith.constant 11 : i32
      %get3A_223 = arith.index_cast %get3A_222 : i32 to index
      %get3A_224 = arith.index_cast %mul3A_221 : i32 to index
      %get3A_225 = tpu.vector_load %arg6[%get3A_223, %get3A_224] {strides = array<i32>} : memref<32x1024xf32, #tpu.memory_space<vmem>>, vector<1x16xf32>,
      %get3A_226 = vector.shape_cast %get3A_225 : vector<1x16xf32> to vector<16xf32>
      %add3A_227 = arith.addf %get3A_219, %get3A_226 : vector<16xf32>
      %mul3A_228 = arith.constant 16 : i32
      %mul3A_229 = arith.muli %mul3A_228, %scan3A_98 : i32
      %swap3A_230 = arith.constant 5 : i32
      %swap3A_231 = arith.index_cast %swap3A_230 : i32 to index
      %swap3A_232 = arith.index_cast %mul3A_229 : i32 to index
      %swap3A_233 = tpu.vector_load %arg7[%swap3A_231, %swap3A_232] {strides = array<i32>} : memref<16x1024xf32, #tpu.memory_space<vmem>>, vector<1x16xf32>,
      %swap3A_234 = vector.shape_cast %swap3A_233 : vector<1x16xf32> to vector<16xf32>
      %swap3A_235 = vector.shape_cast %add3A_227 : vector<16xf32> to vector<1x16xf32>
      tpu.vector_store %arg7[%swap3A_231, %swap3A_232], %swap3A_235 {strides = array<i32>} : memref<16x1024xf32, #tpu.memory_space<vmem>>, vector<1x16xf32>,
      %mul3A_236 = arith.constant 16 : i32
      %mul3A_237 = arith.muli %mul3A_236, %scan3A_98 : i32
      %get3A_238 = arith.constant 12 : i32
      %get3A_239 = arith.index_cast %get3A_238 : i32 to index
      %get3A_240 = arith.index_cast %mul3A_237 : i32 to index
      %get3A_241 = tpu.vector_load %arg6[%get3A_239, %get3A_240] {strides = array<i32>} : memref<32x1024xf32, #tpu.memory_space<vmem>>, vector<1x16xf32>,
      %get3A_242 = vector.shape_cast %get3A_241 : vector<1x16xf32> to vector<16xf32>
      %mul3A_243 = arith.constant 16 : i32
      %mul3A_244 = arith.muli %mul3A_243, %scan3A_98 : i32
      %get3A_245 = arith.constant 13 : i32
      %get3A_246 = arith.index_cast %get3A_245 : i32 to index
      %get3A_247 = arith.index_cast %mul3A_244 : i32 to index
      %get3A_248 = tpu.vector_load %arg6[%get3A_246, %get3A_247] {strides = array<i32>} : memref<32x1024xf32, #tpu.memory_space<vmem>>, vector<1x16xf32>,
      %get3A_249 = vector.shape_cast %get3A_248 : vector<1x16xf32> to vector<16xf32>
      %add3A_250 = arith.addf %get3A_242, %get3A_249 : vector<16xf32>
      %mul3A_251 = arith.constant 16 : i32
      %mul3A_252 = arith.muli %mul3A_251, %scan3A_98 : i32
      %swap3A_253 = arith.constant 6 : i32
      %swap3A_254 = arith.index_cast %swap3A_253 : i32 to index
      %swap3A_255 = arith.index_cast %mul3A_252 : i32 to index
      %swap3A_256 = tpu.vector_load %arg7[%swap3A_254, %swap3A_255] {strides = array<i32>} : memref<16x1024xf32, #tpu.memory_space<vmem>>, vector<1x16xf32>,
      %swap3A_257 = vector.shape_cast %swap3A_256 : vector<1x16xf32> to vector<16xf32>
      %swap3A_258 = vector.shape_cast %add3A_250 : vector<16xf32> to vector<1x16xf32>
      tpu.vector_store %arg7[%swap3A_254, %swap3A_255], %swap3A_258 {strides = array<i32>} : memref<16x1024xf32, #tpu.memory_space<vmem>>, vector<1x16xf32>,
      %mul3A_259 = arith.constant 16 : i32
      %mul3A_260 = arith.muli %mul3A_259, %scan3A_98 : i32
      %get3A_261 = arith.constant 14 : i32
      %get3A_262 = arith.index_cast %get3A_261 : i32 to index
      %get3A_263 = arith.index_cast %mul3A_260 : i32 to index
      %get3A_264 = tpu.vector_load %arg6[%get3A_262, %get3A_263] {strides = array<i32>} : memref<32x1024xf32, #tpu.memory_space<vmem>>, vector<1x16xf32>,
      %get3A_265 = vector.shape_cast %get3A_264 : vector<1x16xf32> to vector<16xf32>
      %mul3A_266 = arith.constant 16 : i32
      %mul3A_267 = arith.muli %mul3A_266, %scan3A_98 : i32
      %get3A_268 = arith.constant 15 : i32
      %get3A_269 = arith.index_cast %get3A_268 : i32 to index
      %get3A_270 = arith.index_cast %mul3A_267 : i32 to index
      %get3A_271 = tpu.vector_load %arg6[%get3A_269, %get3A_270] {strides = array<i32>} : memref<32x1024xf32, #tpu.memory_space<vmem>>, vector<1x16xf32>,
      %get3A_272 = vector.shape_cast %get3A_271 : vector<1x16xf32> to vector<16xf32>
      %add3A_273 = arith.addf %get3A_265, %get3A_272 : vector<16xf32>
      %mul3A_274 = arith.constant 16 : i32
      %mul3A_275 = arith.muli %mul3A_274, %scan3A_98 : i32
      %swap3A_276 = arith.constant 7 : i32
      %swap3A_277 = arith.index_cast %swap3A_276 : i32 to index
      %swap3A_278 = arith.index_cast %mul3A_275 : i32 to index
      %swap3A_279 = tpu.vector_load %arg7[%swap3A_277, %swap3A_278] {strides = array<i32>} : memref<16x1024xf32, #tpu.memory_space<vmem>>, vector<1x16xf32>,
      %swap3A_280 = vector.shape_cast %swap3A_279 : vector<1x16xf32> to vector<16xf32>
      %swap3A_281 = vector.shape_cast %add3A_273 : vector<16xf32> to vector<1x16xf32>
      tpu.vector_store %arg7[%swap3A_277, %swap3A_278], %swap3A_281 {strides = array<i32>} : memref<16x1024xf32, #tpu.memory_space<vmem>>, vector<1x16xf32>,
      %mul3A_282 = arith.constant 16 : i32
      %mul3A_283 = arith.muli %mul3A_282, %scan3A_98 : i32
      %get3A_284 = arith.constant 16 : i32
      %get3A_285 = arith.index_cast %get3A_284 : i32 to index
      %get3A_286 = arith.index_cast %mul3A_283 : i32 to index
      %get3A_287 = tpu.vector_load %arg6[%get3A_285, %get3A_286] {strides = array<i32>} : memref<32x1024xf32, #tpu.memory_space<vmem>>, vector<1x16xf32>,
      %get3A_288 = vector.shape_cast %get3A_287 : vector<1x16xf32> to vector<16xf32>
      %mul3A_289 = arith.constant 16 : i32
      %mul3A_290 = arith.muli %mul3A_289, %scan3A_98 : i32
      %get3A_291 = arith.constant 17 : i32
      %get3A_292 = arith.index_cast %get3A_291 : i32 to index
      %get3A_293 = arith.index_cast %mul3A_290 : i32 to index
      %get3A_294 = tpu.vector_load %arg6[%get3A_292, %get3A_293] {strides = array<i32>} : memref<32x1024xf32, #tpu.memory_space<vmem>>, vector<1x16xf32>,
      %get3A_295 = vector.shape_cast %get3A_294 : vector<1x16xf32> to vector<16xf32>
      %add3A_296 = arith.addf %get3A_288, %get3A_295 : vector<16xf32>
      %mul3A_297 = arith.constant 16 : i32
      %mul3A_298 = arith.muli %mul3A_297, %scan3A_98 : i32
      %swap3A_299 = arith.constant 8 : i32
      %swap3A_300 = arith.index_cast %swap3A_299 : i32 to index
      %swap3A_301 = arith.index_cast %mul3A_298 : i32 to index
      %swap3A_302 = tpu.vector_load %arg7[%swap3A_300, %swap3A_301] {strides = array<i32>} : memref<16x1024xf32, #tpu.memory_space<vmem>>, vector<1x16xf32>,
      %swap3A_303 = vector.shape_cast %swap3A_302 : vector<1x16xf32> to vector<16xf32>
      %swap3A_304 = vector.shape_cast %add3A_296 : vector<16xf32> to vector<1x16xf32>
      tpu.vector_store %arg7[%swap3A_300, %swap3A_301], %swap3A_304 {strides = array<i32>} : memref<16x1024xf32, #tpu.memory_space<vmem>>, vector<1x16xf32>,
      %mul3A_305 = arith.constant 16 : i32
      %mul3A_306 = arith.muli %mul3A_305, %scan3A_98 : i32
      %get3A_307 = arith.constant 18 : i32
      %get3A_308 = arith.index_cast %get3A_307 : i32 to index
      %get3A_309 = arith.index_cast %mul3A_306 : i32 to index
      %get3A_310 = tpu.vector_load %arg6[%get3A_308, %get3A_309] {strides = array<i32>} : memref<32x1024xf32, #tpu.memory_space<vmem>>, vector<1x16xf32>,
      %get3A_311 = vector.shape_cast %get3A_310 : vector<1x16xf32> to vector<16xf32>
      %mul3A_312 = arith.constant 16 : i32
      %mul3A_313 = arith.muli %mul3A_312, %scan3A_98 : i32
      %get3A_314 = arith.constant 19 : i32
      %get3A_315 = arith.index_cast %get3A_314 : i32 to index
      %get3A_316 = arith.index_cast %mul3A_313 : i32 to index
      %get3A_317 = tpu.vector_load %arg6[%get3A_315, %get3A_316] {strides = array<i32>} : memref<32x1024xf32, #tpu.memory_space<vmem>>, vector<1x16xf32>,
      %get3A_318 = vector.shape_cast %get3A_317 : vector<1x16xf32> to vector<16xf32>
      %add3A_319 = arith.addf %get3A_311, %get3A_318 : vector<16xf32>
      %mul3A_320 = arith.constant 16 : i32
      %mul3A_321 = arith.muli %mul3A_320, %scan3A_98 : i32
      %swap3A_322 = arith.constant 9 : i32
      %swap3A_323 = arith.index_cast %swap3A_322 : i32 to index
      %swap3A_324 = arith.index_cast %mul3A_321 : i32 to index
      %swap3A_325 = tpu.vector_load %arg7[%swap3A_323, %swap3A_324] {strides = array<i32>} : memref<16x1024xf32, #tpu.memory_space<vmem>>, vector<1x16xf32>,
      %swap3A_326 = vector.shape_cast %swap3A_325 : vector<1x16xf32> to vector<16xf32>
      %swap3A_327 = vector.shape_cast %add3A_319 : vector<16xf32> to vector<1x16xf32>
      tpu.vector_store %arg7[%swap3A_323, %swap3A_324], %swap3A_327 {strides = array<i32>} : memref<16x1024xf32, #tpu.memory_space<vmem>>, vector<1x16xf32>,
      %mul3A_328 = arith.constant 16 : i32
      %mul3A_329 = arith.muli %mul3A_328, %scan3A_98 : i32
      %get3A_330 = arith.constant 20 : i32
      %get3A_331 = arith.index_cast %get3A_330 : i32 to index
      %get3A_332 = arith.index_cast %mul3A_329 : i32 to index
      %get3A_333 = tpu.vector_load %arg6[%get3A_331, %get3A_332] {strides = array<i32>} : memref<32x1024xf32, #tpu.memory_space<vmem>>, vector<1x16xf32>,
      %get3A_334 = vector.shape_cast %get3A_333 : vector<1x16xf32> to vector<16xf32>
      %mul3A_335 = arith.constant 16 : i32
      %mul3A_336 = arith.muli %mul3A_335, %scan3A_98 : i32
      %get3A_337 = arith.constant 21 : i32
      %get3A_338 = arith.index_cast %get3A_337 : i32 to index
      %get3A_339 = arith.index_cast %mul3A_336 : i32 to index
      %get3A_340 = tpu.vector_load %arg6[%get3A_338, %get3A_339] {strides = array<i32>} : memref<32x1024xf32, #tpu.memory_space<vmem>>, vector<1x16xf32>,
      %get3A_341 = vector.shape_cast %get3A_340 : vector<1x16xf32> to vector<16xf32>
      %add3A_342 = arith.addf %get3A_334, %get3A_341 : vector<16xf32>
      %mul3A_343 = arith.constant 16 : i32
      %mul3A_344 = arith.muli %mul3A_343, %scan3A_98 : i32
      %swap3A_345 = arith.constant 10 : i32
      %swap3A_346 = arith.index_cast %swap3A_345 : i32 to index
      %swap3A_347 = arith.index_cast %mul3A_344 : i32 to index
      %swap3A_348 = tpu.vector_load %arg7[%swap3A_346, %swap3A_347] {strides = array<i32>} : memref<16x1024xf32, #tpu.memory_space<vmem>>, vector<1x16xf32>,
      %swap3A_349 = vector.shape_cast %swap3A_348 : vector<1x16xf32> to vector<16xf32>
      %swap3A_350 = vector.shape_cast %add3A_342 : vector<16xf32> to vector<1x16xf32>
      tpu.vector_store %arg7[%swap3A_346, %swap3A_347], %swap3A_350 {strides = array<i32>} : memref<16x1024xf32, #tpu.memory_space<vmem>>, vector<1x16xf32>,
      %mul3A_351 = arith.constant 16 : i32
      %mul3A_352 = arith.muli %mul3A_351, %scan3A_98 : i32
      %get3A_353 = arith.constant 22 : i32
      %get3A_354 = arith.index_cast %get3A_353 : i32 to index
      %get3A_355 = arith.index_cast %mul3A_352 : i32 to index
      %get3A_356 = tpu.vector_load %arg6[%get3A_354, %get3A_355] {strides = array<i32>} : memref<32x1024xf32, #tpu.memory_space<vmem>>, vector<1x16xf32>,
      %get3A_357 = vector.shape_cast %get3A_356 : vector<1x16xf32> to vector<16xf32>
      %mul3A_358 = arith.constant 16 : i32
      %mul3A_359 = arith.muli %mul3A_358, %scan3A_98 : i32
      %get3A_360 = arith.constant 23 : i32
      %get3A_361 = arith.index_cast %get3A_360 : i32 to index
      %get3A_362 = arith.index_cast %mul3A_359 : i32 to index
      %get3A_363 = tpu.vector_load %arg6[%get3A_361, %get3A_362] {strides = array<i32>} : memref<32x1024xf32, #tpu.memory_space<vmem>>, vector<1x16xf32>,
      %get3A_364 = vector.shape_cast %get3A_363 : vector<1x16xf32> to vector<16xf32>
      %add3A_365 = arith.addf %get3A_357, %get3A_364 : vector<16xf32>
      %mul3A_366 = arith.constant 16 : i32
      %mul3A_367 = arith.muli %mul3A_366, %scan3A_98 : i32
      %swap3A_368 = arith.constant 11 : i32
      %swap3A_369 = arith.index_cast %swap3A_368 : i32 to index
      %swap3A_370 = arith.index_cast %mul3A_367 : i32 to index
      %swap3A_371 = tpu.vector_load %arg7[%swap3A_369, %swap3A_370] {strides = array<i32>} : memref<16x1024xf32, #tpu.memory_space<vmem>>, vector<1x16xf32>,
      %swap3A_372 = vector.shape_cast %swap3A_371 : vector<1x16xf32> to vector<16xf32>
      %swap3A_373 = vector.shape_cast %add3A_365 : vector<16xf32> to vector<1x16xf32>
      tpu.vector_store %arg7[%swap3A_369, %swap3A_370], %swap3A_373 {strides = array<i32>} : memref<16x1024xf32, #tpu.memory_space<vmem>>, vector<1x16xf32>,
      %mul3A_374 = arith.constant 16 : i32
      %mul3A_375 = arith.muli %mul3A_374, %scan3A_98 : i32
      %get3A_376 = arith.constant 24 : i32
      %get3A_377 = arith.index_cast %get3A_376 : i32 to index
      %get3A_378 = arith.index_cast %mul3A_375 : i32 to index
      %get3A_379 = tpu.vector_load %arg6[%get3A_377, %get3A_378] {strides = array<i32>} : memref<32x1024xf32, #tpu.memory_space<vmem>>, vector<1x16xf32>,
      %get3A_380 = vector.shape_cast %get3A_379 : vector<1x16xf32> to vector<16xf32>
      %mul3A_381 = arith.constant 16 : i32
      %mul3A_382 = arith.muli %mul3A_381, %scan3A_98 : i32
      %get3A_383 = arith.constant 25 : i32
      %get3A_384 = arith.index_cast %get3A_383 : i32 to index
      %get3A_385 = arith.index_cast %mul3A_382 : i32 to index
      %get3A_386 = tpu.vector_load %arg6[%get3A_384, %get3A_385] {strides = array<i32>} : memref<32x1024xf32, #tpu.memory_space<vmem>>, vector<1x16xf32>,
      %get3A_387 = vector.shape_cast %get3A_386 : vector<1x16xf32> to vector<16xf32>
      %add3A_388 = arith.addf %get3A_380, %get3A_387 : vector<16xf32>
      %mul3A_389 = arith.constant 16 : i32
      %mul3A_390 = arith.muli %mul3A_389, %scan3A_98 : i32
      %swap3A_391 = arith.constant 12 : i32
      %swap3A_392 = arith.index_cast %swap3A_391 : i32 to index
      %swap3A_393 = arith.index_cast %mul3A_390 : i32 to index
      %swap3A_394 = tpu.vector_load %arg7[%swap3A_392, %swap3A_393] {strides = array<i32>} : memref<16x1024xf32, #tpu.memory_space<vmem>>, vector<1x16xf32>,
      %swap3A_395 = vector.shape_cast %swap3A_394 : vector<1x16xf32> to vector<16xf32>
      %swap3A_396 = vector.shape_cast %add3A_388 : vector<16xf32> to vector<1x16xf32>
      tpu.vector_store %arg7[%swap3A_392, %swap3A_393], %swap3A_396 {strides = array<i32>} : memref<16x1024xf32, #tpu.memory_space<vmem>>, vector<1x16xf32>,
      %mul3A_397 = arith.constant 16 : i32
      %mul3A_398 = arith.muli %mul3A_397, %scan3A_98 : i32
      %get3A_399 = arith.constant 26 : i32
      %get3A_400 = arith.index_cast %get3A_399 : i32 to index
      %get3A_401 = arith.index_cast %mul3A_398 : i32 to index
      %get3A_402 = tpu.vector_load %arg6[%get3A_400, %get3A_401] {strides = array<i32>} : memref<32x1024xf32, #tpu.memory_space<vmem>>, vector<1x16xf32>,
      %get3A_403 = vector.shape_cast %get3A_402 : vector<1x16xf32> to vector<16xf32>
      %mul3A_404 = arith.constant 16 : i32
      %mul3A_405 = arith.muli %mul3A_404, %scan3A_98 : i32
      %get3A_406 = arith.constant 27 : i32
      %get3A_407 = arith.index_cast %get3A_406 : i32 to index
      %get3A_408 = arith.index_cast %mul3A_405 : i32 to index
      %get3A_409 = tpu.vector_load %arg6[%get3A_407, %get3A_408] {strides = array<i32>} : memref<32x1024xf32, #tpu.memory_space<vmem>>, vector<1x16xf32>,
      %get3A_410 = vector.shape_cast %get3A_409 : vector<1x16xf32> to vector<16xf32>
      %add3A_411 = arith.addf %get3A_403, %get3A_410 : vector<16xf32>
      %mul3A_412 = arith.constant 16 : i32
      %mul3A_413 = arith.muli %mul3A_412, %scan3A_98 : i32
      %swap3A_414 = arith.constant 13 : i32
      %swap3A_415 = arith.index_cast %swap3A_414 : i32 to index
      %swap3A_416 = arith.index_cast %mul3A_413 : i32 to index
      %swap3A_417 = tpu.vector_load %arg7[%swap3A_415, %swap3A_416] {strides = array<i32>} : memref<16x1024xf32, #tpu.memory_space<vmem>>, vector<1x16xf32>,
      %swap3A_418 = vector.shape_cast %swap3A_417 : vector<1x16xf32> to vector<16xf32>
      %swap3A_419 = vector.shape_cast %add3A_411 : vector<16xf32> to vector<1x16xf32>
      tpu.vector_store %arg7[%swap3A_415, %swap3A_416], %swap3A_419 {strides = array<i32>} : memref<16x1024xf32, #tpu.memory_space<vmem>>, vector<1x16xf32>,
      %mul3A_420 = arith.constant 16 : i32
      %mul3A_421 = arith.muli %mul3A_420, %scan3A_98 : i32
      %get3A_422 = arith.constant 28 : i32
      %get3A_423 = arith.index_cast %get3A_422 : i32 to index
      %get3A_424 = arith.index_cast %mul3A_421 : i32 to index
      %get3A_425 = tpu.vector_load %arg6[%get3A_423, %get3A_424] {strides = array<i32>} : memref<32x1024xf32, #tpu.memory_space<vmem>>, vector<1x16xf32>,
      %get3A_426 = vector.shape_cast %get3A_425 : vector<1x16xf32> to vector<16xf32>
      %mul3A_427 = arith.constant 16 : i32
      %mul3A_428 = arith.muli %mul3A_427, %scan3A_98 : i32
      %get3A_429 = arith.constant 29 : i32
      %get3A_430 = arith.index_cast %get3A_429 : i32 to index
      %get3A_431 = arith.index_cast %mul3A_428 : i32 to index
      %get3A_432 = tpu.vector_load %arg6[%get3A_430, %get3A_431] {strides = array<i32>} : memref<32x1024xf32, #tpu.memory_space<vmem>>, vector<1x16xf32>,
      %get3A_433 = vector.shape_cast %get3A_432 : vector<1x16xf32> to vector<16xf32>
      %add3A_434 = arith.addf %get3A_426, %get3A_433 : vector<16xf32>
      %mul3A_435 = arith.constant 16 : i32
      %mul3A_436 = arith.muli %mul3A_435, %scan3A_98 : i32
      %swap3A_437 = arith.constant 14 : i32
      %swap3A_438 = arith.index_cast %swap3A_437 : i32 to index
      %swap3A_439 = arith.index_cast %mul3A_436 : i32 to index
      %swap3A_440 = tpu.vector_load %arg7[%swap3A_438, %swap3A_439] {strides = array<i32>} : memref<16x1024xf32, #tpu.memory_space<vmem>>, vector<1x16xf32>,
      %swap3A_441 = vector.shape_cast %swap3A_440 : vector<1x16xf32> to vector<16xf32>
      %swap3A_442 = vector.shape_cast %add3A_434 : vector<16xf32> to vector<1x16xf32>
      tpu.vector_store %arg7[%swap3A_438, %swap3A_439], %swap3A_442 {strides = array<i32>} : memref<16x1024xf32, #tpu.memory_space<vmem>>, vector<1x16xf32>,
      %mul3A_443 = arith.constant 16 : i32
      %mul3A_444 = arith.muli %mul3A_443, %scan3A_98 : i32
      %get3A_445 = arith.constant 30 : i32
      %get3A_446 = arith.index_cast %get3A_445 : i32 to index
      %get3A_447 = arith.index_cast %mul3A_444 : i32 to index
      %get3A_448 = tpu.vector_load %arg6[%get3A_446, %get3A_447] {strides = array<i32>} : memref<32x1024xf32, #tpu.memory_space<vmem>>, vector<1x16xf32>,
      %get3A_449 = vector.shape_cast %get3A_448 : vector<1x16xf32> to vector<16xf32>
      %mul3A_450 = arith.constant 16 : i32
      %mul3A_451 = arith.muli %mul3A_450, %scan3A_98 : i32
      %get3A_452 = arith.constant 31 : i32
      %get3A_453 = arith.index_cast %get3A_452 : i32 to index
      %get3A_454 = arith.index_cast %mul3A_451 : i32 to index
      %get3A_455 = tpu.vector_load %arg6[%get3A_453, %get3A_454] {strides = array<i32>} : memref<32x1024xf32, #tpu.memory_space<vmem>>, vector<1x16xf32>,
      %get3A_456 = vector.shape_cast %get3A_455 : vector<1x16xf32> to vector<16xf32>
      %add3A_457 = arith.addf %get3A_449, %get3A_456 : vector<16xf32>
      %mul3A_458 = arith.constant 16 : i32
      %mul3A_459 = arith.muli %mul3A_458, %scan3A_98 : i32
      %swap3A_460 = arith.constant 15 : i32
      %swap3A_461 = arith.index_cast %swap3A_460 : i32 to index
      %swap3A_462 = arith.index_cast %mul3A_459 : i32 to index
      %swap3A_463 = tpu.vector_load %arg7[%swap3A_461, %swap3A_462] {strides = array<i32>} : memref<16x1024xf32, #tpu.memory_space<vmem>>, vector<1x16xf32>,
      %swap3A_464 = vector.shape_cast %swap3A_463 : vector<1x16xf32> to vector<16xf32>
      %swap3A_465 = vector.shape_cast %add3A_457 : vector<16xf32> to vector<1x16xf32>
      tpu.vector_store %arg7[%swap3A_461, %swap3A_462], %swap3A_465 {strides = array<i32>} : memref<16x1024xf32, #tpu.memory_space<vmem>>, vector<1x16xf32>,
      %scan3A_466 = arith.constant 0 : i32
      scf.yield %scan3A_466 : i32
    }
    %scan3A_43 = arith.constant 64 : i32
    %mul3A_44 = arith.constant 64 : i32
    %mul3A_45 = arith.muli %add3A, %mul3A_44 : i32
    %add3A_46 = arith.constant 16 : i32
    %add3A_47 = arith.addi %mul3A_45, %add3A_46 : i32
    "tpu.region"() ({
      %run_scoped3A = tpu.sem_alloc : memref<!tpu.dma_semaphore, #tpu.memory_space<semaphore_mem>>
      %dma_start3A_98 = arith.constant 0 : i32
      %dma_start3A_99 = tpu.memref_slice %arg4[%add3A_47, %dma_start3A_98] : memref<2048x1024xf32, #tpu.memory_space<hbm>> -> memref<16x1024xf32, #tpu.memory_space<hbm>>
      %dma_start3A_100 = arith.constant 0 : i32
      %dma_start3A_101 = tpu.memref_slice %arg4[%add3A_47, %dma_start3A_100] : memref<2048x1024xf32, #tpu.memory_space<hbm>> -> memref<16x1024xf32, #tpu.memory_space<hbm>>
      tpu.enqueue_dma source(%arg7 : memref<16x1024xf32, #tpu.memory_space<vmem>>) target(%dma_start3A_101 : memref<16x1024xf32, #tpu.memory_space<hbm>>) target_semaphore(%run_scoped3A : memref<!tpu.dma_semaphore, #tpu.memory_space<semaphore_mem>>)
      %dma_wait3A_102 = arith.constant 0 : i32
      %dma_wait3A_103 = tpu.memref_slice %arg4[%add3A_47, %dma_wait3A_102] : memref<2048x1024xf32, #tpu.memory_space<hbm>> -> memref<16x1024xf32, #tpu.memory_space<hbm>>
      %dma_wait3A_104 = arith.constant 0 : i32
      %dma_wait3A_105 = tpu.memref_slice %arg4[%add3A_47, %dma_wait3A_104] : memref<2048x1024xf32, #tpu.memory_space<hbm>> -> memref<16x1024xf32, #tpu.memory_space<hbm>>
      tpu.wait_dma2 semaphore(%run_scoped3A : memref<!tpu.dma_semaphore, #tpu.memory_space<semaphore_mem>>) src(%arg7 : memref<16x1024xf32, #tpu.memory_space<vmem>>) dst(%dma_wait3A_105 : memref<16x1024xf32, #tpu.memory_space<hbm>>)
      tpu.yield
    }) : () -> ()
    %dma_start3A_48 = arith.constant 2 : i32
    %dma_start3A_49 = arith.constant 0 : i32
    %dma_start3A_50 = tpu.memref_slice %arg5[%dma_start3A_48, %dma_start3A_49] : memref<4x32xi32, #tpu.memory_space<vmem>> -> memref<1x32xi32, #tpu.memory_space<vmem>>
    %dma_start3A_51 = tpu.memref_squeeze %dma_start3A_50 : memref<1x32xi32, #tpu.memory_space<vmem>> -> memref<32xi32, #tpu.memory_space<vmem>>
    %dma_start3A_52 = arith.constant 0 : i32
    %dma_start3A_53 = arith.constant 0 : i32
    %dma_start3A_54 = tpu.memref_slice %arg3[%dma_start3A_52, %dma_start3A_53] : memref<12288x1024xf32, #tpu.memory_space<hbm>> -> memref<12288x1024xf32, #tpu.memory_space<hbm>>
    tpu.enqueue_indirect_dma source(%dma_start3A_54 : memref<12288x1024xf32, #tpu.memory_space<hbm>>) target(%arg6 : memref<32x1024xf32, #tpu.memory_space<vmem>>) offsets(%dma_start3A_51 : memref<32xi32, #tpu.memory_space<vmem>>) semaphore(%arg8 : memref<!tpu.dma_semaphore, #tpu.memory_space<semaphore_mem>>)
    %dma_wait3A_55 = arith.constant 2 : i32
    %dma_wait3A_56 = arith.constant 0 : i32
    %dma_wait3A_57 = tpu.memref_slice %arg5[%dma_wait3A_55, %dma_wait3A_56] : memref<4x32xi32, #tpu.memory_space<vmem>> -> memref<1x32xi32, #tpu.memory_space<vmem>>
    %dma_wait3A_58 = tpu.memref_squeeze %dma_wait3A_57 : memref<1x32xi32, #tpu.memory_space<vmem>> -> memref<32xi32, #tpu.memory_space<vmem>>
    %dma_wait3A_59 = arith.constant 0 : i32
    %dma_wait3A_60 = arith.constant 0 : i32
    %dma_wait3A_61 = tpu.memref_slice %arg3[%dma_wait3A_59, %dma_wait3A_60] : memref<12288x1024xf32, #tpu.memory_space<hbm>> -> memref<12288x1024xf32, #tpu.memory_space<hbm>>
    tpu.wait_indirect_dma semaphore(%arg8 : memref<!tpu.dma_semaphore, #tpu.memory_space<semaphore_mem>>) src(%dma_wait3A_61 : memref<12288x1024xf32, #tpu.memory_space<hbm>>) dst(%arg6 : memref<32x1024xf32, #tpu.memory_space<vmem>>)
    %scan3A_62 = arith.constant 0 : i32
    %scan3A_63 = arith.constant 0 : i32
    %scan3A_64 = arith.constant 64 : i32
    %scan3A_65 = arith.addi %scan3A_63, %scan3A_64 : i32
    %scan3A_66 = arith.constant 1 : i32
    %scan3A_67 = scf.for %scan3A_98 = %scan3A_63 to %scan3A_65 step %scan3A_66 iter_args(%scan3A_99 = %scan3A_62) -> (i32)  : i32 {
      %mul3A_100 = arith.constant 16 : i32
      %mul3A_101 = arith.muli %mul3A_100, %scan3A_98 : i32
      %get3A = arith.constant 0 : i32
      %get3A_102 = arith.index_cast %get3A : i32 to index
      %get3A_103 = arith.index_cast %mul3A_101 : i32 to index
      %get3A_104 = tpu.vector_load %arg6[%get3A_102, %get3A_103] {strides = array<i32>} : memref<32x1024xf32, #tpu.memory_space<vmem>>, vector<1x16xf32>,
      %get3A_105 = vector.shape_cast %get3A_104 : vector<1x16xf32> to vector<16xf32>
      %mul3A_106 = arith.constant 16 : i32
      %mul3A_107 = arith.muli %mul3A_106, %scan3A_98 : i32
      %get3A_108 = arith.constant 1 : i32
      %get3A_109 = arith.index_cast %get3A_108 : i32 to index
      %get3A_110 = arith.index_cast %mul3A_107 : i32 to index
      %get3A_111 = tpu.vector_load %arg6[%get3A_109, %get3A_110] {strides = array<i32>} : memref<32x1024xf32, #tpu.memory_space<vmem>>, vector<1x16xf32>,
      %get3A_112 = vector.shape_cast %get3A_111 : vector<1x16xf32> to vector<16xf32>
      %add3A_113 = arith.addf %get3A_105, %get3A_112 : vector<16xf32>
      %mul3A_114 = arith.constant 16 : i32
      %mul3A_115 = arith.muli %mul3A_114, %scan3A_98 : i32
      %swap3A = arith.constant 0 : i32
      %swap3A_116 = arith.index_cast %swap3A : i32 to index
      %swap3A_117 = arith.index_cast %mul3A_115 : i32 to index
      %swap3A_118 = tpu.vector_load %arg7[%swap3A_116, %swap3A_117] {strides = array<i32>} : memref<16x1024xf32, #tpu.memory_space<vmem>>, vector<1x16xf32>,
      %swap3A_119 = vector.shape_cast %swap3A_118 : vector<1x16xf32> to vector<16xf32>
      %swap3A_120 = vector.shape_cast %add3A_113 : vector<16xf32> to vector<1x16xf32>
      tpu.vector_store %arg7[%swap3A_116, %swap3A_117], %swap3A_120 {strides = array<i32>} : memref<16x1024xf32, #tpu.memory_space<vmem>>, vector<1x16xf32>,
      %mul3A_121 = arith.constant 16 : i32
      %mul3A_122 = arith.muli %mul3A_121, %scan3A_98 : i32
      %get3A_123 = arith.constant 2 : i32
      %get3A_124 = arith.index_cast %get3A_123 : i32 to index
      %get3A_125 = arith.index_cast %mul3A_122 : i32 to index
      %get3A_126 = tpu.vector_load %arg6[%get3A_124, %get3A_125] {strides = array<i32>} : memref<32x1024xf32, #tpu.memory_space<vmem>>, vector<1x16xf32>,
      %get3A_127 = vector.shape_cast %get3A_126 : vector<1x16xf32> to vector<16xf32>
      %mul3A_128 = arith.constant 16 : i32
      %mul3A_129 = arith.muli %mul3A_128, %scan3A_98 : i32
      %get3A_130 = arith.constant 3 : i32
      %get3A_131 = arith.index_cast %get3A_130 : i32 to index
      %get3A_132 = arith.index_cast %mul3A_129 : i32 to index
      %get3A_133 = tpu.vector_load %arg6[%get3A_131, %get3A_132] {strides = array<i32>} : memref<32x1024xf32, #tpu.memory_space<vmem>>, vector<1x16xf32>,
      %get3A_134 = vector.shape_cast %get3A_133 : vector<1x16xf32> to vector<16xf32>
      %add3A_135 = arith.addf %get3A_127, %get3A_134 : vector<16xf32>
      %mul3A_136 = arith.constant 16 : i32
      %mul3A_137 = arith.muli %mul3A_136, %scan3A_98 : i32
      %swap3A_138 = arith.constant 1 : i32
      %swap3A_139 = arith.index_cast %swap3A_138 : i32 to index
      %swap3A_140 = arith.index_cast %mul3A_137 : i32 to index
      %swap3A_141 = tpu.vector_load %arg7[%swap3A_139, %swap3A_140] {strides = array<i32>} : memref<16x1024xf32, #tpu.memory_space<vmem>>, vector<1x16xf32>,
      %swap3A_142 = vector.shape_cast %swap3A_141 : vector<1x16xf32> to vector<16xf32>
      %swap3A_143 = vector.shape_cast %add3A_135 : vector<16xf32> to vector<1x16xf32>
      tpu.vector_store %arg7[%swap3A_139, %swap3A_140], %swap3A_143 {strides = array<i32>} : memref<16x1024xf32, #tpu.memory_space<vmem>>, vector<1x16xf32>,
      %mul3A_144 = arith.constant 16 : i32
      %mul3A_145 = arith.muli %mul3A_144, %scan3A_98 : i32
      %get3A_146 = arith.constant 4 : i32
      %get3A_147 = arith.index_cast %get3A_146 : i32 to index
      %get3A_148 = arith.index_cast %mul3A_145 : i32 to index
      %get3A_149 = tpu.vector_load %arg6[%get3A_147, %get3A_148] {strides = array<i32>} : memref<32x1024xf32, #tpu.memory_space<vmem>>, vector<1x16xf32>,
      %get3A_150 = vector.shape_cast %get3A_149 : vector<1x16xf32> to vector<16xf32>
      %mul3A_151 = arith.constant 16 : i32
      %mul3A_152 = arith.muli %mul3A_151, %scan3A_98 : i32
      %get3A_153 = arith.constant 5 : i32
      %get3A_154 = arith.index_cast %get3A_153 : i32 to index
      %get3A_155 = arith.index_cast %mul3A_152 : i32 to index
      %get3A_156 = tpu.vector_load %arg6[%get3A_154, %get3A_155] {strides = array<i32>} : memref<32x1024xf32, #tpu.memory_space<vmem>>, vector<1x16xf32>,
      %get3A_157 = vector.shape_cast %get3A_156 : vector<1x16xf32> to vector<16xf32>
      %add3A_158 = arith.addf %get3A_150, %get3A_157 : vector<16xf32>
      %mul3A_159 = arith.constant 16 : i32
      %mul3A_160 = arith.muli %mul3A_159, %scan3A_98 : i32
      %swap3A_161 = arith.constant 2 : i32
      %swap3A_162 = arith.index_cast %swap3A_161 : i32 to index
      %swap3A_163 = arith.index_cast %mul3A_160 : i32 to index
      %swap3A_164 = tpu.vector_load %arg7[%swap3A_162, %swap3A_163] {strides = array<i32>} : memref<16x1024xf32, #tpu.memory_space<vmem>>, vector<1x16xf32>,
      %swap3A_165 = vector.shape_cast %swap3A_164 : vector<1x16xf32> to vector<16xf32>
      %swap3A_166 = vector.shape_cast %add3A_158 : vector<16xf32> to vector<1x16xf32>
      tpu.vector_store %arg7[%swap3A_162, %swap3A_163], %swap3A_166 {strides = array<i32>} : memref<16x1024xf32, #tpu.memory_space<vmem>>, vector<1x16xf32>,
      %mul3A_167 = arith.constant 16 : i32
      %mul3A_168 = arith.muli %mul3A_167, %scan3A_98 : i32
      %get3A_169 = arith.constant 6 : i32
      %get3A_170 = arith.index_cast %get3A_169 : i32 to index
      %get3A_171 = arith.index_cast %mul3A_168 : i32 to index
      %get3A_172 = tpu.vector_load %arg6[%get3A_170, %get3A_171] {strides = array<i32>} : memref<32x1024xf32, #tpu.memory_space<vmem>>, vector<1x16xf32>,
      %get3A_173 = vector.shape_cast %get3A_172 : vector<1x16xf32> to vector<16xf32>
      %mul3A_174 = arith.constant 16 : i32
      %mul3A_175 = arith.muli %mul3A_174, %scan3A_98 : i32
      %get3A_176 = arith.constant 7 : i32
      %get3A_177 = arith.index_cast %get3A_176 : i32 to index
      %get3A_178 = arith.index_cast %mul3A_175 : i32 to index
      %get3A_179 = tpu.vector_load %arg6[%get3A_177, %get3A_178] {strides = array<i32>} : memref<32x1024xf32, #tpu.memory_space<vmem>>, vector<1x16xf32>,
      %get3A_180 = vector.shape_cast %get3A_179 : vector<1x16xf32> to vector<16xf32>
      %add3A_181 = arith.addf %get3A_173, %get3A_180 : vector<16xf32>
      %mul3A_182 = arith.constant 16 : i32
      %mul3A_183 = arith.muli %mul3A_182, %scan3A_98 : i32
      %swap3A_184 = arith.constant 3 : i32
      %swap3A_185 = arith.index_cast %swap3A_184 : i32 to index
      %swap3A_186 = arith.index_cast %mul3A_183 : i32 to index
      %swap3A_187 = tpu.vector_load %arg7[%swap3A_185, %swap3A_186] {strides = array<i32>} : memref<16x1024xf32, #tpu.memory_space<vmem>>, vector<1x16xf32>,
      %swap3A_188 = vector.shape_cast %swap3A_187 : vector<1x16xf32> to vector<16xf32>
      %swap3A_189 = vector.shape_cast %add3A_181 : vector<16xf32> to vector<1x16xf32>
      tpu.vector_store %arg7[%swap3A_185, %swap3A_186], %swap3A_189 {strides = array<i32>} : memref<16x1024xf32, #tpu.memory_space<vmem>>, vector<1x16xf32>,
      %mul3A_190 = arith.constant 16 : i32
      %mul3A_191 = arith.muli %mul3A_190, %scan3A_98 : i32
      %get3A_192 = arith.constant 8 : i32
      %get3A_193 = arith.index_cast %get3A_192 : i32 to index
      %get3A_194 = arith.index_cast %mul3A_191 : i32 to index
      %get3A_195 = tpu.vector_load %arg6[%get3A_193, %get3A_194] {strides = array<i32>} : memref<32x1024xf32, #tpu.memory_space<vmem>>, vector<1x16xf32>,
      %get3A_196 = vector.shape_cast %get3A_195 : vector<1x16xf32> to vector<16xf32>
      %mul3A_197 = arith.constant 16 : i32
      %mul3A_198 = arith.muli %mul3A_197, %scan3A_98 : i32
      %get3A_199 = arith.constant 9 : i32
      %get3A_200 = arith.index_cast %get3A_199 : i32 to index
      %get3A_201 = arith.index_cast %mul3A_198 : i32 to index
      %get3A_202 = tpu.vector_load %arg6[%get3A_200, %get3A_201] {strides = array<i32>} : memref<32x1024xf32, #tpu.memory_space<vmem>>, vector<1x16xf32>,
      %get3A_203 = vector.shape_cast %get3A_202 : vector<1x16xf32> to vector<16xf32>
      %add3A_204 = arith.addf %get3A_196, %get3A_203 : vector<16xf32>
      %mul3A_205 = arith.constant 16 : i32
      %mul3A_206 = arith.muli %mul3A_205, %scan3A_98 : i32
      %swap3A_207 = arith.constant 4 : i32
      %swap3A_208 = arith.index_cast %swap3A_207 : i32 to index
      %swap3A_209 = arith.index_cast %mul3A_206 : i32 to index
      %swap3A_210 = tpu.vector_load %arg7[%swap3A_208, %swap3A_209] {strides = array<i32>} : memref<16x1024xf32, #tpu.memory_space<vmem>>, vector<1x16xf32>,
      %swap3A_211 = vector.shape_cast %swap3A_210 : vector<1x16xf32> to vector<16xf32>
      %swap3A_212 = vector.shape_cast %add3A_204 : vector<16xf32> to vector<1x16xf32>
      tpu.vector_store %arg7[%swap3A_208, %swap3A_209], %swap3A_212 {strides = array<i32>} : memref<16x1024xf32, #tpu.memory_space<vmem>>, vector<1x16xf32>,
      %mul3A_213 = arith.constant 16 : i32
      %mul3A_214 = arith.muli %mul3A_213, %scan3A_98 : i32
      %get3A_215 = arith.constant 10 : i32
      %get3A_216 = arith.index_cast %get3A_215 : i32 to index
      %get3A_217 = arith.index_cast %mul3A_214 : i32 to index
      %get3A_218 = tpu.vector_load %arg6[%get3A_216, %get3A_217] {strides = array<i32>} : memref<32x1024xf32, #tpu.memory_space<vmem>>, vector<1x16xf32>,
      %get3A_219 = vector.shape_cast %get3A_218 : vector<1x16xf32> to vector<16xf32>
      %mul3A_220 = arith.constant 16 : i32
      %mul3A_221 = arith.muli %mul3A_220, %scan3A_98 : i32
      %get3A_222 = arith.constant 11 : i32
      %get3A_223 = arith.index_cast %get3A_222 : i32 to index
      %get3A_224 = arith.index_cast %mul3A_221 : i32 to index
      %get3A_225 = tpu.vector_load %arg6[%get3A_223, %get3A_224] {strides = array<i32>} : memref<32x1024xf32, #tpu.memory_space<vmem>>, vector<1x16xf32>,
      %get3A_226 = vector.shape_cast %get3A_225 : vector<1x16xf32> to vector<16xf32>
      %add3A_227 = arith.addf %get3A_219, %get3A_226 : vector<16xf32>
      %mul3A_228 = arith.constant 16 : i32
      %mul3A_229 = arith.muli %mul3A_228, %scan3A_98 : i32
      %swap3A_230 = arith.constant 5 : i32
      %swap3A_231 = arith.index_cast %swap3A_230 : i32 to index
      %swap3A_232 = arith.index_cast %mul3A_229 : i32 to index
      %swap3A_233 = tpu.vector_load %arg7[%swap3A_231, %swap3A_232] {strides = array<i32>} : memref<16x1024xf32, #tpu.memory_space<vmem>>, vector<1x16xf32>,
      %swap3A_234 = vector.shape_cast %swap3A_233 : vector<1x16xf32> to vector<16xf32>
      %swap3A_235 = vector.shape_cast %add3A_227 : vector<16xf32> to vector<1x16xf32>
      tpu.vector_store %arg7[%swap3A_231, %swap3A_232], %swap3A_235 {strides = array<i32>} : memref<16x1024xf32, #tpu.memory_space<vmem>>, vector<1x16xf32>,
      %mul3A_236 = arith.constant 16 : i32
      %mul3A_237 = arith.muli %mul3A_236, %scan3A_98 : i32
      %get3A_238 = arith.constant 12 : i32
      %get3A_239 = arith.index_cast %get3A_238 : i32 to index
      %get3A_240 = arith.index_cast %mul3A_237 : i32 to index
      %get3A_241 = tpu.vector_load %arg6[%get3A_239, %get3A_240] {strides = array<i32>} : memref<32x1024xf32, #tpu.memory_space<vmem>>, vector<1x16xf32>,
      %get3A_242 = vector.shape_cast %get3A_241 : vector<1x16xf32> to vector<16xf32>
      %mul3A_243 = arith.constant 16 : i32
      %mul3A_244 = arith.muli %mul3A_243, %scan3A_98 : i32
      %get3A_245 = arith.constant 13 : i32
      %get3A_246 = arith.index_cast %get3A_245 : i32 to index
      %get3A_247 = arith.index_cast %mul3A_244 : i32 to index
      %get3A_248 = tpu.vector_load %arg6[%get3A_246, %get3A_247] {strides = array<i32>} : memref<32x1024xf32, #tpu.memory_space<vmem>>, vector<1x16xf32>,
      %get3A_249 = vector.shape_cast %get3A_248 : vector<1x16xf32> to vector<16xf32>
      %add3A_250 = arith.addf %get3A_242, %get3A_249 : vector<16xf32>
      %mul3A_251 = arith.constant 16 : i32
      %mul3A_252 = arith.muli %mul3A_251, %scan3A_98 : i32
      %swap3A_253 = arith.constant 6 : i32
      %swap3A_254 = arith.index_cast %swap3A_253 : i32 to index
      %swap3A_255 = arith.index_cast %mul3A_252 : i32 to index
      %swap3A_256 = tpu.vector_load %arg7[%swap3A_254, %swap3A_255] {strides = array<i32>} : memref<16x1024xf32, #tpu.memory_space<vmem>>, vector<1x16xf32>,
      %swap3A_257 = vector.shape_cast %swap3A_256 : vector<1x16xf32> to vector<16xf32>
      %swap3A_258 = vector.shape_cast %add3A_250 : vector<16xf32> to vector<1x16xf32>
      tpu.vector_store %arg7[%swap3A_254, %swap3A_255], %swap3A_258 {strides = array<i32>} : memref<16x1024xf32, #tpu.memory_space<vmem>>, vector<1x16xf32>,
      %mul3A_259 = arith.constant 16 : i32
      %mul3A_260 = arith.muli %mul3A_259, %scan3A_98 : i32
      %get3A_261 = arith.constant 14 : i32
      %get3A_262 = arith.index_cast %get3A_261 : i32 to index
      %get3A_263 = arith.index_cast %mul3A_260 : i32 to index
      %get3A_264 = tpu.vector_load %arg6[%get3A_262, %get3A_263] {strides = array<i32>} : memref<32x1024xf32, #tpu.memory_space<vmem>>, vector<1x16xf32>,
      %get3A_265 = vector.shape_cast %get3A_264 : vector<1x16xf32> to vector<16xf32>
      %mul3A_266 = arith.constant 16 : i32
      %mul3A_267 = arith.muli %mul3A_266, %scan3A_98 : i32
      %get3A_268 = arith.constant 15 : i32
      %get3A_269 = arith.index_cast %get3A_268 : i32 to index
      %get3A_270 = arith.index_cast %mul3A_267 : i32 to index
      %get3A_271 = tpu.vector_load %arg6[%get3A_269, %get3A_270] {strides = array<i32>} : memref<32x1024xf32, #tpu.memory_space<vmem>>, vector<1x16xf32>,
      %get3A_272 = vector.shape_cast %get3A_271 : vector<1x16xf32> to vector<16xf32>
      %add3A_273 = arith.addf %get3A_265, %get3A_272 : vector<16xf32>
      %mul3A_274 = arith.constant 16 : i32
      %mul3A_275 = arith.muli %mul3A_274, %scan3A_98 : i32
      %swap3A_276 = arith.constant 7 : i32
      %swap3A_277 = arith.index_cast %swap3A_276 : i32 to index
      %swap3A_278 = arith.index_cast %mul3A_275 : i32 to index
      %swap3A_279 = tpu.vector_load %arg7[%swap3A_277, %swap3A_278] {strides = array<i32>} : memref<16x1024xf32, #tpu.memory_space<vmem>>, vector<1x16xf32>,
      %swap3A_280 = vector.shape_cast %swap3A_279 : vector<1x16xf32> to vector<16xf32>
      %swap3A_281 = vector.shape_cast %add3A_273 : vector<16xf32> to vector<1x16xf32>
      tpu.vector_store %arg7[%swap3A_277, %swap3A_278], %swap3A_281 {strides = array<i32>} : memref<16x1024xf32, #tpu.memory_space<vmem>>, vector<1x16xf32>,
      %mul3A_282 = arith.constant 16 : i32
      %mul3A_283 = arith.muli %mul3A_282, %scan3A_98 : i32
      %get3A_284 = arith.constant 16 : i32
      %get3A_285 = arith.index_cast %get3A_284 : i32 to index
      %get3A_286 = arith.index_cast %mul3A_283 : i32 to index
      %get3A_287 = tpu.vector_load %arg6[%get3A_285, %get3A_286] {strides = array<i32>} : memref<32x1024xf32, #tpu.memory_space<vmem>>, vector<1x16xf32>,
      %get3A_288 = vector.shape_cast %get3A_287 : vector<1x16xf32> to vector<16xf32>
      %mul3A_289 = arith.constant 16 : i32
      %mul3A_290 = arith.muli %mul3A_289, %scan3A_98 : i32
      %get3A_291 = arith.constant 17 : i32
      %get3A_292 = arith.index_cast %get3A_291 : i32 to index
      %get3A_293 = arith.index_cast %mul3A_290 : i32 to index
      %get3A_294 = tpu.vector_load %arg6[%get3A_292, %get3A_293] {strides = array<i32>} : memref<32x1024xf32, #tpu.memory_space<vmem>>, vector<1x16xf32>,
      %get3A_295 = vector.shape_cast %get3A_294 : vector<1x16xf32> to vector<16xf32>
      %add3A_296 = arith.addf %get3A_288, %get3A_295 : vector<16xf32>
      %mul3A_297 = arith.constant 16 : i32
      %mul3A_298 = arith.muli %mul3A_297, %scan3A_98 : i32
      %swap3A_299 = arith.constant 8 : i32
      %swap3A_300 = arith.index_cast %swap3A_299 : i32 to index
      %swap3A_301 = arith.index_cast %mul3A_298 : i32 to index
      %swap3A_302 = tpu.vector_load %arg7[%swap3A_300, %swap3A_301] {strides = array<i32>} : memref<16x1024xf32, #tpu.memory_space<vmem>>, vector<1x16xf32>,
      %swap3A_303 = vector.shape_cast %swap3A_302 : vector<1x16xf32> to vector<16xf32>
      %swap3A_304 = vector.shape_cast %add3A_296 : vector<16xf32> to vector<1x16xf32>
      tpu.vector_store %arg7[%swap3A_300, %swap3A_301], %swap3A_304 {strides = array<i32>} : memref<16x1024xf32, #tpu.memory_space<vmem>>, vector<1x16xf32>,
      %mul3A_305 = arith.constant 16 : i32
      %mul3A_306 = arith.muli %mul3A_305, %scan3A_98 : i32
      %get3A_307 = arith.constant 18 : i32
      %get3A_308 = arith.index_cast %get3A_307 : i32 to index
      %get3A_309 = arith.index_cast %mul3A_306 : i32 to index
      %get3A_310 = tpu.vector_load %arg6[%get3A_308, %get3A_309] {strides = array<i32>} : memref<32x1024xf32, #tpu.memory_space<vmem>>, vector<1x16xf32>,
      %get3A_311 = vector.shape_cast %get3A_310 : vector<1x16xf32> to vector<16xf32>
      %mul3A_312 = arith.constant 16 : i32
      %mul3A_313 = arith.muli %mul3A_312, %scan3A_98 : i32
      %get3A_314 = arith.constant 19 : i32
      %get3A_315 = arith.index_cast %get3A_314 : i32 to index
      %get3A_316 = arith.index_cast %mul3A_313 : i32 to index
      %get3A_317 = tpu.vector_load %arg6[%get3A_315, %get3A_316] {strides = array<i32>} : memref<32x1024xf32, #tpu.memory_space<vmem>>, vector<1x16xf32>,
      %get3A_318 = vector.shape_cast %get3A_317 : vector<1x16xf32> to vector<16xf32>
      %add3A_319 = arith.addf %get3A_311, %get3A_318 : vector<16xf32>
      %mul3A_320 = arith.constant 16 : i32
      %mul3A_321 = arith.muli %mul3A_320, %scan3A_98 : i32
      %swap3A_322 = arith.constant 9 : i32
      %swap3A_323 = arith.index_cast %swap3A_322 : i32 to index
      %swap3A_324 = arith.index_cast %mul3A_321 : i32 to index
      %swap3A_325 = tpu.vector_load %arg7[%swap3A_323, %swap3A_324] {strides = array<i32>} : memref<16x1024xf32, #tpu.memory_space<vmem>>, vector<1x16xf32>,
      %swap3A_326 = vector.shape_cast %swap3A_325 : vector<1x16xf32> to vector<16xf32>
      %swap3A_327 = vector.shape_cast %add3A_319 : vector<16xf32> to vector<1x16xf32>
      tpu.vector_store %arg7[%swap3A_323, %swap3A_324], %swap3A_327 {strides = array<i32>} : memref<16x1024xf32, #tpu.memory_space<vmem>>, vector<1x16xf32>,
      %mul3A_328 = arith.constant 16 : i32
      %mul3A_329 = arith.muli %mul3A_328, %scan3A_98 : i32
      %get3A_330 = arith.constant 20 : i32
      %get3A_331 = arith.index_cast %get3A_330 : i32 to index
      %get3A_332 = arith.index_cast %mul3A_329 : i32 to index
      %get3A_333 = tpu.vector_load %arg6[%get3A_331, %get3A_332] {strides = array<i32>} : memref<32x1024xf32, #tpu.memory_space<vmem>>, vector<1x16xf32>,
      %get3A_334 = vector.shape_cast %get3A_333 : vector<1x16xf32> to vector<16xf32>
      %mul3A_335 = arith.constant 16 : i32
      %mul3A_336 = arith.muli %mul3A_335, %scan3A_98 : i32
      %get3A_337 = arith.constant 21 : i32
      %get3A_338 = arith.index_cast %get3A_337 : i32 to index
      %get3A_339 = arith.index_cast %mul3A_336 : i32 to index
      %get3A_340 = tpu.vector_load %arg6[%get3A_338, %get3A_339] {strides = array<i32>} : memref<32x1024xf32, #tpu.memory_space<vmem>>, vector<1x16xf32>,
      %get3A_341 = vector.shape_cast %get3A_340 : vector<1x16xf32> to vector<16xf32>
      %add3A_342 = arith.addf %get3A_334, %get3A_341 : vector<16xf32>
      %mul3A_343 = arith.constant 16 : i32
      %mul3A_344 = arith.muli %mul3A_343, %scan3A_98 : i32
      %swap3A_345 = arith.constant 10 : i32
      %swap3A_346 = arith.index_cast %swap3A_345 : i32 to index
      %swap3A_347 = arith.index_cast %mul3A_344 : i32 to index
      %swap3A_348 = tpu.vector_load %arg7[%swap3A_346, %swap3A_347] {strides = array<i32>} : memref<16x1024xf32, #tpu.memory_space<vmem>>, vector<1x16xf32>,
      %swap3A_349 = vector.shape_cast %swap3A_348 : vector<1x16xf32> to vector<16xf32>
      %swap3A_350 = vector.shape_cast %add3A_342 : vector<16xf32> to vector<1x16xf32>
      tpu.vector_store %arg7[%swap3A_346, %swap3A_347], %swap3A_350 {strides = array<i32>} : memref<16x1024xf32, #tpu.memory_space<vmem>>, vector<1x16xf32>,
      %mul3A_351 = arith.constant 16 : i32
      %mul3A_352 = arith.muli %mul3A_351, %scan3A_98 : i32
      %get3A_353 = arith.constant 22 : i32
      %get3A_354 = arith.index_cast %get3A_353 : i32 to index
      %get3A_355 = arith.index_cast %mul3A_352 : i32 to index
      %get3A_356 = tpu.vector_load %arg6[%get3A_354, %get3A_355] {strides = array<i32>} : memref<32x1024xf32, #tpu.memory_space<vmem>>, vector<1x16xf32>,
      %get3A_357 = vector.shape_cast %get3A_356 : vector<1x16xf32> to vector<16xf32>
      %mul3A_358 = arith.constant 16 : i32
      %mul3A_359 = arith.muli %mul3A_358, %scan3A_98 : i32
      %get3A_360 = arith.constant 23 : i32
      %get3A_361 = arith.index_cast %get3A_360 : i32 to index
      %get3A_362 = arith.index_cast %mul3A_359 : i32 to index
      %get3A_363 = tpu.vector_load %arg6[%get3A_361, %get3A_362] {strides = array<i32>} : memref<32x1024xf32, #tpu.memory_space<vmem>>, vector<1x16xf32>,
      %get3A_364 = vector.shape_cast %get3A_363 : vector<1x16xf32> to vector<16xf32>
      %add3A_365 = arith.addf %get3A_357, %get3A_364 : vector<16xf32>
      %mul3A_366 = arith.constant 16 : i32
      %mul3A_367 = arith.muli %mul3A_366, %scan3A_98 : i32
      %swap3A_368 = arith.constant 11 : i32
      %swap3A_369 = arith.index_cast %swap3A_368 : i32 to index
      %swap3A_370 = arith.index_cast %mul3A_367 : i32 to index
      %swap3A_371 = tpu.vector_load %arg7[%swap3A_369, %swap3A_370] {strides = array<i32>} : memref<16x1024xf32, #tpu.memory_space<vmem>>, vector<1x16xf32>,
      %swap3A_372 = vector.shape_cast %swap3A_371 : vector<1x16xf32> to vector<16xf32>
      %swap3A_373 = vector.shape_cast %add3A_365 : vector<16xf32> to vector<1x16xf32>
      tpu.vector_store %arg7[%swap3A_369, %swap3A_370], %swap3A_373 {strides = array<i32>} : memref<16x1024xf32, #tpu.memory_space<vmem>>, vector<1x16xf32>,
      %mul3A_374 = arith.constant 16 : i32
      %mul3A_375 = arith.muli %mul3A_374, %scan3A_98 : i32
      %get3A_376 = arith.constant 24 : i32
      %get3A_377 = arith.index_cast %get3A_376 : i32 to index
      %get3A_378 = arith.index_cast %mul3A_375 : i32 to index
      %get3A_379 = tpu.vector_load %arg6[%get3A_377, %get3A_378] {strides = array<i32>} : memref<32x1024xf32, #tpu.memory_space<vmem>>, vector<1x16xf32>,
      %get3A_380 = vector.shape_cast %get3A_379 : vector<1x16xf32> to vector<16xf32>
      %mul3A_381 = arith.constant 16 : i32
      %mul3A_382 = arith.muli %mul3A_381, %scan3A_98 : i32
      %get3A_383 = arith.constant 25 : i32
      %get3A_384 = arith.index_cast %get3A_383 : i32 to index
      %get3A_385 = arith.index_cast %mul3A_382 : i32 to index
      %get3A_386 = tpu.vector_load %arg6[%get3A_384, %get3A_385] {strides = array<i32>} : memref<32x1024xf32, #tpu.memory_space<vmem>>, vector<1x16xf32>,
      %get3A_387 = vector.shape_cast %get3A_386 : vector<1x16xf32> to vector<16xf32>
      %add3A_388 = arith.addf %get3A_380, %get3A_387 : vector<16xf32>
      %mul3A_389 = arith.constant 16 : i32
      %mul3A_390 = arith.muli %mul3A_389, %scan3A_98 : i32
      %swap3A_391 = arith.constant 12 : i32
      %swap3A_392 = arith.index_cast %swap3A_391 : i32 to index
      %swap3A_393 = arith.index_cast %mul3A_390 : i32 to index
      %swap3A_394 = tpu.vector_load %arg7[%swap3A_392, %swap3A_393] {strides = array<i32>} : memref<16x1024xf32, #tpu.memory_space<vmem>>, vector<1x16xf32>,
      %swap3A_395 = vector.shape_cast %swap3A_394 : vector<1x16xf32> to vector<16xf32>
      %swap3A_396 = vector.shape_cast %add3A_388 : vector<16xf32> to vector<1x16xf32>
      tpu.vector_store %arg7[%swap3A_392, %swap3A_393], %swap3A_396 {strides = array<i32>} : memref<16x1024xf32, #tpu.memory_space<vmem>>, vector<1x16xf32>,
      %mul3A_397 = arith.constant 16 : i32
      %mul3A_398 = arith.muli %mul3A_397, %scan3A_98 : i32
      %get3A_399 = arith.constant 26 : i32
      %get3A_400 = arith.index_cast %get3A_399 : i32 to index
      %get3A_401 = arith.index_cast %mul3A_398 : i32 to index
      %get3A_402 = tpu.vector_load %arg6[%get3A_400, %get3A_401] {strides = array<i32>} : memref<32x1024xf32, #tpu.memory_space<vmem>>, vector<1x16xf32>,
      %get3A_403 = vector.shape_cast %get3A_402 : vector<1x16xf32> to vector<16xf32>
      %mul3A_404 = arith.constant 16 : i32
      %mul3A_405 = arith.muli %mul3A_404, %scan3A_98 : i32
      %get3A_406 = arith.constant 27 : i32
      %get3A_407 = arith.index_cast %get3A_406 : i32 to index
      %get3A_408 = arith.index_cast %mul3A_405 : i32 to index
      %get3A_409 = tpu.vector_load %arg6[%get3A_407, %get3A_408] {strides = array<i32>} : memref<32x1024xf32, #tpu.memory_space<vmem>>, vector<1x16xf32>,
      %get3A_410 = vector.shape_cast %get3A_409 : vector<1x16xf32> to vector<16xf32>
      %add3A_411 = arith.addf %get3A_403, %get3A_410 : vector<16xf32>
      %mul3A_412 = arith.constant 16 : i32
      %mul3A_413 = arith.muli %mul3A_412, %scan3A_98 : i32
      %swap3A_414 = arith.constant 13 : i32
      %swap3A_415 = arith.index_cast %swap3A_414 : i32 to index
      %swap3A_416 = arith.index_cast %mul3A_413 : i32 to index
      %swap3A_417 = tpu.vector_load %arg7[%swap3A_415, %swap3A_416] {strides = array<i32>} : memref<16x1024xf32, #tpu.memory_space<vmem>>, vector<1x16xf32>,
      %swap3A_418 = vector.shape_cast %swap3A_417 : vector<1x16xf32> to vector<16xf32>
      %swap3A_419 = vector.shape_cast %add3A_411 : vector<16xf32> to vector<1x16xf32>
      tpu.vector_store %arg7[%swap3A_415, %swap3A_416], %swap3A_419 {strides = array<i32>} : memref<16x1024xf32, #tpu.memory_space<vmem>>, vector<1x16xf32>,
      %mul3A_420 = arith.constant 16 : i32
      %mul3A_421 = arith.muli %mul3A_420, %scan3A_98 : i32
      %get3A_422 = arith.constant 28 : i32
      %get3A_423 = arith.index_cast %get3A_422 : i32 to index
      %get3A_424 = arith.index_cast %mul3A_421 : i32 to index
      %get3A_425 = tpu.vector_load %arg6[%get3A_423, %get3A_424] {strides = array<i32>} : memref<32x1024xf32, #tpu.memory_space<vmem>>, vector<1x16xf32>,
      %get3A_426 = vector.shape_cast %get3A_425 : vector<1x16xf32> to vector<16xf32>
      %mul3A_427 = arith.constant 16 : i32
      %mul3A_428 = arith.muli %mul3A_427, %scan3A_98 : i32
      %get3A_429 = arith.constant 29 : i32
      %get3A_430 = arith.index_cast %get3A_429 : i32 to index
      %get3A_431 = arith.index_cast %mul3A_428 : i32 to index
      %get3A_432 = tpu.vector_load %arg6[%get3A_430, %get3A_431] {strides = array<i32>} : memref<32x1024xf32, #tpu.memory_space<vmem>>, vector<1x16xf32>,
      %get3A_433 = vector.shape_cast %get3A_432 : vector<1x16xf32> to vector<16xf32>
      %add3A_434 = arith.addf %get3A_426, %get3A_433 : vector<16xf32>
      %mul3A_435 = arith.constant 16 : i32
      %mul3A_436 = arith.muli %mul3A_435, %scan3A_98 : i32
      %swap3A_437 = arith.constant 14 : i32
      %swap3A_438 = arith.index_cast %swap3A_437 : i32 to index
      %swap3A_439 = arith.index_cast %mul3A_436 : i32 to index
      %swap3A_440 = tpu.vector_load %arg7[%swap3A_438, %swap3A_439] {strides = array<i32>} : memref<16x1024xf32, #tpu.memory_space<vmem>>, vector<1x16xf32>,
      %swap3A_441 = vector.shape_cast %swap3A_440 : vector<1x16xf32> to vector<16xf32>
      %swap3A_442 = vector.shape_cast %add3A_434 : vector<16xf32> to vector<1x16xf32>
      tpu.vector_store %arg7[%swap3A_438, %swap3A_439], %swap3A_442 {strides = array<i32>} : memref<16x1024xf32, #tpu.memory_space<vmem>>, vector<1x16xf32>,
      %mul3A_443 = arith.constant 16 : i32
      %mul3A_444 = arith.muli %mul3A_443, %scan3A_98 : i32
      %get3A_445 = arith.constant 30 : i32
      %get3A_446 = arith.index_cast %get3A_445 : i32 to index
      %get3A_447 = arith.index_cast %mul3A_444 : i32 to index
      %get3A_448 = tpu.vector_load %arg6[%get3A_446, %get3A_447] {strides = array<i32>} : memref<32x1024xf32, #tpu.memory_space<vmem>>, vector<1x16xf32>,
      %get3A_449 = vector.shape_cast %get3A_448 : vector<1x16xf32> to vector<16xf32>
      %mul3A_450 = arith.constant 16 : i32
      %mul3A_451 = arith.muli %mul3A_450, %scan3A_98 : i32
      %get3A_452 = arith.constant 31 : i32
      %get3A_453 = arith.index_cast %get3A_452 : i32 to index
      %get3A_454 = arith.index_cast %mul3A_451 : i32 to index
      %get3A_455 = tpu.vector_load %arg6[%get3A_453, %get3A_454] {strides = array<i32>} : memref<32x1024xf32, #tpu.memory_space<vmem>>, vector<1x16xf32>,
      %get3A_456 = vector.shape_cast %get3A_455 : vector<1x16xf32> to vector<16xf32>
      %add3A_457 = arith.addf %get3A_449, %get3A_456 : vector<16xf32>
      %mul3A_458 = arith.constant 16 : i32
      %mul3A_459 = arith.muli %mul3A_458, %scan3A_98 : i32
      %swap3A_460 = arith.constant 15 : i32
      %swap3A_461 = arith.index_cast %swap3A_460 : i32 to index
      %swap3A_462 = arith.index_cast %mul3A_459 : i32 to index
      %swap3A_463 = tpu.vector_load %arg7[%swap3A_461, %swap3A_462] {strides = array<i32>} : memref<16x1024xf32, #tpu.memory_space<vmem>>, vector<1x16xf32>,
      %swap3A_464 = vector.shape_cast %swap3A_463 : vector<1x16xf32> to vector<16xf32>
      %swap3A_465 = vector.shape_cast %add3A_457 : vector<16xf32> to vector<1x16xf32>
      tpu.vector_store %arg7[%swap3A_461, %swap3A_462], %swap3A_465 {strides = array<i32>} : memref<16x1024xf32, #tpu.memory_space<vmem>>, vector<1x16xf32>,
      %scan3A_466 = arith.constant 0 : i32
      scf.yield %scan3A_466 : i32
    }
    %scan3A_68 = arith.constant 64 : i32
    %mul3A_69 = arith.constant 64 : i32
    %mul3A_70 = arith.muli %add3A, %mul3A_69 : i32
    %add3A_71 = arith.constant 32 : i32
    %add3A_72 = arith.addi %mul3A_70, %add3A_71 : i32
    "tpu.region"() ({
      %run_scoped3A = tpu.sem_alloc : memref<!tpu.dma_semaphore, #tpu.memory_space<semaphore_mem>>
      %dma_start3A_98 = arith.constant 0 : i32
      %dma_start3A_99 = tpu.memref_slice %arg4[%add3A_72, %dma_start3A_98] : memref<2048x1024xf32, #tpu.memory_space<hbm>> -> memref<16x1024xf32, #tpu.memory_space<hbm>>
      %dma_start3A_100 = arith.constant 0 : i32
      %dma_start3A_101 = tpu.memref_slice %arg4[%add3A_72, %dma_start3A_100] : memref<2048x1024xf32, #tpu.memory_space<hbm>> -> memref<16x1024xf32, #tpu.memory_space<hbm>>
      tpu.enqueue_dma source(%arg7 : memref<16x1024xf32, #tpu.memory_space<vmem>>) target(%dma_start3A_101 : memref<16x1024xf32, #tpu.memory_space<hbm>>) target_semaphore(%run_scoped3A : memref<!tpu.dma_semaphore, #tpu.memory_space<semaphore_mem>>)
      %dma_wait3A_102 = arith.constant 0 : i32
      %dma_wait3A_103 = tpu.memref_slice %arg4[%add3A_72, %dma_wait3A_102] : memref<2048x1024xf32, #tpu.memory_space<hbm>> -> memref<16x1024xf32, #tpu.memory_space<hbm>>
      %dma_wait3A_104 = arith.constant 0 : i32
      %dma_wait3A_105 = tpu.memref_slice %arg4[%add3A_72, %dma_wait3A_104] : memref<2048x1024xf32, #tpu.memory_space<hbm>> -> memref<16x1024xf32, #tpu.memory_space<hbm>>
      tpu.wait_dma2 semaphore(%run_scoped3A : memref<!tpu.dma_semaphore, #tpu.memory_space<semaphore_mem>>) src(%arg7 : memref<16x1024xf32, #tpu.memory_space<vmem>>) dst(%dma_wait3A_105 : memref<16x1024xf32, #tpu.memory_space<hbm>>)
      tpu.yield
    }) : () -> ()
    %dma_start3A_73 = arith.constant 3 : i32
    %dma_start3A_74 = arith.constant 0 : i32
    %dma_start3A_75 = tpu.memref_slice %arg5[%dma_start3A_73, %dma_start3A_74] : memref<4x32xi32, #tpu.memory_space<vmem>> -> memref<1x32xi32, #tpu.memory_space<vmem>>
    %dma_start3A_76 = tpu.memref_squeeze %dma_start3A_75 : memref<1x32xi32, #tpu.memory_space<vmem>> -> memref<32xi32, #tpu.memory_space<vmem>>
    %dma_start3A_77 = arith.constant 0 : i32
    %dma_start3A_78 = arith.constant 0 : i32
    %dma_start3A_79 = tpu.memref_slice %arg3[%dma_start3A_77, %dma_start3A_78] : memref<12288x1024xf32, #tpu.memory_space<hbm>> -> memref<12288x1024xf32, #tpu.memory_space<hbm>>
    tpu.enqueue_indirect_dma source(%dma_start3A_79 : memref<12288x1024xf32, #tpu.memory_space<hbm>>) target(%arg6 : memref<32x1024xf32, #tpu.memory_space<vmem>>) offsets(%dma_start3A_76 : memref<32xi32, #tpu.memory_space<vmem>>) semaphore(%arg8 : memref<!tpu.dma_semaphore, #tpu.memory_space<semaphore_mem>>)
    %dma_wait3A_80 = arith.constant 3 : i32
    %dma_wait3A_81 = arith.constant 0 : i32
    %dma_wait3A_82 = tpu.memref_slice %arg5[%dma_wait3A_80, %dma_wait3A_81] : memref<4x32xi32, #tpu.memory_space<vmem>> -> memref<1x32xi32, #tpu.memory_space<vmem>>
    %dma_wait3A_83 = tpu.memref_squeeze %dma_wait3A_82 : memref<1x32xi32, #tpu.memory_space<vmem>> -> memref<32xi32, #tpu.memory_space<vmem>>
    %dma_wait3A_84 = arith.constant 0 : i32
    %dma_wait3A_85 = arith.constant 0 : i32
    %dma_wait3A_86 = tpu.memref_slice %arg3[%dma_wait3A_84, %dma_wait3A_85] : memref<12288x1024xf32, #tpu.memory_space<hbm>> -> memref<12288x1024xf32, #tpu.memory_space<hbm>>
    tpu.wait_indirect_dma semaphore(%arg8 : memref<!tpu.dma_semaphore, #tpu.memory_space<semaphore_mem>>) src(%dma_wait3A_86 : memref<12288x1024xf32, #tpu.memory_space<hbm>>) dst(%arg6 : memref<32x1024xf32, #tpu.memory_space<vmem>>)
    %scan3A_87 = arith.constant 0 : i32
    %scan3A_88 = arith.constant 0 : i32
    %scan3A_89 = arith.constant 64 : i32
    %scan3A_90 = arith.addi %scan3A_88, %scan3A_89 : i32
    %scan3A_91 = arith.constant 1 : i32
    %scan3A_92 = scf.for %scan3A_98 = %scan3A_88 to %scan3A_90 step %scan3A_91 iter_args(%scan3A_99 = %scan3A_87) -> (i32)  : i32 {
      %mul3A_100 = arith.constant 16 : i32
      %mul3A_101 = arith.muli %mul3A_100, %scan3A_98 : i32
      %get3A = arith.constant 0 : i32
      %get3A_102 = arith.index_cast %get3A : i32 to index
      %get3A_103 = arith.index_cast %mul3A_101 : i32 to index
      %get3A_104 = tpu.vector_load %arg6[%get3A_102, %get3A_103] {strides = array<i32>} : memref<32x1024xf32, #tpu.memory_space<vmem>>, vector<1x16xf32>,
      %get3A_105 = vector.shape_cast %get3A_104 : vector<1x16xf32> to vector<16xf32>
      %mul3A_106 = arith.constant 16 : i32
      %mul3A_107 = arith.muli %mul3A_106, %scan3A_98 : i32
      %get3A_108 = arith.constant 1 : i32
      %get3A_109 = arith.index_cast %get3A_108 : i32 to index
      %get3A_110 = arith.index_cast %mul3A_107 : i32 to index
      %get3A_111 = tpu.vector_load %arg6[%get3A_109, %get3A_110] {strides = array<i32>} : memref<32x1024xf32, #tpu.memory_space<vmem>>, vector<1x16xf32>,
      %get3A_112 = vector.shape_cast %get3A_111 : vector<1x16xf32> to vector<16xf32>
      %add3A_113 = arith.addf %get3A_105, %get3A_112 : vector<16xf32>
      %mul3A_114 = arith.constant 16 : i32
      %mul3A_115 = arith.muli %mul3A_114, %scan3A_98 : i32
      %swap3A = arith.constant 0 : i32
      %swap3A_116 = arith.index_cast %swap3A : i32 to index
      %swap3A_117 = arith.index_cast %mul3A_115 : i32 to index
      %swap3A_118 = tpu.vector_load %arg7[%swap3A_116, %swap3A_117] {strides = array<i32>} : memref<16x1024xf32, #tpu.memory_space<vmem>>, vector<1x16xf32>,
      %swap3A_119 = vector.shape_cast %swap3A_118 : vector<1x16xf32> to vector<16xf32>
      %swap3A_120 = vector.shape_cast %add3A_113 : vector<16xf32> to vector<1x16xf32>
      tpu.vector_store %arg7[%swap3A_116, %swap3A_117], %swap3A_120 {strides = array<i32>} : memref<16x1024xf32, #tpu.memory_space<vmem>>, vector<1x16xf32>,
      %mul3A_121 = arith.constant 16 : i32
      %mul3A_122 = arith.muli %mul3A_121, %scan3A_98 : i32
      %get3A_123 = arith.constant 2 : i32
      %get3A_124 = arith.index_cast %get3A_123 : i32 to index
      %get3A_125 = arith.index_cast %mul3A_122 : i32 to index
      %get3A_126 = tpu.vector_load %arg6[%get3A_124, %get3A_125] {strides = array<i32>} : memref<32x1024xf32, #tpu.memory_space<vmem>>, vector<1x16xf32>,
      %get3A_127 = vector.shape_cast %get3A_126 : vector<1x16xf32> to vector<16xf32>
      %mul3A_128 = arith.constant 16 : i32
      %mul3A_129 = arith.muli %mul3A_128, %scan3A_98 : i32
      %get3A_130 = arith.constant 3 : i32
      %get3A_131 = arith.index_cast %get3A_130 : i32 to index
      %get3A_132 = arith.index_cast %mul3A_129 : i32 to index
      %get3A_133 = tpu.vector_load %arg6[%get3A_131, %get3A_132] {strides = array<i32>} : memref<32x1024xf32, #tpu.memory_space<vmem>>, vector<1x16xf32>,
      %get3A_134 = vector.shape_cast %get3A_133 : vector<1x16xf32> to vector<16xf32>
      %add3A_135 = arith.addf %get3A_127, %get3A_134 : vector<16xf32>
      %mul3A_136 = arith.constant 16 : i32
      %mul3A_137 = arith.muli %mul3A_136, %scan3A_98 : i32
      %swap3A_138 = arith.constant 1 : i32
      %swap3A_139 = arith.index_cast %swap3A_138 : i32 to index
      %swap3A_140 = arith.index_cast %mul3A_137 : i32 to index
      %swap3A_141 = tpu.vector_load %arg7[%swap3A_139, %swap3A_140] {strides = array<i32>} : memref<16x1024xf32, #tpu.memory_space<vmem>>, vector<1x16xf32>,
      %swap3A_142 = vector.shape_cast %swap3A_141 : vector<1x16xf32> to vector<16xf32>
      %swap3A_143 = vector.shape_cast %add3A_135 : vector<16xf32> to vector<1x16xf32>
      tpu.vector_store %arg7[%swap3A_139, %swap3A_140], %swap3A_143 {strides = array<i32>} : memref<16x1024xf32, #tpu.memory_space<vmem>>, vector<1x16xf32>,
      %mul3A_144 = arith.constant 16 : i32
      %mul3A_145 = arith.muli %mul3A_144, %scan3A_98 : i32
      %get3A_146 = arith.constant 4 : i32
      %get3A_147 = arith.index_cast %get3A_146 : i32 to index
      %get3A_148 = arith.index_cast %mul3A_145 : i32 to index
      %get3A_149 = tpu.vector_load %arg6[%get3A_147, %get3A_148] {strides = array<i32>} : memref<32x1024xf32, #tpu.memory_space<vmem>>, vector<1x16xf32>,
      %get3A_150 = vector.shape_cast %get3A_149 : vector<1x16xf32> to vector<16xf32>
      %mul3A_151 = arith.constant 16 : i32
      %mul3A_152 = arith.muli %mul3A_151, %scan3A_98 : i32
      %get3A_153 = arith.constant 5 : i32
      %get3A_154 = arith.index_cast %get3A_153 : i32 to index
      %get3A_155 = arith.index_cast %mul3A_152 : i32 to index
      %get3A_156 = tpu.vector_load %arg6[%get3A_154, %get3A_155] {strides = array<i32>} : memref<32x1024xf32, #tpu.memory_space<vmem>>, vector<1x16xf32>,
      %get3A_157 = vector.shape_cast %get3A_156 : vector<1x16xf32> to vector<16xf32>
      %add3A_158 = arith.addf %get3A_150, %get3A_157 : vector<16xf32>
      %mul3A_159 = arith.constant 16 : i32
      %mul3A_160 = arith.muli %mul3A_159, %scan3A_98 : i32
      %swap3A_161 = arith.constant 2 : i32
      %swap3A_162 = arith.index_cast %swap3A_161 : i32 to index
      %swap3A_163 = arith.index_cast %mul3A_160 : i32 to index
      %swap3A_164 = tpu.vector_load %arg7[%swap3A_162, %swap3A_163] {strides = array<i32>} : memref<16x1024xf32, #tpu.memory_space<vmem>>, vector<1x16xf32>,
      %swap3A_165 = vector.shape_cast %swap3A_164 : vector<1x16xf32> to vector<16xf32>
      %swap3A_166 = vector.shape_cast %add3A_158 : vector<16xf32> to vector<1x16xf32>
      tpu.vector_store %arg7[%swap3A_162, %swap3A_163], %swap3A_166 {strides = array<i32>} : memref<16x1024xf32, #tpu.memory_space<vmem>>, vector<1x16xf32>,
      %mul3A_167 = arith.constant 16 : i32
      %mul3A_168 = arith.muli %mul3A_167, %scan3A_98 : i32
      %get3A_169 = arith.constant 6 : i32
      %get3A_170 = arith.index_cast %get3A_169 : i32 to index
      %get3A_171 = arith.index_cast %mul3A_168 : i32 to index
      %get3A_172 = tpu.vector_load %arg6[%get3A_170, %get3A_171] {strides = array<i32>} : memref<32x1024xf32, #tpu.memory_space<vmem>>, vector<1x16xf32>,
      %get3A_173 = vector.shape_cast %get3A_172 : vector<1x16xf32> to vector<16xf32>
      %mul3A_174 = arith.constant 16 : i32
      %mul3A_175 = arith.muli %mul3A_174, %scan3A_98 : i32
      %get3A_176 = arith.constant 7 : i32
      %get3A_177 = arith.index_cast %get3A_176 : i32 to index
      %get3A_178 = arith.index_cast %mul3A_175 : i32 to index
      %get3A_179 = tpu.vector_load %arg6[%get3A_177, %get3A_178] {strides = array<i32>} : memref<32x1024xf32, #tpu.memory_space<vmem>>, vector<1x16xf32>,
      %get3A_180 = vector.shape_cast %get3A_179 : vector<1x16xf32> to vector<16xf32>
      %add3A_181 = arith.addf %get3A_173, %get3A_180 : vector<16xf32>
      %mul3A_182 = arith.constant 16 : i32
      %mul3A_183 = arith.muli %mul3A_182, %scan3A_98 : i32
      %swap3A_184 = arith.constant 3 : i32
      %swap3A_185 = arith.index_cast %swap3A_184 : i32 to index
      %swap3A_186 = arith.index_cast %mul3A_183 : i32 to index
      %swap3A_187 = tpu.vector_load %arg7[%swap3A_185, %swap3A_186] {strides = array<i32>} : memref<16x1024xf32, #tpu.memory_space<vmem>>, vector<1x16xf32>,
      %swap3A_188 = vector.shape_cast %swap3A_187 : vector<1x16xf32> to vector<16xf32>
      %swap3A_189 = vector.shape_cast %add3A_181 : vector<16xf32> to vector<1x16xf32>
      tpu.vector_store %arg7[%swap3A_185, %swap3A_186], %swap3A_189 {strides = array<i32>} : memref<16x1024xf32, #tpu.memory_space<vmem>>, vector<1x16xf32>,
      %mul3A_190 = arith.constant 16 : i32
      %mul3A_191 = arith.muli %mul3A_190, %scan3A_98 : i32
      %get3A_192 = arith.constant 8 : i32
      %get3A_193 = arith.index_cast %get3A_192 : i32 to index
      %get3A_194 = arith.index_cast %mul3A_191 : i32 to index
      %get3A_195 = tpu.vector_load %arg6[%get3A_193, %get3A_194] {strides = array<i32>} : memref<32x1024xf32, #tpu.memory_space<vmem>>, vector<1x16xf32>,
      %get3A_196 = vector.shape_cast %get3A_195 : vector<1x16xf32> to vector<16xf32>
      %mul3A_197 = arith.constant 16 : i32
      %mul3A_198 = arith.muli %mul3A_197, %scan3A_98 : i32
      %get3A_199 = arith.constant 9 : i32
      %get3A_200 = arith.index_cast %get3A_199 : i32 to index
      %get3A_201 = arith.index_cast %mul3A_198 : i32 to index
      %get3A_202 = tpu.vector_load %arg6[%get3A_200, %get3A_201] {strides = array<i32>} : memref<32x1024xf32, #tpu.memory_space<vmem>>, vector<1x16xf32>,
      %get3A_203 = vector.shape_cast %get3A_202 : vector<1x16xf32> to vector<16xf32>
      %add3A_204 = arith.addf %get3A_196, %get3A_203 : vector<16xf32>
      %mul3A_205 = arith.constant 16 : i32
      %mul3A_206 = arith.muli %mul3A_205, %scan3A_98 : i32
      %swap3A_207 = arith.constant 4 : i32
      %swap3A_208 = arith.index_cast %swap3A_207 : i32 to index
      %swap3A_209 = arith.index_cast %mul3A_206 : i32 to index
      %swap3A_210 = tpu.vector_load %arg7[%swap3A_208, %swap3A_209] {strides = array<i32>} : memref<16x1024xf32, #tpu.memory_space<vmem>>, vector<1x16xf32>,
      %swap3A_211 = vector.shape_cast %swap3A_210 : vector<1x16xf32> to vector<16xf32>
      %swap3A_212 = vector.shape_cast %add3A_204 : vector<16xf32> to vector<1x16xf32>
      tpu.vector_store %arg7[%swap3A_208, %swap3A_209], %swap3A_212 {strides = array<i32>} : memref<16x1024xf32, #tpu.memory_space<vmem>>, vector<1x16xf32>,
      %mul3A_213 = arith.constant 16 : i32
      %mul3A_214 = arith.muli %mul3A_213, %scan3A_98 : i32
      %get3A_215 = arith.constant 10 : i32
      %get3A_216 = arith.index_cast %get3A_215 : i32 to index
      %get3A_217 = arith.index_cast %mul3A_214 : i32 to index
      %get3A_218 = tpu.vector_load %arg6[%get3A_216, %get3A_217] {strides = array<i32>} : memref<32x1024xf32, #tpu.memory_space<vmem>>, vector<1x16xf32>,
      %get3A_219 = vector.shape_cast %get3A_218 : vector<1x16xf32> to vector<16xf32>
      %mul3A_220 = arith.constant 16 : i32
      %mul3A_221 = arith.muli %mul3A_220, %scan3A_98 : i32
      %get3A_222 = arith.constant 11 : i32
      %get3A_223 = arith.index_cast %get3A_222 : i32 to index
      %get3A_224 = arith.index_cast %mul3A_221 : i32 to index
      %get3A_225 = tpu.vector_load %arg6[%get3A_223, %get3A_224] {strides = array<i32>} : memref<32x1024xf32, #tpu.memory_space<vmem>>, vector<1x16xf32>,
      %get3A_226 = vector.shape_cast %get3A_225 : vector<1x16xf32> to vector<16xf32>
      %add3A_227 = arith.addf %get3A_219, %get3A_226 : vector<16xf32>
      %mul3A_228 = arith.constant 16 : i32
      %mul3A_229 = arith.muli %mul3A_228, %scan3A_98 : i32
      %swap3A_230 = arith.constant 5 : i32
      %swap3A_231 = arith.index_cast %swap3A_230 : i32 to index
      %swap3A_232 = arith.index_cast %mul3A_229 : i32 to index
      %swap3A_233 = tpu.vector_load %arg7[%swap3A_231, %swap3A_232] {strides = array<i32>} : memref<16x1024xf32, #tpu.memory_space<vmem>>, vector<1x16xf32>,
      %swap3A_234 = vector.shape_cast %swap3A_233 : vector<1x16xf32> to vector<16xf32>
      %swap3A_235 = vector.shape_cast %add3A_227 : vector<16xf32> to vector<1x16xf32>
      tpu.vector_store %arg7[%swap3A_231, %swap3A_232], %swap3A_235 {strides = array<i32>} : memref<16x1024xf32, #tpu.memory_space<vmem>>, vector<1x16xf32>,
      %mul3A_236 = arith.constant 16 : i32
      %mul3A_237 = arith.muli %mul3A_236, %scan3A_98 : i32
      %get3A_238 = arith.constant 12 : i32
      %get3A_239 = arith.index_cast %get3A_238 : i32 to index
      %get3A_240 = arith.index_cast %mul3A_237 : i32 to index
      %get3A_241 = tpu.vector_load %arg6[%get3A_239, %get3A_240] {strides = array<i32>} : memref<32x1024xf32, #tpu.memory_space<vmem>>, vector<1x16xf32>,
      %get3A_242 = vector.shape_cast %get3A_241 : vector<1x16xf32> to vector<16xf32>
      %mul3A_243 = arith.constant 16 : i32
      %mul3A_244 = arith.muli %mul3A_243, %scan3A_98 : i32
      %get3A_245 = arith.constant 13 : i32
      %get3A_246 = arith.index_cast %get3A_245 : i32 to index
      %get3A_247 = arith.index_cast %mul3A_244 : i32 to index
      %get3A_248 = tpu.vector_load %arg6[%get3A_246, %get3A_247] {strides = array<i32>} : memref<32x1024xf32, #tpu.memory_space<vmem>>, vector<1x16xf32>,
      %get3A_249 = vector.shape_cast %get3A_248 : vector<1x16xf32> to vector<16xf32>
      %add3A_250 = arith.addf %get3A_242, %get3A_249 : vector<16xf32>
      %mul3A_251 = arith.constant 16 : i32
      %mul3A_252 = arith.muli %mul3A_251, %scan3A_98 : i32
      %swap3A_253 = arith.constant 6 : i32
      %swap3A_254 = arith.index_cast %swap3A_253 : i32 to index
      %swap3A_255 = arith.index_cast %mul3A_252 : i32 to index
      %swap3A_256 = tpu.vector_load %arg7[%swap3A_254, %swap3A_255] {strides = array<i32>} : memref<16x1024xf32, #tpu.memory_space<vmem>>, vector<1x16xf32>,
      %swap3A_257 = vector.shape_cast %swap3A_256 : vector<1x16xf32> to vector<16xf32>
      %swap3A_258 = vector.shape_cast %add3A_250 : vector<16xf32> to vector<1x16xf32>
      tpu.vector_store %arg7[%swap3A_254, %swap3A_255], %swap3A_258 {strides = array<i32>} : memref<16x1024xf32, #tpu.memory_space<vmem>>, vector<1x16xf32>,
      %mul3A_259 = arith.constant 16 : i32
      %mul3A_260 = arith.muli %mul3A_259, %scan3A_98 : i32
      %get3A_261 = arith.constant 14 : i32
      %get3A_262 = arith.index_cast %get3A_261 : i32 to index
      %get3A_263 = arith.index_cast %mul3A_260 : i32 to index
      %get3A_264 = tpu.vector_load %arg6[%get3A_262, %get3A_263] {strides = array<i32>} : memref<32x1024xf32, #tpu.memory_space<vmem>>, vector<1x16xf32>,
      %get3A_265 = vector.shape_cast %get3A_264 : vector<1x16xf32> to vector<16xf32>
      %mul3A_266 = arith.constant 16 : i32
      %mul3A_267 = arith.muli %mul3A_266, %scan3A_98 : i32
      %get3A_268 = arith.constant 15 : i32
      %get3A_269 = arith.index_cast %get3A_268 : i32 to index
      %get3A_270 = arith.index_cast %mul3A_267 : i32 to index
      %get3A_271 = tpu.vector_load %arg6[%get3A_269, %get3A_270] {strides = array<i32>} : memref<32x1024xf32, #tpu.memory_space<vmem>>, vector<1x16xf32>,
      %get3A_272 = vector.shape_cast %get3A_271 : vector<1x16xf32> to vector<16xf32>
      %add3A_273 = arith.addf %get3A_265, %get3A_272 : vector<16xf32>
      %mul3A_274 = arith.constant 16 : i32
      %mul3A_275 = arith.muli %mul3A_274, %scan3A_98 : i32
      %swap3A_276 = arith.constant 7 : i32
      %swap3A_277 = arith.index_cast %swap3A_276 : i32 to index
      %swap3A_278 = arith.index_cast %mul3A_275 : i32 to index
      %swap3A_279 = tpu.vector_load %arg7[%swap3A_277, %swap3A_278] {strides = array<i32>} : memref<16x1024xf32, #tpu.memory_space<vmem>>, vector<1x16xf32>,
      %swap3A_280 = vector.shape_cast %swap3A_279 : vector<1x16xf32> to vector<16xf32>
      %swap3A_281 = vector.shape_cast %add3A_273 : vector<16xf32> to vector<1x16xf32>
      tpu.vector_store %arg7[%swap3A_277, %swap3A_278], %swap3A_281 {strides = array<i32>} : memref<16x1024xf32, #tpu.memory_space<vmem>>, vector<1x16xf32>,
      %mul3A_282 = arith.constant 16 : i32
      %mul3A_283 = arith.muli %mul3A_282, %scan3A_98 : i32
      %get3A_284 = arith.constant 16 : i32
      %get3A_285 = arith.index_cast %get3A_284 : i32 to index
      %get3A_286 = arith.index_cast %mul3A_283 : i32 to index
      %get3A_287 = tpu.vector_load %arg6[%get3A_285, %get3A_286] {strides = array<i32>} : memref<32x1024xf32, #tpu.memory_space<vmem>>, vector<1x16xf32>,
      %get3A_288 = vector.shape_cast %get3A_287 : vector<1x16xf32> to vector<16xf32>
      %mul3A_289 = arith.constant 16 : i32
      %mul3A_290 = arith.muli %mul3A_289, %scan3A_98 : i32
      %get3A_291 = arith.constant 17 : i32
      %get3A_292 = arith.index_cast %get3A_291 : i32 to index
      %get3A_293 = arith.index_cast %mul3A_290 : i32 to index
      %get3A_294 = tpu.vector_load %arg6[%get3A_292, %get3A_293] {strides = array<i32>} : memref<32x1024xf32, #tpu.memory_space<vmem>>, vector<1x16xf32>,
      %get3A_295 = vector.shape_cast %get3A_294 : vector<1x16xf32> to vector<16xf32>
      %add3A_296 = arith.addf %get3A_288, %get3A_295 : vector<16xf32>
      %mul3A_297 = arith.constant 16 : i32
      %mul3A_298 = arith.muli %mul3A_297, %scan3A_98 : i32
      %swap3A_299 = arith.constant 8 : i32
      %swap3A_300 = arith.index_cast %swap3A_299 : i32 to index
      %swap3A_301 = arith.index_cast %mul3A_298 : i32 to index
      %swap3A_302 = tpu.vector_load %arg7[%swap3A_300, %swap3A_301] {strides = array<i32>} : memref<16x1024xf32, #tpu.memory_space<vmem>>, vector<1x16xf32>,
      %swap3A_303 = vector.shape_cast %swap3A_302 : vector<1x16xf32> to vector<16xf32>
      %swap3A_304 = vector.shape_cast %add3A_296 : vector<16xf32> to vector<1x16xf32>
      tpu.vector_store %arg7[%swap3A_300, %swap3A_301], %swap3A_304 {strides = array<i32>} : memref<16x1024xf32, #tpu.memory_space<vmem>>, vector<1x16xf32>,
      %mul3A_305 = arith.constant 16 : i32
      %mul3A_306 = arith.muli %mul3A_305, %scan3A_98 : i32
      %get3A_307 = arith.constant 18 : i32
      %get3A_308 = arith.index_cast %get3A_307 : i32 to index
      %get3A_309 = arith.index_cast %mul3A_306 : i32 to index
      %get3A_310 = tpu.vector_load %arg6[%get3A_308, %get3A_309] {strides = array<i32>} : memref<32x1024xf32, #tpu.memory_space<vmem>>, vector<1x16xf32>,
      %get3A_311 = vector.shape_cast %get3A_310 : vector<1x16xf32> to vector<16xf32>
      %mul3A_312 = arith.constant 16 : i32
      %mul3A_313 = arith.muli %mul3A_312, %scan3A_98 : i32
      %get3A_314 = arith.constant 19 : i32
      %get3A_315 = arith.index_cast %get3A_314 : i32 to index
      %get3A_316 = arith.index_cast %mul3A_313 : i32 to index
      %get3A_317 = tpu.vector_load %arg6[%get3A_315, %get3A_316] {strides = array<i32>} : memref<32x1024xf32, #tpu.memory_space<vmem>>, vector<1x16xf32>,
      %get3A_318 = vector.shape_cast %get3A_317 : vector<1x16xf32> to vector<16xf32>
      %add3A_319 = arith.addf %get3A_311, %get3A_318 : vector<16xf32>
      %mul3A_320 = arith.constant 16 : i32
      %mul3A_321 = arith.muli %mul3A_320, %scan3A_98 : i32
      %swap3A_322 = arith.constant 9 : i32
      %swap3A_323 = arith.index_cast %swap3A_322 : i32 to index
      %swap3A_324 = arith.index_cast %mul3A_321 : i32 to index
      %swap3A_325 = tpu.vector_load %arg7[%swap3A_323, %swap3A_324] {strides = array<i32>} : memref<16x1024xf32, #tpu.memory_space<vmem>>, vector<1x16xf32>,
      %swap3A_326 = vector.shape_cast %swap3A_325 : vector<1x16xf32> to vector<16xf32>
      %swap3A_327 = vector.shape_cast %add3A_319 : vector<16xf32> to vector<1x16xf32>
      tpu.vector_store %arg7[%swap3A_323, %swap3A_324], %swap3A_327 {strides = array<i32>} : memref<16x1024xf32, #tpu.memory_space<vmem>>, vector<1x16xf32>,
      %mul3A_328 = arith.constant 16 : i32
      %mul3A_329 = arith.muli %mul3A_328, %scan3A_98 : i32
      %get3A_330 = arith.constant 20 : i32
      %get3A_331 = arith.index_cast %get3A_330 : i32 to index
      %get3A_332 = arith.index_cast %mul3A_329 : i32 to index
      %get3A_333 = tpu.vector_load %arg6[%get3A_331, %get3A_332] {strides = array<i32>} : memref<32x1024xf32, #tpu.memory_space<vmem>>, vector<1x16xf32>,
      %get3A_334 = vector.shape_cast %get3A_333 : vector<1x16xf32> to vector<16xf32>
      %mul3A_335 = arith.constant 16 : i32
      %mul3A_336 = arith.muli %mul3A_335, %scan3A_98 : i32
      %get3A_337 = arith.constant 21 : i32
      %get3A_338 = arith.index_cast %get3A_337 : i32 to index
      %get3A_339 = arith.index_cast %mul3A_336 : i32 to index
      %get3A_340 = tpu.vector_load %arg6[%get3A_338, %get3A_339] {strides = array<i32>} : memref<32x1024xf32, #tpu.memory_space<vmem>>, vector<1x16xf32>,
      %get3A_341 = vector.shape_cast %get3A_340 : vector<1x16xf32> to vector<16xf32>
      %add3A_342 = arith.addf %get3A_334, %get3A_341 : vector<16xf32>
      %mul3A_343 = arith.constant 16 : i32
      %mul3A_344 = arith.muli %mul3A_343, %scan3A_98 : i32
      %swap3A_345 = arith.constant 10 : i32
      %swap3A_346 = arith.index_cast %swap3A_345 : i32 to index
      %swap3A_347 = arith.index_cast %mul3A_344 : i32 to index
      %swap3A_348 = tpu.vector_load %arg7[%swap3A_346, %swap3A_347] {strides = array<i32>} : memref<16x1024xf32, #tpu.memory_space<vmem>>, vector<1x16xf32>,
      %swap3A_349 = vector.shape_cast %swap3A_348 : vector<1x16xf32> to vector<16xf32>
      %swap3A_350 = vector.shape_cast %add3A_342 : vector<16xf32> to vector<1x16xf32>
      tpu.vector_store %arg7[%swap3A_346, %swap3A_347], %swap3A_350 {strides = array<i32>} : memref<16x1024xf32, #tpu.memory_space<vmem>>, vector<1x16xf32>,
      %mul3A_351 = arith.constant 16 : i32
      %mul3A_352 = arith.muli %mul3A_351, %scan3A_98 : i32
      %get3A_353 = arith.constant 22 : i32
      %get3A_354 = arith.index_cast %get3A_353 : i32 to index
      %get3A_355 = arith.index_cast %mul3A_352 : i32 to index
      %get3A_356 = tpu.vector_load %arg6[%get3A_354, %get3A_355] {strides = array<i32>} : memref<32x1024xf32, #tpu.memory_space<vmem>>, vector<1x16xf32>,
      %get3A_357 = vector.shape_cast %get3A_356 : vector<1x16xf32> to vector<16xf32>
      %mul3A_358 = arith.constant 16 : i32
      %mul3A_359 = arith.muli %mul3A_358, %scan3A_98 : i32
      %get3A_360 = arith.constant 23 : i32
      %get3A_361 = arith.index_cast %get3A_360 : i32 to index
      %get3A_362 = arith.index_cast %mul3A_359 : i32 to index
      %get3A_363 = tpu.vector_load %arg6[%get3A_361, %get3A_362] {strides = array<i32>} : memref<32x1024xf32, #tpu.memory_space<vmem>>, vector<1x16xf32>,
      %get3A_364 = vector.shape_cast %get3A_363 : vector<1x16xf32> to vector<16xf32>
      %add3A_365 = arith.addf %get3A_357, %get3A_364 : vector<16xf32>
      %mul3A_366 = arith.constant 16 : i32
      %mul3A_367 = arith.muli %mul3A_366, %scan3A_98 : i32
      %swap3A_368 = arith.constant 11 : i32
      %swap3A_369 = arith.index_cast %swap3A_368 : i32 to index
      %swap3A_370 = arith.index_cast %mul3A_367 : i32 to index
      %swap3A_371 = tpu.vector_load %arg7[%swap3A_369, %swap3A_370] {strides = array<i32>} : memref<16x1024xf32, #tpu.memory_space<vmem>>, vector<1x16xf32>,
      %swap3A_372 = vector.shape_cast %swap3A_371 : vector<1x16xf32> to vector<16xf32>
      %swap3A_373 = vector.shape_cast %add3A_365 : vector<16xf32> to vector<1x16xf32>
      tpu.vector_store %arg7[%swap3A_369, %swap3A_370], %swap3A_373 {strides = array<i32>} : memref<16x1024xf32, #tpu.memory_space<vmem>>, vector<1x16xf32>,
      %mul3A_374 = arith.constant 16 : i32
      %mul3A_375 = arith.muli %mul3A_374, %scan3A_98 : i32
      %get3A_376 = arith.constant 24 : i32
      %get3A_377 = arith.index_cast %get3A_376 : i32 to index
      %get3A_378 = arith.index_cast %mul3A_375 : i32 to index
      %get3A_379 = tpu.vector_load %arg6[%get3A_377, %get3A_378] {strides = array<i32>} : memref<32x1024xf32, #tpu.memory_space<vmem>>, vector<1x16xf32>,
      %get3A_380 = vector.shape_cast %get3A_379 : vector<1x16xf32> to vector<16xf32>
      %mul3A_381 = arith.constant 16 : i32
      %mul3A_382 = arith.muli %mul3A_381, %scan3A_98 : i32
      %get3A_383 = arith.constant 25 : i32
      %get3A_384 = arith.index_cast %get3A_383 : i32 to index
      %get3A_385 = arith.index_cast %mul3A_382 : i32 to index
      %get3A_386 = tpu.vector_load %arg6[%get3A_384, %get3A_385] {strides = array<i32>} : memref<32x1024xf32, #tpu.memory_space<vmem>>, vector<1x16xf32>,
      %get3A_387 = vector.shape_cast %get3A_386 : vector<1x16xf32> to vector<16xf32>
      %add3A_388 = arith.addf %get3A_380, %get3A_387 : vector<16xf32>
      %mul3A_389 = arith.constant 16 : i32
      %mul3A_390 = arith.muli %mul3A_389, %scan3A_98 : i32
      %swap3A_391 = arith.constant 12 : i32
      %swap3A_392 = arith.index_cast %swap3A_391 : i32 to index
      %swap3A_393 = arith.index_cast %mul3A_390 : i32 to index
      %swap3A_394 = tpu.vector_load %arg7[%swap3A_392, %swap3A_393] {strides = array<i32>} : memref<16x1024xf32, #tpu.memory_space<vmem>>, vector<1x16xf32>,
      %swap3A_395 = vector.shape_cast %swap3A_394 : vector<1x16xf32> to vector<16xf32>
      %swap3A_396 = vector.shape_cast %add3A_388 : vector<16xf32> to vector<1x16xf32>
      tpu.vector_store %arg7[%swap3A_392, %swap3A_393], %swap3A_396 {strides = array<i32>} : memref<16x1024xf32, #tpu.memory_space<vmem>>, vector<1x16xf32>,
      %mul3A_397 = arith.constant 16 : i32
      %mul3A_398 = arith.muli %mul3A_397, %scan3A_98 : i32
      %get3A_399 = arith.constant 26 : i32
      %get3A_400 = arith.index_cast %get3A_399 : i32 to index
      %get3A_401 = arith.index_cast %mul3A_398 : i32 to index
      %get3A_402 = tpu.vector_load %arg6[%get3A_400, %get3A_401] {strides = array<i32>} : memref<32x1024xf32, #tpu.memory_space<vmem>>, vector<1x16xf32>,
      %get3A_403 = vector.shape_cast %get3A_402 : vector<1x16xf32> to vector<16xf32>
      %mul3A_404 = arith.constant 16 : i32
      %mul3A_405 = arith.muli %mul3A_404, %scan3A_98 : i32
      %get3A_406 = arith.constant 27 : i32
      %get3A_407 = arith.index_cast %get3A_406 : i32 to index
      %get3A_408 = arith.index_cast %mul3A_405 : i32 to index
      %get3A_409 = tpu.vector_load %arg6[%get3A_407, %get3A_408] {strides = array<i32>} : memref<32x1024xf32, #tpu.memory_space<vmem>>, vector<1x16xf32>,
      %get3A_410 = vector.shape_cast %get3A_409 : vector<1x16xf32> to vector<16xf32>
      %add3A_411 = arith.addf %get3A_403, %get3A_410 : vector<16xf32>
      %mul3A_412 = arith.constant 16 : i32
      %mul3A_413 = arith.muli %mul3A_412, %scan3A_98 : i32
      %swap3A_414 = arith.constant 13 : i32
      %swap3A_415 = arith.index_cast %swap3A_414 : i32 to index
      %swap3A_416 = arith.index_cast %mul3A_413 : i32 to index
      %swap3A_417 = tpu.vector_load %arg7[%swap3A_415, %swap3A_416] {strides = array<i32>} : memref<16x1024xf32, #tpu.memory_space<vmem>>, vector<1x16xf32>,
      %swap3A_418 = vector.shape_cast %swap3A_417 : vector<1x16xf32> to vector<16xf32>
      %swap3A_419 = vector.shape_cast %add3A_411 : vector<16xf32> to vector<1x16xf32>
      tpu.vector_store %arg7[%swap3A_415, %swap3A_416], %swap3A_419 {strides = array<i32>} : memref<16x1024xf32, #tpu.memory_space<vmem>>, vector<1x16xf32>,
      %mul3A_420 = arith.constant 16 : i32
      %mul3A_421 = arith.muli %mul3A_420, %scan3A_98 : i32
      %get3A_422 = arith.constant 28 : i32
      %get3A_423 = arith.index_cast %get3A_422 : i32 to index
      %get3A_424 = arith.index_cast %mul3A_421 : i32 to index
      %get3A_425 = tpu.vector_load %arg6[%get3A_423, %get3A_424] {strides = array<i32>} : memref<32x1024xf32, #tpu.memory_space<vmem>>, vector<1x16xf32>,
      %get3A_426 = vector.shape_cast %get3A_425 : vector<1x16xf32> to vector<16xf32>
      %mul3A_427 = arith.constant 16 : i32
      %mul3A_428 = arith.muli %mul3A_427, %scan3A_98 : i32
      %get3A_429 = arith.constant 29 : i32
      %get3A_430 = arith.index_cast %get3A_429 : i32 to index
      %get3A_431 = arith.index_cast %mul3A_428 : i32 to index
      %get3A_432 = tpu.vector_load %arg6[%get3A_430, %get3A_431] {strides = array<i32>} : memref<32x1024xf32, #tpu.memory_space<vmem>>, vector<1x16xf32>,
      %get3A_433 = vector.shape_cast %get3A_432 : vector<1x16xf32> to vector<16xf32>
      %add3A_434 = arith.addf %get3A_426, %get3A_433 : vector<16xf32>
      %mul3A_435 = arith.constant 16 : i32
      %mul3A_436 = arith.muli %mul3A_435, %scan3A_98 : i32
      %swap3A_437 = arith.constant 14 : i32
      %swap3A_438 = arith.index_cast %swap3A_437 : i32 to index
      %swap3A_439 = arith.index_cast %mul3A_436 : i32 to index
      %swap3A_440 = tpu.vector_load %arg7[%swap3A_438, %swap3A_439] {strides = array<i32>} : memref<16x1024xf32, #tpu.memory_space<vmem>>, vector<1x16xf32>,
      %swap3A_441 = vector.shape_cast %swap3A_440 : vector<1x16xf32> to vector<16xf32>
      %swap3A_442 = vector.shape_cast %add3A_434 : vector<16xf32> to vector<1x16xf32>
      tpu.vector_store %arg7[%swap3A_438, %swap3A_439], %swap3A_442 {strides = array<i32>} : memref<16x1024xf32, #tpu.memory_space<vmem>>, vector<1x16xf32>,
      %mul3A_443 = arith.constant 16 : i32
      %mul3A_444 = arith.muli %mul3A_443, %scan3A_98 : i32
      %get3A_445 = arith.constant 30 : i32
      %get3A_446 = arith.index_cast %get3A_445 : i32 to index
      %get3A_447 = arith.index_cast %mul3A_444 : i32 to index
      %get3A_448 = tpu.vector_load %arg6[%get3A_446, %get3A_447] {strides = array<i32>} : memref<32x1024xf32, #tpu.memory_space<vmem>>, vector<1x16xf32>,
      %get3A_449 = vector.shape_cast %get3A_448 : vector<1x16xf32> to vector<16xf32>
      %mul3A_450 = arith.constant 16 : i32
      %mul3A_451 = arith.muli %mul3A_450, %scan3A_98 : i32
      %get3A_452 = arith.constant 31 : i32
      %get3A_453 = arith.index_cast %get3A_452 : i32 to index
      %get3A_454 = arith.index_cast %mul3A_451 : i32 to index
      %get3A_455 = tpu.vector_load %arg6[%get3A_453, %get3A_454] {strides = array<i32>} : memref<32x1024xf32, #tpu.memory_space<vmem>>, vector<1x16xf32>,
      %get3A_456 = vector.shape_cast %get3A_455 : vector<1x16xf32> to vector<16xf32>
      %add3A_457 = arith.addf %get3A_449, %get3A_456 : vector<16xf32>
      %mul3A_458 = arith.constant 16 : i32
      %mul3A_459 = arith.muli %mul3A_458, %scan3A_98 : i32
      %swap3A_460 = arith.constant 15 : i32
      %swap3A_461 = arith.index_cast %swap3A_460 : i32 to index
      %swap3A_462 = arith.index_cast %mul3A_459 : i32 to index
      %swap3A_463 = tpu.vector_load %arg7[%swap3A_461, %swap3A_462] {strides = array<i32>} : memref<16x1024xf32, #tpu.memory_space<vmem>>, vector<1x16xf32>,
      %swap3A_464 = vector.shape_cast %swap3A_463 : vector<1x16xf32> to vector<16xf32>
      %swap3A_465 = vector.shape_cast %add3A_457 : vector<16xf32> to vector<1x16xf32>
      tpu.vector_store %arg7[%swap3A_461, %swap3A_462], %swap3A_465 {strides = array<i32>} : memref<16x1024xf32, #tpu.memory_space<vmem>>, vector<1x16xf32>,
      %scan3A_466 = arith.constant 0 : i32
      scf.yield %scan3A_466 : i32
    }
    %scan3A_93 = arith.constant 64 : i32
    %mul3A_94 = arith.constant 64 : i32
    %mul3A_95 = arith.muli %add3A, %mul3A_94 : i32
    %add3A_96 = arith.constant 48 : i32
    %add3A_97 = arith.addi %mul3A_95, %add3A_96 : i32
    "tpu.region"() ({
      %run_scoped3A = tpu.sem_alloc : memref<!tpu.dma_semaphore, #tpu.memory_space<semaphore_mem>>
      %dma_start3A_98 = arith.constant 0 : i32
      %dma_start3A_99 = tpu.memref_slice %arg4[%add3A_97, %dma_start3A_98] : memref<2048x1024xf32, #tpu.memory_space<hbm>> -> memref<16x1024xf32, #tpu.memory_space<hbm>>
      %dma_start3A_100 = arith.constant 0 : i32
      %dma_start3A_101 = tpu.memref_slice %arg4[%add3A_97, %dma_start3A_100] : memref<2048x1024xf32, #tpu.memory_space<hbm>> -> memref<16x1024xf32, #tpu.memory_space<hbm>>
      tpu.enqueue_dma source(%arg7 : memref<16x1024xf32, #tpu.memory_space<vmem>>) target(%dma_start3A_101 : memref<16x1024xf32, #tpu.memory_space<hbm>>) target_semaphore(%run_scoped3A : memref<!tpu.dma_semaphore, #tpu.memory_space<semaphore_mem>>)
      %dma_wait3A_102 = arith.constant 0 : i32
      %dma_wait3A_103 = tpu.memref_slice %arg4[%add3A_97, %dma_wait3A_102] : memref<2048x1024xf32, #tpu.memory_space<hbm>> -> memref<16x1024xf32, #tpu.memory_space<hbm>>
      %dma_wait3A_104 = arith.constant 0 : i32
      %dma_wait3A_105 = tpu.memref_slice %arg4[%add3A_97, %dma_wait3A_104] : memref<2048x1024xf32, #tpu.memory_space<hbm>> -> memref<16x1024xf32, #tpu.memory_space<hbm>>
      tpu.wait_dma2 semaphore(%run_scoped3A : memref<!tpu.dma_semaphore, #tpu.memory_space<semaphore_mem>>) src(%arg7 : memref<16x1024xf32, #tpu.memory_space<vmem>>) dst(%dma_wait3A_105 : memref<16x1024xf32, #tpu.memory_space<hbm>>)
      tpu.yield
    }) : () -> ()
    return
  }
}

module attributes {stable_mosaic.version = 14 : i64} {
  func.func @_router_body(%arg0: memref<2048x1024xf32, #tpu.memory_space<vmem>>, %arg1: memref<64x1024xf32, #tpu.memory_space<vmem>>, %arg2: memref<2048x2xi32, #tpu.memory_space<vmem>>, %arg3: memref<2048x2xf32, #tpu.memory_space<vmem>>, %arg4: memref<96x1xi32, #tpu.memory_space<vmem>>, %arg5: memref<96x1xi32, #tpu.memory_space<vmem>>) attributes {dimension_semantics = [], scalar_prefetch = 0 : i64, scratch_operands = 0 : i64, tpu.core_type = #tpu.core_type<tc>} {
    %get3A = arith.constant 0 : index
    %get3A_0 = arith.constant 0 : index
    %get3A_1 = vector.load %arg0[%get3A, %get3A_0] : memref<2048x1024xf32, #tpu.memory_space<vmem>>, vector<2048x1024xf32>
    %get3A_2 = arith.constant 0 : index
    %get3A_3 = arith.constant 0 : index
    %get3A_4 = vector.load %arg1[%get3A_2, %get3A_3] : memref<64x1024xf32, #tpu.memory_space<vmem>>, vector<64x1024xf32>
    %dot_general3A = arith.constant dense<0.000000e+00> : vector<2048x64xf32>
    %dot_general3A_5 = tpu.matmul %get3A_1, %get3A_4, %dot_general3A {dimension_numbers = #tpu.dot_dimension_numbers<[1], [1], [0], [0], [0, 0, 1, 0], [], []>, transpose_lhs_hint = false} : vector<2048x1024xf32>, vector<64x1024xf32>, vector<2048x64xf32> -> vector<2048x64xf32>
    %iota3A = tpu.iota {dimensions = array<i32: 1>} : vector<2048x64xi32>
    %reduce_max3A = arith.constant dense<0xFF800000> : vector<2048xf32>
    %reduce_max3A_6 = vector.multi_reduction <maximumf>, %dot_general3A_5, %reduce_max3A [1] : vector<2048x64xf32> to vector<2048xf32>
    %broadcast_in_dim3A = vector.shape_cast %reduce_max3A_6 : vector<2048xf32> to vector<2048x1xf32>
    %eq3A = vector.broadcast %broadcast_in_dim3A : vector<2048x1xf32> to vector<2048x64xf32>
    %eq3A_7 = arith.cmpf oeq, %dot_general3A_5, %eq3A : vector<2048x64xf32>
    %jit3A = arith.constant 64 : i32
    %broadcast_in_dim3A_8 = vector.broadcast %jit3A : i32 to vector<2048x64xi32>
    %select_n3A = arith.select %eq3A_7, %iota3A, %broadcast_in_dim3A_8 : vector<2048x64xi1>, vector<2048x64xi32>
    %reduce_min3A = arith.constant dense<2147483647> : vector<2048xi32>
    %reduce_min3A_9 = vector.multi_reduction <minsi>, %select_n3A, %reduce_min3A [1] : vector<2048x64xi32> to vector<2048xi32>
    %broadcast_in_dim3A_10 = vector.shape_cast %reduce_min3A_9 : vector<2048xi32> to vector<2048x1xi32>
    %eq3A_11 = vector.broadcast %broadcast_in_dim3A_10 : vector<2048x1xi32> to vector<2048x64xi32>
    %eq3A_12 = arith.cmpi eq, %iota3A, %eq3A_11 : vector<2048x64xi32>
    %jit3A_13 = arith.constant 0xFF800000 : f32
    %broadcast_in_dim3A_14 = vector.broadcast %jit3A_13 : f32 to vector<2048x64xf32>
    %select_n3A_15 = arith.select %eq3A_12, %broadcast_in_dim3A_14, %dot_general3A_5 : vector<2048x64xi1>, vector<2048x64xf32>
    %reduce_max3A_16 = arith.constant dense<0xFF800000> : vector<2048xf32>
    %reduce_max3A_17 = vector.multi_reduction <maximumf>, %select_n3A_15, %reduce_max3A_16 [1] : vector<2048x64xf32> to vector<2048xf32>
    %broadcast_in_dim3A_18 = vector.shape_cast %reduce_max3A_17 : vector<2048xf32> to vector<2048x1xf32>
    %eq3A_19 = vector.broadcast %broadcast_in_dim3A_18 : vector<2048x1xf32> to vector<2048x64xf32>
    %eq3A_20 = arith.cmpf oeq, %select_n3A_15, %eq3A_19 : vector<2048x64xf32>
    %jit3A_21 = arith.constant 64 : i32
    %broadcast_in_dim3A_22 = vector.broadcast %jit3A_21 : i32 to vector<2048x64xi32>
    %select_n3A_23 = arith.select %eq3A_20, %iota3A, %broadcast_in_dim3A_22 : vector<2048x64xi1>, vector<2048x64xi32>
    %reduce_min3A_24 = arith.constant dense<2147483647> : vector<2048xi32>
    %reduce_min3A_25 = vector.multi_reduction <minsi>, %select_n3A_23, %reduce_min3A_24 [1] : vector<2048x64xi32> to vector<2048xi32>
    %broadcast_in_dim3A_26 = vector.shape_cast %reduce_min3A_25 : vector<2048xi32> to vector<2048x1xi32>
    %eq3A_27 = vector.broadcast %broadcast_in_dim3A_26 : vector<2048x1xi32> to vector<2048x64xi32>
    %eq3A_28 = arith.cmpi eq, %iota3A, %eq3A_27 : vector<2048x64xi32>
    %sub3A = arith.subf %broadcast_in_dim3A_18, %broadcast_in_dim3A : vector<2048x1xf32>
    %exp3A = math.exp %sub3A : vector<2048x1xf32>
    %add3A = arith.constant 1.000000e+00 : f32
    %add3A_29 = vector.broadcast %add3A : f32 to vector<2048x1xf32>
    %add3A_30 = arith.addf %add3A_29, %exp3A : vector<2048x1xf32>
    %div3A = arith.constant 1.000000e+00 : f32
    %div3A_31 = vector.broadcast %div3A : f32 to vector<2048x1xf32>
    %div3A_32 = arith.divf %div3A_31, %add3A_30 : vector<2048x1xf32>
    %add3A_33 = arith.constant 1.000000e+00 : f32
    %add3A_34 = vector.broadcast %add3A_33 : f32 to vector<2048x1xf32>
    %add3A_35 = arith.addf %add3A_34, %exp3A : vector<2048x1xf32>
    %div3A_36 = arith.divf %exp3A, %add3A_35 : vector<2048x1xf32>
    %convert_element_type3A = arith.extui %eq3A_12 : vector<2048x64xi1> to vector<2048x64xi32>
    %convert_element_type3A_37 = arith.sitofp %convert_element_type3A : vector<2048x64xi32> to vector<2048x64xf32>
    %convert_element_type3A_38 = arith.extui %eq3A_28 : vector<2048x64xi1> to vector<2048x64xi32>
    %convert_element_type3A_39 = arith.sitofp %convert_element_type3A_38 : vector<2048x64xi32> to vector<2048x64xf32>
    %add3A_40 = arith.addf %convert_element_type3A_37, %convert_element_type3A_39 : vector<2048x64xf32>
    %reduce_sum3A = arith.constant dense<0.000000e+00> : vector<64xf32>
    %reduce_sum3A_41 = vector.multi_reduction <add>, %add3A_40, %reduce_sum3A [0] : vector<2048x64xf32> to vector<64xf32>
    %broadcast_in_dim3A_42 = vector.shape_cast %reduce_sum3A_41 : vector<64xf32> to vector<1x64xf32>
    %add3A_43 = arith.constant 1.270000e+02 : f32
    %add3A_44 = vector.broadcast %add3A_43 : f32 to vector<1x64xf32>
    %add3A_45 = arith.addf %broadcast_in_dim3A_42, %add3A_44 : vector<1x64xf32>
    %div3A_46 = arith.constant 1.280000e+02 : f32
    %div3A_47 = vector.broadcast %div3A_46 : f32 to vector<1x64xf32>
    %div3A_48 = arith.divf %add3A_45, %div3A_47 : vector<1x64xf32>
    %floor3A = math.floor %div3A_48 : vector<1x64xf32>
    %iota3A_49 = tpu.iota {dimensions = array<i32: 0>} : vector<64x64xi32>
    %iota3A_50 = tpu.iota {dimensions = array<i32: 1>} : vector<64x64xi32>
    %lt3A = arith.cmpi slt, %iota3A_49, %iota3A_50 : vector<64x64xi32>
    %convert_element_type3A_51 = arith.extui %lt3A : vector<64x64xi1> to vector<64x64xi32>
    %convert_element_type3A_52 = arith.sitofp %convert_element_type3A_51 : vector<64x64xi32> to vector<64x64xf32>
    %convert_element_type3A_53 = arith.truncf %convert_element_type3A_52 : vector<64x64xf32> to vector<64x64xbf16>
    %convert_element_type3A_54 = arith.truncf %floor3A : vector<1x64xf32> to vector<1x64xbf16>
    %dot_general3A_55 = arith.constant dense<0.000000e+00> : vector<1x64xf32>
    %dot_general3A_56 = tpu.matmul %convert_element_type3A_54, %convert_element_type3A_53, %dot_general3A_55 {dimension_numbers = #tpu.dot_dimension_numbers<[1], [0], [0], [1], [0, 0, 1, 1], [], []>, transpose_lhs_hint = false} : vector<1x64xbf16>, vector<64x64xbf16>, vector<1x64xf32> -> vector<1x64xf32>
    %mul3A = arith.constant 1.280000e+02 : f32
    %mul3A_57 = vector.broadcast %mul3A : f32 to vector<1x64xf32>
    %mul3A_58 = arith.mulf %dot_general3A_56, %mul3A_57 : vector<1x64xf32>
    %iota3A_59 = tpu.iota {dimensions = array<i32: 0>} : vector<2048x2048xi32>
    %iota3A_60 = tpu.iota {dimensions = array<i32: 1>} : vector<2048x2048xi32>
    %lt3A_61 = arith.cmpi slt, %iota3A_60, %iota3A_59 : vector<2048x2048xi32>
    %convert_element_type3A_62 = arith.extui %lt3A_61 : vector<2048x2048xi1> to vector<2048x2048xi32>
    %convert_element_type3A_63 = arith.sitofp %convert_element_type3A_62 : vector<2048x2048xi32> to vector<2048x2048xf32>
    %convert_element_type3A_64 = arith.truncf %convert_element_type3A_63 : vector<2048x2048xf32> to vector<2048x2048xbf16>
    %convert_element_type3A_65 = arith.truncf %add3A_40 : vector<2048x64xf32> to vector<2048x64xbf16>
    %dot_general3A_66 = arith.constant dense<0.000000e+00> : vector<2048x64xf32>
    %dot_general3A_67 = tpu.matmul %convert_element_type3A_64, %convert_element_type3A_65, %dot_general3A_66 {dimension_numbers = #tpu.dot_dimension_numbers<[1], [0], [0], [1], [0, 0, 1, 1], [], []>, transpose_lhs_hint = false} : vector<2048x2048xbf16>, vector<2048x64xbf16>, vector<2048x64xf32> -> vector<2048x64xf32>
    %add3A_68 = vector.broadcast %mul3A_58 : vector<1x64xf32> to vector<2048x64xf32>
    %add3A_69 = arith.addf %add3A_68, %dot_general3A_67 : vector<2048x64xf32>
    %jit3A_70 = arith.constant 0.000000e+00 : f32
    %broadcast_in_dim3A_71 = vector.broadcast %jit3A_70 : f32 to vector<2048x64xf32>
    %select_n3A_72 = arith.select %eq3A_12, %add3A_69, %broadcast_in_dim3A_71 : vector<2048x64xi1>, vector<2048x64xf32>
    %reduce_sum3A_73 = arith.constant dense<0.000000e+00> : vector<2048xf32>
    %reduce_sum3A_74 = vector.multi_reduction <add>, %select_n3A_72, %reduce_sum3A_73 [1] : vector<2048x64xf32> to vector<2048xf32>
    %broadcast_in_dim3A_75 = vector.shape_cast %reduce_sum3A_74 : vector<2048xf32> to vector<2048x1xf32>
    %jit3A_76 = arith.constant 0.000000e+00 : f32
    %broadcast_in_dim3A_77 = vector.broadcast %jit3A_76 : f32 to vector<2048x64xf32>
    %select_n3A_78 = arith.select %eq3A_28, %add3A_69, %broadcast_in_dim3A_77 : vector<2048x64xi1>, vector<2048x64xf32>
    %reduce_sum3A_79 = arith.constant dense<0.000000e+00> : vector<2048xf32>
    %reduce_sum3A_80 = vector.multi_reduction <add>, %select_n3A_78, %reduce_sum3A_79 [1] : vector<2048x64xf32> to vector<2048xf32>
    %broadcast_in_dim3A_81 = vector.shape_cast %reduce_sum3A_80 : vector<2048xf32> to vector<2048x1xf32>
    %concatenate3A = tpu.concatenate %broadcast_in_dim3A_75, %broadcast_in_dim3A_81 in 1 : vector<2048x1xf32>, vector<2048x1xf32> -> vector<2048x2xf32>
    %convert_element_type3A_82 = arith.fptosi %concatenate3A : vector<2048x2xf32> to vector<2048x2xi32>
    %swap3A = arith.constant 0 : index
    %swap3A_83 = arith.constant 0 : index
    %swap3A_84 = vector.load %arg2[%swap3A, %swap3A_83] : memref<2048x2xi32, #tpu.memory_space<vmem>>, vector<2048x2xi32>
    tpu.vector_store %arg2[%swap3A, %swap3A_83], %convert_element_type3A_82 {strides = array<i32>} : memref<2048x2xi32, #tpu.memory_space<vmem>>, vector<2048x2xi32>,
    %concatenate3A_85 = tpu.concatenate %div3A_32, %div3A_36 in 1 : vector<2048x1xf32>, vector<2048x1xf32> -> vector<2048x2xf32>
    %swap3A_86 = arith.constant 0 : index
    %swap3A_87 = arith.constant 0 : index
    %swap3A_88 = vector.load %arg3[%swap3A_86, %swap3A_87] : memref<2048x2xf32, #tpu.memory_space<vmem>>, vector<2048x2xf32>
    tpu.vector_store %arg3[%swap3A_86, %swap3A_87], %concatenate3A_85 {strides = array<i32>} : memref<2048x2xf32, #tpu.memory_space<vmem>>, vector<2048x2xf32>,
    %convert_element_type3A_89 = arith.fptosi %floor3A : vector<1x64xf32> to vector<1x64xi32>
    %convert_element_type3A_90 = arith.fptosi %dot_general3A_56 : vector<1x64xf32> to vector<1x64xi32>
    %reduce_sum3A_91 = arith.constant dense<0> : vector<1xi32>
    %reduce_sum3A_92 = vector.multi_reduction <add>, %convert_element_type3A_89, %reduce_sum3A_91 [1] : vector<1x64xi32> to vector<1xi32>
    %broadcast_in_dim3A_93 = vector.shape_cast %reduce_sum3A_92 : vector<1xi32> to vector<1x1xi32>
    %iota3A_94 = tpu.iota {dimensions = array<i32: 1>} : vector<1x64xi32>
    %gt3A = arith.constant 0 : i32
    %gt3A_95 = vector.broadcast %gt3A : i32 to vector<1x64xi32>
    %gt3A_96 = arith.cmpi sgt, %convert_element_type3A_89, %gt3A_95 : vector<1x64xi32>
    %jit3A_97 = arith.constant 0 : i32
    %broadcast_in_dim3A_98 = vector.broadcast %jit3A_97 : i32 to vector<1x64xi32>
    %select_n3A_99 = arith.select %gt3A_96, %iota3A_94, %broadcast_in_dim3A_98 : vector<1x64xi1>, vector<1x64xi32>
    %reduce_max3A_100 = arith.constant dense<-2147483648> : vector<1xi32>
    %reduce_max3A_101 = vector.multi_reduction <maxsi>, %select_n3A_99, %reduce_max3A_100 [1] : vector<1x64xi32> to vector<1xi32>
    %broadcast_in_dim3A_102 = vector.shape_cast %reduce_max3A_101 : vector<1xi32> to vector<1x1xi32>
    %iota3A_103 = tpu.iota {dimensions = array<i32: 0>} : vector<96x1xi32>
    %ge3A = vector.broadcast %iota3A_103 : vector<96x1xi32> to vector<96x64xi32>
    %ge3A_104 = vector.broadcast %convert_element_type3A_90 : vector<1x64xi32> to vector<96x64xi32>
    %ge3A_105 = arith.cmpi sge, %ge3A, %ge3A_104 : vector<96x64xi32>
    %add3A_106 = arith.addi %convert_element_type3A_90, %convert_element_type3A_89 : vector<1x64xi32>
    %lt3A_107 = vector.broadcast %iota3A_103 : vector<96x1xi32> to vector<96x64xi32>
    %lt3A_108 = vector.broadcast %add3A_106 : vector<1x64xi32> to vector<96x64xi32>
    %lt3A_109 = arith.cmpi slt, %lt3A_107, %lt3A_108 : vector<96x64xi32>
    %and3A = arith.andi %ge3A_105, %lt3A_109 : vector<96x64xi1>
    %jit3A_110 = arith.constant 0 : i32
    %broadcast_in_dim3A_111 = vector.shape_cast %iota3A_94 : vector<1x64xi32> to vector<1x64xi32>
    %broadcast_in_dim3A_112 = vector.broadcast %broadcast_in_dim3A_111 : vector<1x64xi32> to vector<96x64xi32>
    %broadcast_in_dim3A_113 = vector.broadcast %jit3A_110 : i32 to vector<96x64xi32>
    %select_n3A_114 = arith.select %and3A, %broadcast_in_dim3A_112, %broadcast_in_dim3A_113 : vector<96x64xi1>, vector<96x64xi32>
    %reduce_sum3A_115 = arith.constant dense<0> : vector<96xi32>
    %reduce_sum3A_116 = vector.multi_reduction <add>, %select_n3A_114, %reduce_sum3A_115 [1] : vector<96x64xi32> to vector<96xi32>
    %broadcast_in_dim3A_117 = vector.shape_cast %reduce_sum3A_116 : vector<96xi32> to vector<96x1xi32>
    %lt3A_118 = vector.broadcast %broadcast_in_dim3A_93 : vector<1x1xi32> to vector<96x1xi32>
    %lt3A_119 = arith.cmpi slt, %iota3A_103, %lt3A_118 : vector<96x1xi32>
    %convert_element_type3A_120 = arith.extui %lt3A_119 : vector<96x1xi1> to vector<96x1xi32>
    %eq3A_121 = arith.constant 1 : i32
    %eq3A_122 = vector.broadcast %eq3A_121 : i32 to vector<96x1xi32>
    %eq3A_123 = arith.cmpi eq, %convert_element_type3A_120, %eq3A_122 : vector<96x1xi32>
    %broadcast_in_dim3A_124 = vector.shape_cast %broadcast_in_dim3A_102 : vector<1x1xi32> to vector<1x1xi32>
    %broadcast_in_dim3A_125 = vector.broadcast %broadcast_in_dim3A_124 : vector<1x1xi32> to vector<96x1xi32>
    %select_n3A_126 = arith.select %eq3A_123, %broadcast_in_dim3A_117, %broadcast_in_dim3A_125 : vector<96x1xi1>, vector<96x1xi32>
    %swap3A_127 = arith.constant 0 : index
    %swap3A_128 = arith.constant 0 : index
    %swap3A_129 = vector.load %arg4[%swap3A_127, %swap3A_128] : memref<96x1xi32, #tpu.memory_space<vmem>>, vector<96x1xi32>
    tpu.vector_store %arg4[%swap3A_127, %swap3A_128], %select_n3A_126 {strides = array<i32>} : memref<96x1xi32, #tpu.memory_space<vmem>>, vector<96x1xi32>,
    %swap3A_130 = arith.constant 0 : index
    %swap3A_131 = arith.constant 0 : index
    %swap3A_132 = vector.load %arg5[%swap3A_130, %swap3A_131] : memref<96x1xi32, #tpu.memory_space<vmem>>, vector<96x1xi32>
    tpu.vector_store %arg5[%swap3A_130, %swap3A_131], %convert_element_type3A_120 {strides = array<i32>} : memref<96x1xi32, #tpu.memory_space<vmem>>, vector<96x1xi32>,
    return
  }
}

module attributes {stable_mosaic.version = 14 : i64} {
  func.func @_gemm_body(%arg0: i32, %arg1: i32, %arg2: memref<96xi32, #tpu.memory_space<smem>>, %arg3: memref<96xi32, #tpu.memory_space<smem>>, %arg4: memref<1x128x1xi32, #tpu.memory_space<vmem>>, %arg5: memref<2048x1024xf32, #tpu.memory_space<vmem>>, %arg6: memref<1x1024x1024xf32, #tpu.memory_space<vmem>>, %arg7: memref<1x1024x1024xf32, #tpu.memory_space<vmem>>, %arg8: memref<1x1024x1024xf32, #tpu.memory_space<vmem>>, %arg9: memref<1x128x1xf32, #tpu.memory_space<vmem>>, %arg10: memref<128x1024xf32, #tpu.memory_space<vmem>>, %arg11: memref<128x1024xf32, #tpu.memory_space<vmem>>) attributes {dimension_semantics = [#tpu.dimension_semantics<arbitrary>, #tpu.dimension_semantics<arbitrary>], iteration_bounds = array<i64: 96, 2>, scalar_prefetch = 2 : i64, scratch_operands = 1 : i64, tpu.core_type = #tpu.core_type<tc>, window_params = [{transform_indices = @transform_0, window_bounds = array<i64: 1, 128, 1>}, {pipeline_mode = #tpu.pipeline_mode<synchronous>, transform_indices = @transform_1, window_bounds = array<i64: 2048, 1024>}, {transform_indices = @transform_2, window_bounds = array<i64: 1, 1024, 1024>}, {transform_indices = @transform_3, window_bounds = array<i64: 1, 1024, 1024>}, {transform_indices = @transform_4, window_bounds = array<i64: 1, 1024, 1024>}, {transform_indices = @transform_5, window_bounds = array<i64: 1, 128, 1>}, {transform_indices = @transform_6, window_bounds = array<i64: 128, 1024>}]} {
    %get3A = arith.index_cast %arg0 : i32 to index
    %get3A_0 = memref.load %arg3[%get3A] : memref<96xi32, #tpu.memory_space<smem>>
    %eq3A = arith.constant 1 : i32
    %eq3A_1 = arith.cmpi eq, %get3A_0, %eq3A : i32
    %convert_element_type3A = arith.extui %eq3A_1 : i1 to i32
    %cond3A = arith.constant 0 : i32
    %cond3A_2 = arith.cmpi ne, %convert_element_type3A, %cond3A : i32
    scf.if %cond3A_2 {
      %eq3A_3 = arith.constant 0 : i32
      %eq3A_4 = arith.cmpi eq, %arg1, %eq3A_3 : i32
      %convert_element_type3A_5 = arith.extui %eq3A_4 : i1 to i32
      %cond3A_6 = arith.constant 0 : i32
      %cond3A_7 = arith.cmpi ne, %convert_element_type3A_5, %cond3A_6 : i32
      scf.if %cond3A_7 {
        %get3A_51 = arith.constant 0 : index
        %get3A_52 = arith.constant 0 : index
        %get3A_53 = arith.constant 0 : index
        %get3A_54 = vector.load %arg4[%get3A_51, %get3A_52, %get3A_53] : memref<1x128x1xi32, #tpu.memory_space<vmem>>, vector<1x128x1xi32>
        %get3A_55 = vector.shape_cast %get3A_54 : vector<1x128x1xi32> to vector<128x1xi32>
        %iota3A = tpu.iota {dimensions = array<i32: 1>} : vector<128x2048xi32>
        %eq3A_56 = vector.broadcast %get3A_55 : vector<128x1xi32> to vector<128x2048xi32>
        %eq3A_57 = arith.cmpi eq, %iota3A, %eq3A_56 : vector<128x2048xi32>
        %convert_element_type3A_58 = arith.extui %eq3A_57 : vector<128x2048xi1> to vector<128x2048xi32>
        %convert_element_type3A_59 = arith.sitofp %convert_element_type3A_58 : vector<128x2048xi32> to vector<128x2048xf32>
        %get3A_60 = arith.constant 0 : index
        %get3A_61 = arith.constant 0 : index
        %get3A_62 = vector.load %arg5[%get3A_60, %get3A_61] : memref<2048x1024xf32, #tpu.memory_space<vmem>>, vector<2048x1024xf32>
        %dot_general3A_63 = arith.constant dense<0.000000e+00> : vector<128x1024xf32>
        %dot_general3A_64 = tpu.matmul %convert_element_type3A_59, %get3A_62, %dot_general3A_63 {dimension_numbers = #tpu.dot_dimension_numbers<[1], [0], [0], [1], [0, 0, 1, 1], [], []>, transpose_lhs_hint = false} : vector<128x2048xf32>, vector<2048x1024xf32>, vector<128x1024xf32> -> vector<128x1024xf32>
        %swap3A = arith.constant 0 : index
        %swap3A_65 = arith.constant 0 : index
        %swap3A_66 = vector.load %arg11[%swap3A, %swap3A_65] : memref<128x1024xf32, #tpu.memory_space<vmem>>, vector<128x1024xf32>
        tpu.vector_store %arg11[%swap3A, %swap3A_65], %dot_general3A_64 {strides = array<i32>} : memref<128x1024xf32, #tpu.memory_space<vmem>>, vector<128x1024xf32>,
      } else {
      }
      %get3A_8 = arith.constant 0 : index
      %get3A_9 = arith.constant 0 : index
      %get3A_10 = vector.load %arg11[%get3A_8, %get3A_9] : memref<128x1024xf32, #tpu.memory_space<vmem>>, vector<128x1024xf32>
      %get3A_11 = arith.constant 0 : index
      %get3A_12 = arith.constant 0 : index
      %get3A_13 = arith.constant 0 : index
      %get3A_14 = vector.load %arg6[%get3A_11, %get3A_12, %get3A_13] : memref<1x1024x1024xf32, #tpu.memory_space<vmem>>, vector<1x1024x1024xf32>
      %get3A_15 = vector.shape_cast %get3A_14 : vector<1x1024x1024xf32> to vector<1024x1024xf32>
      %dot_general3A = arith.constant dense<0.000000e+00> : vector<128x1024xf32>
      %dot_general3A_16 = tpu.matmul %get3A_10, %get3A_15, %dot_general3A {dimension_numbers = #tpu.dot_dimension_numbers<[1], [1], [0], [0], [0, 0, 1, 0], [], []>, transpose_lhs_hint = false} : vector<128x1024xf32>, vector<1024x1024xf32>, vector<128x1024xf32> -> vector<128x1024xf32>
      %get3A_17 = arith.constant 0 : index
      %get3A_18 = arith.constant 0 : index
      %get3A_19 = arith.constant 0 : index
      %get3A_20 = vector.load %arg7[%get3A_17, %get3A_18, %get3A_19] : memref<1x1024x1024xf32, #tpu.memory_space<vmem>>, vector<1x1024x1024xf32>
      %get3A_21 = vector.shape_cast %get3A_20 : vector<1x1024x1024xf32> to vector<1024x1024xf32>
      %dot_general3A_22 = arith.constant dense<0.000000e+00> : vector<128x1024xf32>
      %dot_general3A_23 = tpu.matmul %get3A_10, %get3A_21, %dot_general3A_22 {dimension_numbers = #tpu.dot_dimension_numbers<[1], [1], [0], [0], [0, 0, 1, 0], [], []>, transpose_lhs_hint = false} : vector<128x1024xf32>, vector<1024x1024xf32>, vector<128x1024xf32> -> vector<128x1024xf32>
      %logistic3A = arith.negf %dot_general3A_16 : vector<128x1024xf32>
      %logistic3A_24 = math.exp %logistic3A : vector<128x1024xf32>
      %logistic3A_25 = arith.constant 1.000000e+00 : f32
      %logistic3A_26 = vector.broadcast %logistic3A_25 : f32 to vector<128x1024xf32>
      %logistic3A_27 = arith.addf %logistic3A_26, %logistic3A_24 : vector<128x1024xf32>
      %logistic3A_28 = arith.divf %logistic3A_26, %logistic3A_27 : vector<128x1024xf32>
      %mul3A = arith.mulf %dot_general3A_16, %logistic3A_28 : vector<128x1024xf32>
      %mul3A_29 = arith.mulf %mul3A, %dot_general3A_23 : vector<128x1024xf32>
      %get3A_30 = arith.constant 0 : index
      %get3A_31 = arith.constant 0 : index
      %get3A_32 = arith.constant 0 : index
      %get3A_33 = vector.load %arg8[%get3A_30, %get3A_31, %get3A_32] : memref<1x1024x1024xf32, #tpu.memory_space<vmem>>, vector<1x1024x1024xf32>
      %get3A_34 = vector.shape_cast %get3A_33 : vector<1x1024x1024xf32> to vector<1024x1024xf32>
      %dot_general3A_35 = arith.constant dense<0.000000e+00> : vector<128x1024xf32>
      %dot_general3A_36 = tpu.matmul %mul3A_29, %get3A_34, %dot_general3A_35 {dimension_numbers = #tpu.dot_dimension_numbers<[1], [1], [0], [0], [0, 0, 1, 0], [], []>, transpose_lhs_hint = false} : vector<128x1024xf32>, vector<1024x1024xf32>, vector<128x1024xf32> -> vector<128x1024xf32>
      %eq3A_37 = arith.constant 0 : i32
      %eq3A_38 = arith.cmpi eq, %arg1, %eq3A_37 : i32
      %convert_element_type3A_39 = arith.extui %eq3A_38 : i1 to i32
      %cond3A_40 = arith.constant 0 : i32
      %cond3A_41 = arith.cmpi ne, %convert_element_type3A_39, %cond3A_40 : i32
      scf.if %cond3A_41 {
        %swap3A = arith.constant 0 : index
        %swap3A_51 = arith.constant 0 : index
        %swap3A_52 = vector.load %arg10[%swap3A, %swap3A_51] : memref<128x1024xf32, #tpu.memory_space<vmem>>, vector<128x1024xf32>
        tpu.vector_store %arg10[%swap3A, %swap3A_51], %dot_general3A_36 {strides = array<i32>} : memref<128x1024xf32, #tpu.memory_space<vmem>>, vector<128x1024xf32>,
      } else {
      }
      %gt3A = arith.constant 0 : i32
      %gt3A_42 = arith.cmpi sgt, %arg1, %gt3A : i32
      %convert_element_type3A_43 = arith.extui %gt3A_42 : i1 to i32
      %cond3A_44 = arith.constant 0 : i32
      %cond3A_45 = arith.cmpi ne, %convert_element_type3A_43, %cond3A_44 : i32
      scf.if %cond3A_45 {
        %get3A_51 = arith.constant 0 : index
        %get3A_52 = arith.constant 0 : index
        %get3A_53 = vector.load %arg10[%get3A_51, %get3A_52] : memref<128x1024xf32, #tpu.memory_space<vmem>>, vector<128x1024xf32>
        %add3A = arith.addf %get3A_53, %dot_general3A_36 : vector<128x1024xf32>
        %swap3A = arith.constant 0 : index
        %swap3A_54 = arith.constant 0 : index
        %swap3A_55 = vector.load %arg10[%swap3A, %swap3A_54] : memref<128x1024xf32, #tpu.memory_space<vmem>>, vector<128x1024xf32>
        tpu.vector_store %arg10[%swap3A, %swap3A_54], %add3A {strides = array<i32>} : memref<128x1024xf32, #tpu.memory_space<vmem>>, vector<128x1024xf32>,
      } else {
      }
      %eq3A_46 = arith.constant 1 : i32
      %eq3A_47 = arith.cmpi eq, %arg1, %eq3A_46 : i32
      %convert_element_type3A_48 = arith.extui %eq3A_47 : i1 to i32
      %cond3A_49 = arith.constant 0 : i32
      %cond3A_50 = arith.cmpi ne, %convert_element_type3A_48, %cond3A_49 : i32
      scf.if %cond3A_50 {
        %get3A_51 = arith.constant 0 : index
        %get3A_52 = arith.constant 0 : index
        %get3A_53 = vector.load %arg10[%get3A_51, %get3A_52] : memref<128x1024xf32, #tpu.memory_space<vmem>>, vector<128x1024xf32>
        %get3A_54 = arith.constant 0 : index
        %get3A_55 = arith.constant 0 : index
        %get3A_56 = arith.constant 0 : index
        %get3A_57 = vector.load %arg9[%get3A_54, %get3A_55, %get3A_56] : memref<1x128x1xf32, #tpu.memory_space<vmem>>, vector<1x128x1xf32>
        %get3A_58 = vector.shape_cast %get3A_57 : vector<1x128x1xf32> to vector<128x1xf32>
        %mul3A_59 = vector.broadcast %get3A_58 : vector<128x1xf32> to vector<128x1024xf32>
        %mul3A_60 = arith.mulf %get3A_53, %mul3A_59 : vector<128x1024xf32>
        %swap3A = arith.constant 0 : index
        %swap3A_61 = arith.constant 0 : index
        %swap3A_62 = vector.load %arg10[%swap3A, %swap3A_61] : memref<128x1024xf32, #tpu.memory_space<vmem>>, vector<128x1024xf32>
        tpu.vector_store %arg10[%swap3A, %swap3A_61], %mul3A_60 {strides = array<i32>} : memref<128x1024xf32, #tpu.memory_space<vmem>>, vector<128x1024xf32>,
      } else {
      }
    } else {
    }
    return
  }
  func.func @transform_0(%arg0: i32, %arg1: i32, %arg2: memref<96xi32, #tpu.memory_space<smem>>, %arg3: memref<96xi32, #tpu.memory_space<smem>>) -> (i32, i32, i32) {
    %c0_i32 = arith.constant 0 : i32
    %c0_i32_0 = arith.constant 0 : i32
    %c0_i32_1 = arith.constant 0 : i32
    return %arg0, %c0_i32, %c0_i32_0 : i32, i32, i32
  }
  func.func @transform_1(%arg0: i32, %arg1: i32, %arg2: memref<96xi32, #tpu.memory_space<smem>>, %arg3: memref<96xi32, #tpu.memory_space<smem>>) -> (i32, i32) {
    %c0_i32 = arith.constant 0 : i32
    %c0_i32_0 = arith.constant 0 : i32
    %c0_i32_1 = arith.constant 0 : i32
    return %c0_i32, %c0_i32_0 : i32, i32
  }
  func.func @transform_2(%arg0: i32, %arg1: i32, %arg2: memref<96xi32, #tpu.memory_space<smem>>, %arg3: memref<96xi32, #tpu.memory_space<smem>>) -> (i32, i32, i32) {
    %get3A = arith.index_cast %arg0 : i32 to index
    %get3A_0 = memref.load %arg2[%get3A] : memref<96xi32, #tpu.memory_space<smem>>
    %get3A_1 = arith.index_cast %arg0 : i32 to index
    %get3A_2 = memref.load %arg3[%get3A_1] : memref<96xi32, #tpu.memory_space<smem>>
    %eq3A = arith.constant 1 : i32
    %eq3A_3 = arith.cmpi eq, %get3A_2, %eq3A : i32
    %jit3A = arith.constant 1 : i32
    %select_n3A = arith.select %eq3A_3, %arg1, %jit3A : i32
    %c0_i32 = arith.constant 0 : i32
    %c0_i32_4 = arith.constant 0 : i32
    return %get3A_0, %select_n3A, %c0_i32 : i32, i32, i32
  }
  func.func @transform_3(%arg0: i32, %arg1: i32, %arg2: memref<96xi32, #tpu.memory_space<smem>>, %arg3: memref<96xi32, #tpu.memory_space<smem>>) -> (i32, i32, i32) {
    %get3A = arith.index_cast %arg0 : i32 to index
    %get3A_0 = memref.load %arg2[%get3A] : memref<96xi32, #tpu.memory_space<smem>>
    %get3A_1 = arith.index_cast %arg0 : i32 to index
    %get3A_2 = memref.load %arg3[%get3A_1] : memref<96xi32, #tpu.memory_space<smem>>
    %eq3A = arith.constant 1 : i32
    %eq3A_3 = arith.cmpi eq, %get3A_2, %eq3A : i32
    %jit3A = arith.constant 1 : i32
    %select_n3A = arith.select %eq3A_3, %arg1, %jit3A : i32
    %c0_i32 = arith.constant 0 : i32
    %c0_i32_4 = arith.constant 0 : i32
    return %get3A_0, %select_n3A, %c0_i32 : i32, i32, i32
  }
  func.func @transform_4(%arg0: i32, %arg1: i32, %arg2: memref<96xi32, #tpu.memory_space<smem>>, %arg3: memref<96xi32, #tpu.memory_space<smem>>) -> (i32, i32, i32) {
    %get3A = arith.index_cast %arg0 : i32 to index
    %get3A_0 = memref.load %arg2[%get3A] : memref<96xi32, #tpu.memory_space<smem>>
    %get3A_1 = arith.index_cast %arg0 : i32 to index
    %get3A_2 = memref.load %arg3[%get3A_1] : memref<96xi32, #tpu.memory_space<smem>>
    %eq3A = arith.constant 1 : i32
    %eq3A_3 = arith.cmpi eq, %get3A_2, %eq3A : i32
    %jit3A = arith.constant 1 : i32
    %select_n3A = arith.select %eq3A_3, %arg1, %jit3A : i32
    %c0_i32 = arith.constant 0 : i32
    %c0_i32_4 = arith.constant 0 : i32
    return %get3A_0, %c0_i32, %select_n3A : i32, i32, i32
  }
  func.func @transform_5(%arg0: i32, %arg1: i32, %arg2: memref<96xi32, #tpu.memory_space<smem>>, %arg3: memref<96xi32, #tpu.memory_space<smem>>) -> (i32, i32, i32) {
    %c0_i32 = arith.constant 0 : i32
    %c0_i32_0 = arith.constant 0 : i32
    %c0_i32_1 = arith.constant 0 : i32
    return %arg0, %c0_i32, %c0_i32_0 : i32, i32, i32
  }
  func.func @transform_6(%arg0: i32, %arg1: i32, %arg2: memref<96xi32, #tpu.memory_space<smem>>, %arg3: memref<96xi32, #tpu.memory_space<smem>>) -> (i32, i32) {
    %c0_i32 = arith.constant 0 : i32
    %c0_i32_0 = arith.constant 0 : i32
    return %arg0, %c0_i32 : i32, i32
  }
}

</mosaic_0001>

<sc_bundles>
// kernel: kernel.6.cloned.1.call-start
scs
__scs_entry_jumppad:
0x0: {  	(pc) =	sbr.rel $0x88, $3  }
0x1: {  	(tag) =	ssettag $0x0;
	lr =	simm.s32 $0x1  }
0x2: {  	[smem:$0x3F9C] =	sst lr;
	_ =	strace $0xD0000000  }
0x3: {  	_ = 	snop  }
0x4: {  	_ = 	snop  }
0x5: {  	_ = 	snop  }
0x6: {  	_ = 	snop  }
0x7: {  	_ = 	snop  }
__scs_overlays_trampoline_lowered:
0x8: {  	[smem:$0x3FAB] =	sst s0  }
0x9: {  	[smem:$0x3FAC] =	sst s1  }
0xa: {  	[smem:$0x3FAD] =	sst s2  }
0xb: {  	[smem:$0x3FAE] =	sst s3  }
0xc: {  	[smem:$0x3FAF] =	sst s4  }
0xd: {  	[smem:$0x3FB0] =	sst s5  }
0xe: {  	[smem:$0x3FB1] =	sst s6  }
0xf: {  	[smem:$0x3FB2] =	sst s7  }
0x10: {  	[smem:$0x3FB3] =	sst s8  }
0x11: {  	[smem:$0x3FB4] =	sst s9;
	s0 =	simm.s32 @!p0 $0x0  }
0x12: {  	s1 =	sld [smem:$0x3F9A];
	s0 =	simm.s32 @p0 $0x1  }
0x13: {  	[smem:$0x3FB5] =	sst s0;
	s0 =	simm.s32 @!p1 $0x0  }
0x14: {  	s2 =	sld [smem:$0x3F99];
	s0 =	simm.s32 @p1 $0x1  }
0x15: {  	[smem:$0x3FB6] =	sst s0;
	s0 =	simm.s32 @!p2 $0x0  }
0x16: {  	s3 =	sld [smem:$0x3FDB];
	s0 =	simm.s32 @p2 $0x1  }
0x17: {  	s4 =	simm.s32 $0x1BF5;
	[smem:$0x3FB8] =	sst s0  }
0x18: {  	s0 =	sld [smem:$0x3F9B];
	_ =	swait.ge [sflag:s4], $0x0  }
0x19: {  	s7 =	sld [smem:$0x3F9C]  }
0x1a: {  	s8 =	sadd.s32 $0xFFFFE003, lr  }
0x1b: {  	s9 =	sadd.s32 $0xFFFFFEF7, lr;
	s5 =	simm.s32 $0xFFFFFFFF;
	p2 =	slt.u32 s8, $0xFFFFF086  }
0x1c: {  	p1 =	slt.u32 s9, $0xF7A;
	s5 =	simm.s32 @!p2 $0x0  }
0x1d: {  	s5 =	simm.s32 @p1 $0x1;
	p0 =	seq.s32 s7, s2  }
0x1e: {  	s7 =	smul.u32 @!p0 $0xF7A, s2;
	p2 =	seq.s32 @!p0 s5, $0x0  }
0x1f: {  	s9 =	smul.u32 $0xF7A, s1;
	s8 =	simm.s32 @!p0 $0x1BF5;
	p2 =	por !p2, p0  }
0x20: {  	[sflag:s8] =	ssyncset.s32 @!p0 $0xFFFFF086;
	s6 =	sadd.s32 @!p0 s3, s7;
	s7 =	simm.s32 @!p0 $0x108  }
0x21: {  	s3 =	sadd.s32 s3, s9;
	s6 =	sadd.s32 @!p0 $0x88, s6;
	s7 =	simm.s32 @p2 $0x1082  }
0x22: {  	[simem:s7], [sflag:s8] =	dma.local @!p0 [hbm:s6], $0xF7A  }
0x23: {  	s9 =	sor.u32 $0xD0000000, s2;
	s6 =	simm.s32 $0x108;
	_ =	swait.ge @!p0 [sflag:s8], $0x0  }
0x24: {  	s3 =	sadd.s32 $0x88, s3;
	s6 =	simm.s32 @!p1 $0x1082;
	[sflag:s4] =	ssyncset.s32 $0xFFFFF086  }
0x25: {  	[simem:s6], [sflag:s4] =	dma.local [hbm:s3], $0xF7A  }
0x26: {  	[smem:$0x3F9C] =	sst s1;
	(tag) =	ssettag s2;
	_ =	strace s9  }
0x27: {  	s1 =	sld [smem:$0x3FAC]  }
0x28: {  	s2 =	sld [smem:$0x3FAD]  }
0x29: {  	s4 =	sld [smem:$0x3FAF]  }
0x2a: {  	p0 =	seq.s32 s5, $0x0;
	s5 =	sld [smem:$0x3FB0]  }
0x2b: {  	s6 =	sld [smem:$0x3FB1]  }
0x2c: {  	s7 =	sld [smem:$0x3FB2]  }
0x2d: {  	s3 =	simm.s32 $0x108;
	s8 =	sld [smem:$0x3FB3]  }
0x2e: {  	s3 =	simm.s32 @!p0 $0x1082;
	s9 =	sld [smem:$0x3FB4]  }
0x2f: {  	lr =	sadd.s32 s0, s3;
	s0 =	sld [smem:$0x3FAB]  }
0x30: {  	s3 =	sld [smem:$0x3FAE]  }
0x31: {  	[smem:$0x3FB7] =	sst s10  }
0x32: {  	s10 =	sld [smem:$0x3FB5];
	_ =	sdelay $0x3  }
0x33: {  	p0 =	seq.s32 s10, $0x1;
	s10 =	sld [smem:$0x3FB7];
	_ =	sdelay $0x3  }
0x34: {  	[smem:$0x3FB7] =	sst s10  }
0x35: {  	s10 =	sld [smem:$0x3FB6];
	_ =	sdelay $0x3  }
0x36: {  	p1 =	seq.s32 s10, $0x1;
	s10 =	sld [smem:$0x3FB7];
	_ =	sdelay $0x3  }
0x37: {  	[smem:$0x3FB7] =	sst s10  }
0x38: {  	s10 =	sld [smem:$0x3FB8]  }
0x39: {  	_ = 	snop;
	(pc) =	sbr.ind lr, $3  }
0x3a: {  	_ = 	snop  }
0x3b: {  	_ = 	snop  }
0x3c: {  	p2 =	seq.s32 s10, $0x1;
	s10 =	sld [smem:$0x3FB7]  }
0x3d: {  	_ =	shalt  }
0x3e: {  	_ =	shalt  }
0x3f: {  	_ =	shalt  }
0x40: {  	_ =	shalt  }
0x41: {  	_ =	shalt  }
0x42: {  	_ =	shalt  }
0x43: {  	_ =	shalt  }
0x44: {  	_ =	shalt  }
0x45: {  	_ =	shalt  }
0x46: {  	_ =	shalt  }
0x47: {  	_ =	shalt  }
0x48: {  	_ =	shalt  }
0x49: {  	_ =	shalt  }
0x4a: {  	_ =	shalt  }
0x4b: {  	_ =	shalt  }
0x4c: {  	_ =	shalt  }
0x4d: {  	_ =	shalt  }
0x4e: {  	_ =	shalt  }
0x4f: {  	_ =	shalt  }
0x50: {  	_ =	shalt  }
0x51: {  	_ =	shalt  }
0x52: {  	_ =	shalt  }
0x53: {  	_ =	shalt  }
0x54: {  	_ =	shalt  }
0x55: {  	_ =	shalt  }
0x56: {  	_ =	shalt  }
0x57: {  	_ =	shalt  }
0x58: {  	_ =	shalt  }
0x59: {  	_ =	shalt  }
0x5a: {  	_ =	shalt  }
0x5b: {  	_ =	shalt  }
0x5c: {  	_ =	shalt  }
0x5d: {  	_ =	shalt  }
0x5e: {  	_ =	shalt  }
0x5f: {  	_ =	shalt  }
0x60: {  	_ =	shalt  }
0x61: {  	_ =	shalt  }
0x62: {  	_ =	shalt  }
0x63: {  	_ =	shalt  }
0x64: {  	_ =	shalt  }
0x65: {  	_ =	shalt  }
0x66: {  	_ =	shalt  }
0x67: {  	_ =	shalt  }
0x68: {  	_ =	shalt  }
0x69: {  	_ =	shalt  }
0x6a: {  	_ =	shalt  }
0x6b: {  	_ =	shalt  }
0x6c: {  	_ =	shalt  }
0x6d: {  	_ =	shalt  }
0x6e: {  	_ =	shalt  }
0x6f: {  	_ =	shalt  }
0x70: {  	_ =	shalt  }
0x71: {  	_ =	shalt  }
0x72: {  	_ =	shalt  }
0x73: {  	_ =	shalt  }
0x74: {  	_ =	shalt  }
0x75: {  	_ =	shalt  }
0x76: {  	_ =	shalt  }
0x77: {  	_ =	shalt  }
0x78: {  	_ =	shalt  }
0x79: {  	_ =	shalt  }
0x7a: {  	_ =	shalt  }
0x7b: {  	_ =	shalt  }
0x7c: {  	_ =	shalt  }
0x7d: {  	_ =	shalt  }
0x7e: {  	_ =	shalt  }
0x7f: {  	_ =	shalt  }
0x80: {  	_ =	shalt  }
0x81: {  	_ =	shalt  }
0x82: {  	_ =	shalt  }
0x83: {  	_ =	shalt  }
0x84: {  	_ =	shalt  }
0x85: {  	_ =	shalt  }
0x86: {  	_ =	shalt  }
0x87: {  	_ =	shalt  }
.Lfunc_end0:
.L_simem_size_0:
called_computation_lowered:
.L_overlay_start_0:
0x88: {  	s2 =	sld [smem:$0x3FD9]  }
0x89: {  	s3 =	sld [smem:$0x3FFE];
	_ =	sdelay $0x1  }
0x8a: {  	s1 =	srdreg.scid  }
0x8b: {  	s0 =	sand.u32 $0x1, s1  }
0x8c: {  	s17 =	sshll.u32 s0, $0xA;
	s2 =	sadd.s32 s3, s2  }
0x8d: {  	s2 =	sadd.s32 s2, s17  }
0x8e: {  	[smem:$0x3FC3] =	sst s2  }
0x8f: {  	_ = 	snop  }
0x90: {  	s2 =	sld [smem:$0x3FD0];
	(tm) =	ssettm $0x1  }
0x91: {  	s18 =	sld [smem:$0x3FFB];
	_ =	sdelay $0x3  }
0x92: {  	_ =	strace s18  }
0x93: {  	s3 =	sld [smem:$0x3FFC];
	_ =	sdelay $0x3  }
0x94: {  	_ =	strace s3  }
0x95: {  	s3 =	sld [smem:$0x3FFD];
	_ =	sdelay $0x3  }
0x96: {  	_ =	strace s3  }
0x97: {  	_ =	strace $0x8FFFFFFF  }
0x98: {  	s19 =	sld [smem:$0x3FDB];
	_ =	sdelay $0x1  }
0x99: {  	s4 =	simm.s32 $_scs_section_size  }
0x9a: {  	s5 =	simm.s32 $_size__tile_overlayer_lowered;
	s6 =	simm.s32 $_tile_overlayer_lowered  }
0x9b: {  	s22 =	simm.s32 $0x1BFF;
	s21 =	sshll.u32 s6, $0x1;
	s3 =	sadd.s32 s4, s19  }
0x9c: {  	s7 =	simm.s32 $0x0;
	s20 =	sshll.u32 s5, $0x1;
	s5 =	sadd.s32 s21, s3  }
0x9d: {  	[timem:s7], [sflag:s22] =	dma.local [hbm:s5], s20  }
0x9e: {  	_ =	swait.ge [sflag:s22], s20  }
0x9f: {  	s4 =	ssub.s32 $0x0, s20;
	[sflag:s22] =	ssyncset.done $0x0  }
0xa0: {  	[sflag:s22] =	ssyncadd.s32 s4;
	_ =	sdelay $0x1  }
0xa1: {  	s23 =	simm.s32 $0x1B8B  }
0xa2: {  	_ =	swait.ge [sflag:s23], $0x1  }
0xa3: {  	[sflag:s23] =	ssyncset.done $0x0  }
0xa4: {  	s25 =	simm.s32 $0x1B8E;
	s24 =	sld [smem:$0x3FFE];
	[sflag:s23] =	ssyncadd.s32 $0xFFFFFFFF  }
0xa5: {  	s26 =	simm.s32 $execute0_lowered;
	[smem:$0x3FD2] =	sst s25  }
0xa6: {  	s5 =	sshll.u32 s26, $0x1;
	_ =	strace $0x80000046;
	[dreg:$0x1] =	wrdreg $0xFFFFFFFF  }
0xa7: {  	s28 =	simm.s32 $_size_execute0_lowered;
	s3 =	sadd.s32 s3, s5;
	[dreg:$0x0] =	wrdreg $0x0  }
0xa8: {  	s5 =	sshll.u32 s28, $0x1;
	[dreg:$0x2] =	wrdreg s3  }
0xa9: {  	[dreg:$0x3] =	wrdreg s5  }
0xaa: {  	[dreg:$0x4] =	wrdreg $0xC0  }
0xab: {  	_ =	task [dreg:s7], $0x5FFFF  }
0xac: {  	[dreg:$0x1] =	wrdreg $0xFFFFFFFF  }
0xad: {  	[dreg:$0x0] =	wrdreg $0x60  }
0xae: {  	[dreg:$0x2] =	wrdreg s24  }
0xaf: {  	[dreg:$0x3] =	wrdreg s2  }
0xb0: {  	[dreg:$0x4] =	wrdreg $0x9  }
0xb1: {  	_ =	task.clear_ibuf [dreg:s7], $0x5FFFF;
	_ =	strace $0x90000046  }
0xb2: {  	s29 =	simm.s32 $0x9;
	_ =	strace $0x80000048  }
0xb3: {  	_ =	swait.ge [sflag:s29], $0x1  }
0xb4: {  	[sflag:s29] =	ssyncadd.s32 $0xFFFFFFFF  }
0xb5: {  	_ =	strace $0x90000048  }
0xb6: {  	_ =	sfence  }
0xb7: {  	s30 =	sld [smem:$0x0];
	_ =	sdelay $0x2  }
0xb8: {  	s31 =	sshll.u32 s1, $0xD;
	s1 =	sshrl.u32 s1, $0x2  }
0xb9: {  	s3 =	sand.u32 $0x4000, s31;
	s1 =	sadd.s32 s1, s30  }
0xba: {  	s0 =	sor.u32 s3, s0;
	s1 =	sshll.u32 s1, $0x11  }
0xbb: {  	s0 =	sor.u32 s1, s0  }
0xbc: {  	s0 =	sadd.s32 $0x8F2B, s0  }
0xbd: {  	[sflag:s0] =	ssyncadd.remote.s32 $0x1  }
0xbe: {  	_ =	sfence.sel $0xFFFF  }
0xbf: {  	[dreg:$0x0] =	wrdreg $0xFFFFFFFF;
	(pc) =	sbr.abs _section_cstart, $3  }
0xc0: {  	[dreg:$0x1] =	wrdreg $0xFFFFFFFF  }
0xc1: {  	_ =	task.clear_ibuf [dreg:s7], $0x2FFFF;
	_ =	strace $0x9FFFFFFF  }
0xc2: {  	(tm) =	ssettm $0x7FFFFFFF  }
0xc3: {  	_ =	shalt  }
tec
execute0_lowered:
.L_overlay_start_1:
0x0: {  	(tag) =	ssettag $0x1  }
0x1: {  	s0 =	srdreg.scid  }
0x2: {  	s3 =	sand.u32 $0x1, s0;
	s0 =	stileid.u32  }
0x3: {  	s4 =	sor.u32 s0, s3  }
0x4: {  	p0 =	sne.s32 s4, $0x0  }
.Ltmp0:
0x5: {  	_ = 	snop;
	(pc) =	sbr.rel @p0 .LBB2_7-.Ltmp0, $4  }
0x6: {  	_ = 	snop  }
0x7: {  	s5 =	rddreg [dreg:$0x0]  }
0x8: {  	s2 =	rddreg [dreg:$0x1]  }
0x9: {  	s1 =	rddreg [dreg:$0x2];
	_ =	strace $0x80000047  }
0xa: {  	s6 =	ssub.s32 $0x2, s3;
	s3 =	sadd.s32 $0xA00, s5;
	s4 =	sadd.s32 $0x800, s5  }
0xb: {  	s5 =	sadd.s32 $0xC00, s5;
	s8 =	simm.s32 $0x1;
	s9 =	simm.s32 $0x1000  }
0xc: {  	s10 =	simm.s32 $0x2000;
	s11 =	simm.s32 $0x5000;
	s7 =	sshrl.u32 s6, $0x1  }
0xd: {  	v0 =	vimm.s32 $0x0;
	v1 =	vimm.f32 $0.0e+00;
	v2 =	vlaneseq.u32;
	s12 =	simm.s32 $0x0;
	s6 =	ssub.s32 s6, s7;
	s7 =	simm.s32 $0x0  }
.LBB2_2:
0xe: {  	[tilespmem:s7], [sflag:$0x1] =	stream.linear.gather [hbm4b:s3+s7], $0x1000, $0x38;
	[tilespmem:$0x8000] =	vst v63  }
0xf: {  	_ =	swait.ge [sflag:s8], $0x1000  }
0x10: {  	[sflag:s8] =	ssyncset.done $0x0  }
0x11: {  	[sflag:s8] =	ssyncadd.s32 $0xFFFFF000  }
0x12: {  	[tilespmem:s9], [sflag:$0x1] =	stream.linear.gather [hbm4b:s4+s7], $0x1000, $0x38;
	[tilespmem:$0x8000] =	vst v63  }
0x13: {  	_ =	swait.ge [sflag:s8], $0x1000  }
0x14: {  	[sflag:s8] =	ssyncset.done $0x0  }
0x15: {  	s13 =	simm.s32 $0x0;
	[sflag:s8] =	ssyncadd.s32 $0xFFFFF000  }
.LBB2_3:
0x16: {  	p0 =	sne.s32 s13, $0xBFC0  }
.Ltmp1:
0x17: {  	_ = 	snop;
	(pc) =	sbr.rel @p0 .LBB2_3-.Ltmp1, $4  }
0x18: {  	_ = 	snop  }
0x19: {  	s14 =	sshra.s32 s13, $0x2  }
0x1a: {  	[tilespmem:s14+$0x2000] =	vst v0  }
0x1b: {  	s13 =	sadd.s32 $0x40, s13;
	[tilespmem:s14+$0x5000] =	vst v1  }
0x1c: {  	s13 =	simm.s32 $0x0  }
0x1d: {  	v3 =	vld [tilespmem:s13+$0x0];
	_ =	sdelay $0x5  }
0x1e: {  	v4 =	vor.u32 s13, v2  }
0x1f: {  	v4 =	vshrl.u32 v4, $0x1  }
0x20: {  	s13 =	simm.s32 $0x1000;
	[tilespmem:v3+s10+$0x0] =	vst.idx.msk $0xffff, v4  }
0x21: {  	v4 =	vld [tilespmem:s13+$0x0];
	_ =	sdelay $0x4  }
0x22: {  	s14 =	simm.s32 $0x10;
	[tilespmem:v3+s11+$0x0] =	vst.idx.msk $0xffff, v4  }
0x23: {  	s15 =	simm.s32 $0x20;
	s16 =	simm.s32 $0x10;
	v3 =	vld [tilespmem:s14+$0x0]  }
.LBB2_5:
0x24: {  	p0 =	sne.s32 s15, $0xFF0;
	_ =	sdelay $0x4  }
0x25: {  	v4 =	vor.u32 s14, v2;
	s14 =	smov.u32 s15  }
0x26: {  	v4 =	vshrl.u32 v4, $0x1  }
0x27: {  	s13 =	sadd.s32 $0x10, s13;
	[tilespmem:v3+s10+$0x0] =	vst.idx.msk $0xffff, v4  }
0x28: {  	v4 =	vld [tilespmem:s13+$0x0];
	_ =	sdelay $0x1  }
.Ltmp2:
0x29: {  	(pc) =	sbr.rel @p0 .LBB2_5-.Ltmp2, $3  }
0x2a: {  	_ =	sdelay $0x1  }
0x2b: {  	s16 =	sadd.s32 $0x10, s16;
	[tilespmem:v3+s11+$0x0] =	vst.idx.msk $0xffff, v4  }
0x2c: {  	s15 =	sadd.s32 $0x10, s15;
	v3 =	vld [tilespmem:s16+$0x0]  }
0x2d: {  	_ =	sdelay $0x5  }
0x2e: {  	v4 =	vor.u32 s14, v2  }
0x2f: {  	v4 =	vshrl.u32 v4, $0x1  }
0x30: {  	s13 =	sadd.s32 $0x10, s13;
	[tilespmem:v3+s10+$0x0] =	vst.idx.msk $0xffff, v4  }
0x31: {  	v4 =	vld [tilespmem:s13+$0x0];
	_ =	sdelay $0x4  }
0x32: {  	[tilespmem:v3+s11+$0x0] =	vst.idx.msk $0xffff, v4  }
0x33: {  	[hbm4b:s2+s7] =	stream.linear.scatter [tilespmem:s10], [sflag:$0x1], $0x3000, $0x38;
	[tilespmem:$0x8000] =	vst v63  }
0x34: {  	s12 =	sadd.s32 $0x1, s12;
	_ =	swait.ge [sflag:s8], $0x3000  }
0x35: {  	p0 =	sne.s32 s12, s6;
	[sflag:s8] =	ssyncset.done $0x0  }
.Ltmp3:
0x36: {  	[sflag:s8] =	ssyncadd.s32 $0xFFFFD000;
	(pc) =	sbr.rel @p0 .LBB2_2-.Ltmp3, $4  }
0x37: {  	[hbm4b:s5+s7] =	stream.linear.scatter [tilespmem:s11], [sflag:$0x1], $0x3000, $0x38;
	[tilespmem:$0x8000] =	vst v63  }
0x38: {  	_ =	swait.ge [sflag:s8], $0x3000  }
0x39: {  	[sflag:s8] =	ssyncset.done $0x0  }
0x3a: {  	[sflag:s8] =	ssyncadd.s32 $0xFFFFD000  }
.LBB2_7:
0x3b: {  	_ =	sfence.sel $0x180000  }
0x3c: {  	[bflag:$0x0] =	sbarrier.arrive $0xFFFF  }
0x3d: {  	p0 =	sne.s32 s0, $0x0;
	_ =	strace $0x90000047  }
0x3e: {  	s0 =	sadd.s32 @!p0 $0x100000, s1;
	[bflag:$0x2] =	sbarrier.arrive $0xFFFF  }
0x3f: {  	[sflag:s0] =	ssyncadd.tile.s32 @!p0 $0x1;
	_ =	shalt  }
.Lfunc_end2:
_tile_overlayer_lowered:
.L_overlay_start_2:
0x40: {  	(tag) =	ssettag $0x2  }
0x41: {  	s0 =	rddreg [dreg:$0x0];
	s2 =	stileid.u32  }
0x42: {  	s1 =	rddreg [dreg:$0x1];
	p0 =	sne.s32 s2, $0x0  }
0x43: {  	s3 =	rddreg [dreg:$0x2];
	[bflag:$0x3] =	sbarrier.arrive $0xFFFF;
	s2 =	simm.s32 @!p0 $0x1C01  }
0x44: {  	[timem:s3], [sflag:s2] =	dma.local @!p0 [hbm:s0], s1  }
0x45: {  	s0 =	simm.s32 @!p0 $0x1  }
0x46: {  	_ =	swait.ge @!p0 [sflag:s0], s1  }
0x47: {  	s1 =	ssub.s32 @!p0 $0x0, s1;
	[sflag:s0] =	ssyncset.done @!p0 $0x0  }
0x48: {  	[sflag:s0] =	ssyncadd.s32 @!p0 s1  }
0x49: {  	[bflag:$0x3] =	sbarrier.arrive $0xFFFF  }
0x4a: {  	_ =	shalt  }

// kernel: kernel.9.cloned.1.call-start
scs
__scs_entry_jumppad:
0x0: {  	(pc) =	sbr.rel $0x88, $3  }
0x1: {  	(tag) =	ssettag $0x0;
	lr =	simm.s32 $0x1  }
0x2: {  	[smem:$0x3F9C] =	sst lr;
	_ =	strace $0xD0000000  }
0x3: {  	_ = 	snop  }
0x4: {  	_ = 	snop  }
0x5: {  	_ = 	snop  }
0x6: {  	_ = 	snop  }
0x7: {  	_ = 	snop  }
__scs_overlays_trampoline_lowered:
0x8: {  	[smem:$0x3FAB] =	sst s0  }
0x9: {  	[smem:$0x3FAC] =	sst s1  }
0xa: {  	[smem:$0x3FAD] =	sst s2  }
0xb: {  	[smem:$0x3FAE] =	sst s3  }
0xc: {  	[smem:$0x3FAF] =	sst s4  }
0xd: {  	[smem:$0x3FB0] =	sst s5  }
0xe: {  	[smem:$0x3FB1] =	sst s6  }
0xf: {  	[smem:$0x3FB2] =	sst s7  }
0x10: {  	[smem:$0x3FB3] =	sst s8  }
0x11: {  	[smem:$0x3FB4] =	sst s9;
	s0 =	simm.s32 @!p0 $0x0  }
0x12: {  	s1 =	sld [smem:$0x3F9A];
	s0 =	simm.s32 @p0 $0x1  }
0x13: {  	[smem:$0x3FB5] =	sst s0;
	s0 =	simm.s32 @!p1 $0x0  }
0x14: {  	s2 =	sld [smem:$0x3F99];
	s0 =	simm.s32 @p1 $0x1  }
0x15: {  	[smem:$0x3FB6] =	sst s0;
	s0 =	simm.s32 @!p2 $0x0  }
0x16: {  	s3 =	sld [smem:$0x3FDB];
	s0 =	simm.s32 @p2 $0x1  }
0x17: {  	s4 =	simm.s32 $0x1BF5;
	[smem:$0x3FB8] =	sst s0  }
0x18: {  	s0 =	sld [smem:$0x3F9B];
	_ =	swait.ge [sflag:s4], $0x0  }
0x19: {  	s7 =	sld [smem:$0x3F9C]  }
0x1a: {  	s8 =	sadd.s32 $0xFFFFE003, lr  }
0x1b: {  	s9 =	sadd.s32 $0xFFFFFEF7, lr;
	s5 =	simm.s32 $0xFFFFFFFF;
	p2 =	slt.u32 s8, $0xFFFFF086  }
0x1c: {  	p1 =	slt.u32 s9, $0xF7A;
	s5 =	simm.s32 @!p2 $0x0  }
0x1d: {  	s5 =	simm.s32 @p1 $0x1;
	p0 =	seq.s32 s7, s2  }
0x1e: {  	s7 =	smul.u32 @!p0 $0xF7A, s2;
	p2 =	seq.s32 @!p0 s5, $0x0  }
0x1f: {  	s9 =	smul.u32 $0xF7A, s1;
	s8 =	simm.s32 @!p0 $0x1BF5;
	p2 =	por !p2, p0  }
0x20: {  	[sflag:s8] =	ssyncset.s32 @!p0 $0xFFFFF086;
	s6 =	sadd.s32 @!p0 s3, s7;
	s7 =	simm.s32 @!p0 $0x108  }
0x21: {  	s3 =	sadd.s32 s3, s9;
	s6 =	sadd.s32 @!p0 $0x88, s6;
	s7 =	simm.s32 @p2 $0x1082  }
0x22: {  	[simem:s7], [sflag:s8] =	dma.local @!p0 [hbm:s6], $0xF7A  }
0x23: {  	s9 =	sor.u32 $0xD0000000, s2;
	s6 =	simm.s32 $0x108;
	_ =	swait.ge @!p0 [sflag:s8], $0x0  }
0x24: {  	s3 =	sadd.s32 $0x88, s3;
	s6 =	simm.s32 @!p1 $0x1082;
	[sflag:s4] =	ssyncset.s32 $0xFFFFF086  }
0x25: {  	[simem:s6], [sflag:s4] =	dma.local [hbm:s3], $0xF7A  }
0x26: {  	[smem:$0x3F9C] =	sst s1;
	(tag) =	ssettag s2;
	_ =	strace s9  }
0x27: {  	s1 =	sld [smem:$0x3FAC]  }
0x28: {  	s2 =	sld [smem:$0x3FAD]  }
0x29: {  	s4 =	sld [smem:$0x3FAF]  }
0x2a: {  	p0 =	seq.s32 s5, $0x0;
	s5 =	sld [smem:$0x3FB0]  }
0x2b: {  	s6 =	sld [smem:$0x3FB1]  }
0x2c: {  	s7 =	sld [smem:$0x3FB2]  }
0x2d: {  	s3 =	simm.s32 $0x108;
	s8 =	sld [smem:$0x3FB3]  }
0x2e: {  	s3 =	simm.s32 @!p0 $0x1082;
	s9 =	sld [smem:$0x3FB4]  }
0x2f: {  	lr =	sadd.s32 s0, s3;
	s0 =	sld [smem:$0x3FAB]  }
0x30: {  	s3 =	sld [smem:$0x3FAE]  }
0x31: {  	[smem:$0x3FB7] =	sst s10  }
0x32: {  	s10 =	sld [smem:$0x3FB5];
	_ =	sdelay $0x3  }
0x33: {  	p0 =	seq.s32 s10, $0x1;
	s10 =	sld [smem:$0x3FB7];
	_ =	sdelay $0x3  }
0x34: {  	[smem:$0x3FB7] =	sst s10  }
0x35: {  	s10 =	sld [smem:$0x3FB6];
	_ =	sdelay $0x3  }
0x36: {  	p1 =	seq.s32 s10, $0x1;
	s10 =	sld [smem:$0x3FB7];
	_ =	sdelay $0x3  }
0x37: {  	[smem:$0x3FB7] =	sst s10  }
0x38: {  	s10 =	sld [smem:$0x3FB8]  }
0x39: {  	_ = 	snop;
	(pc) =	sbr.ind lr, $3  }
0x3a: {  	_ = 	snop  }
0x3b: {  	_ = 	snop  }
0x3c: {  	p2 =	seq.s32 s10, $0x1;
	s10 =	sld [smem:$0x3FB7]  }
0x3d: {  	_ =	shalt  }
0x3e: {  	_ =	shalt  }
0x3f: {  	_ =	shalt  }
0x40: {  	_ =	shalt  }
0x41: {  	_ =	shalt  }
0x42: {  	_ =	shalt  }
0x43: {  	_ =	shalt  }
0x44: {  	_ =	shalt  }
0x45: {  	_ =	shalt  }
0x46: {  	_ =	shalt  }
0x47: {  	_ =	shalt  }
0x48: {  	_ =	shalt  }
0x49: {  	_ =	shalt  }
0x4a: {  	_ =	shalt  }
0x4b: {  	_ =	shalt  }
0x4c: {  	_ =	shalt  }
0x4d: {  	_ =	shalt  }
0x4e: {  	_ =	shalt  }
0x4f: {  	_ =	shalt  }
0x50: {  	_ =	shalt  }
0x51: {  	_ =	shalt  }
0x52: {  	_ =	shalt  }
0x53: {  	_ =	shalt  }
0x54: {  	_ =	shalt  }
0x55: {  	_ =	shalt  }
0x56: {  	_ =	shalt  }
0x57: {  	_ =	shalt  }
0x58: {  	_ =	shalt  }
0x59: {  	_ =	shalt  }
0x5a: {  	_ =	shalt  }
0x5b: {  	_ =	shalt  }
0x5c: {  	_ =	shalt  }
0x5d: {  	_ =	shalt  }
0x5e: {  	_ =	shalt  }
0x5f: {  	_ =	shalt  }
0x60: {  	_ =	shalt  }
0x61: {  	_ =	shalt  }
0x62: {  	_ =	shalt  }
0x63: {  	_ =	shalt  }
0x64: {  	_ =	shalt  }
0x65: {  	_ =	shalt  }
0x66: {  	_ =	shalt  }
0x67: {  	_ =	shalt  }
0x68: {  	_ =	shalt  }
0x69: {  	_ =	shalt  }
0x6a: {  	_ =	shalt  }
0x6b: {  	_ =	shalt  }
0x6c: {  	_ =	shalt  }
0x6d: {  	_ =	shalt  }
0x6e: {  	_ =	shalt  }
0x6f: {  	_ =	shalt  }
0x70: {  	_ =	shalt  }
0x71: {  	_ =	shalt  }
0x72: {  	_ =	shalt  }
0x73: {  	_ =	shalt  }
0x74: {  	_ =	shalt  }
0x75: {  	_ =	shalt  }
0x76: {  	_ =	shalt  }
0x77: {  	_ =	shalt  }
0x78: {  	_ =	shalt  }
0x79: {  	_ =	shalt  }
0x7a: {  	_ =	shalt  }
0x7b: {  	_ =	shalt  }
0x7c: {  	_ =	shalt  }
0x7d: {  	_ =	shalt  }
0x7e: {  	_ =	shalt  }
0x7f: {  	_ =	shalt  }
0x80: {  	_ =	shalt  }
0x81: {  	_ =	shalt  }
0x82: {  	_ =	shalt  }
0x83: {  	_ =	shalt  }
0x84: {  	_ =	shalt  }
0x85: {  	_ =	shalt  }
0x86: {  	_ =	shalt  }
0x87: {  	_ =	shalt  }
.Lfunc_end0:
.L_simem_size_0:
called_computation.1_lowered:
.L_overlay_start_0:
0x88: {  	s2 =	sld [smem:$0x3FD9]  }
0x89: {  	s3 =	sld [smem:$0x3FFE];
	_ =	sdelay $0x1  }
0x8a: {  	s1 =	srdreg.scid  }
0x8b: {  	s0 =	sand.u32 $0x1, s1  }
0x8c: {  	s17 =	sshll.u32 s0, $0xA;
	s2 =	sadd.s32 s3, s2  }
0x8d: {  	s2 =	sadd.s32 s2, s17  }
0x8e: {  	[smem:$0x3FC3] =	sst s2  }
0x8f: {  	_ = 	snop  }
0x90: {  	s2 =	sld [smem:$0x3FD0];
	(tm) =	ssettm $0x1  }
0x91: {  	s18 =	sld [smem:$0x3FFB];
	_ =	sdelay $0x3  }
0x92: {  	_ =	strace s18  }
0x93: {  	s3 =	sld [smem:$0x3FFC];
	_ =	sdelay $0x3  }
0x94: {  	_ =	strace s3  }
0x95: {  	s3 =	sld [smem:$0x3FFD];
	_ =	sdelay $0x3  }
0x96: {  	_ =	strace s3  }
0x97: {  	_ =	strace $0x8FFFFFFF  }
0x98: {  	s19 =	sld [smem:$0x3FDB];
	_ =	sdelay $0x1  }
0x99: {  	s4 =	simm.s32 $_scs_section_size  }
0x9a: {  	s5 =	simm.s32 $_size__tile_overlayer_lowered;
	s6 =	simm.s32 $_tile_overlayer_lowered  }
0x9b: {  	s22 =	simm.s32 $0x1BFF;
	s21 =	sshll.u32 s6, $0x1;
	s3 =	sadd.s32 s4, s19  }
0x9c: {  	s7 =	simm.s32 $0x0;
	s20 =	sshll.u32 s5, $0x1;
	s5 =	sadd.s32 s21, s3  }
0x9d: {  	[timem:s7], [sflag:s22] =	dma.local [hbm:s5], s20  }
0x9e: {  	_ =	swait.ge [sflag:s22], s20  }
0x9f: {  	s4 =	ssub.s32 $0x0, s20;
	[sflag:s22] =	ssyncset.done $0x0  }
0xa0: {  	[sflag:s22] =	ssyncadd.s32 s4;
	_ =	sdelay $0x1  }
0xa1: {  	s23 =	simm.s32 $0x1B8B  }
0xa2: {  	_ =	swait.ge [sflag:s23], $0x1  }
0xa3: {  	[sflag:s23] =	ssyncset.done $0x0  }
0xa4: {  	s25 =	simm.s32 $0x1B8E;
	s24 =	sld [smem:$0x3FFE];
	[sflag:s23] =	ssyncadd.s32 $0xFFFFFFFF  }
0xa5: {  	s26 =	simm.s32 $execute0_lowered;
	[smem:$0x3FD2] =	sst s25  }
0xa6: {  	s5 =	sshll.u32 s26, $0x1;
	_ =	strace $0x80000049;
	[dreg:$0x1] =	wrdreg $0xFFFFFFFF  }
0xa7: {  	s28 =	simm.s32 $_size_execute0_lowered;
	s3 =	sadd.s32 s3, s5;
	[dreg:$0x0] =	wrdreg $0x0  }
0xa8: {  	s5 =	sshll.u32 s28, $0x1;
	[dreg:$0x2] =	wrdreg s3  }
0xa9: {  	[dreg:$0x3] =	wrdreg s5  }
0xaa: {  	[dreg:$0x4] =	wrdreg $0xC0  }
0xab: {  	_ =	task [dreg:s7], $0x5FFFF  }
0xac: {  	[dreg:$0x1] =	wrdreg $0xFFFFFFFF  }
0xad: {  	[dreg:$0x0] =	wrdreg $0x60  }
0xae: {  	[dreg:$0x2] =	wrdreg s24  }
0xaf: {  	[dreg:$0x3] =	wrdreg s2  }
0xb0: {  	[dreg:$0x4] =	wrdreg $0x9  }
0xb1: {  	_ =	task.clear_ibuf [dreg:s7], $0x5FFFF;
	_ =	strace $0x90000049  }
0xb2: {  	s29 =	simm.s32 $0x9;
	_ =	strace $0x8000004B  }
0xb3: {  	_ =	swait.ge [sflag:s29], $0x1  }
0xb4: {  	[sflag:s29] =	ssyncadd.s32 $0xFFFFFFFF  }
0xb5: {  	_ =	strace $0x9000004B  }
0xb6: {  	_ =	sfence  }
0xb7: {  	s30 =	sld [smem:$0x0];
	_ =	sdelay $0x2  }
0xb8: {  	s31 =	sshll.u32 s1, $0xD;
	s1 =	sshrl.u32 s1, $0x2  }
0xb9: {  	s3 =	sand.u32 $0x4000, s31;
	s1 =	sadd.s32 s1, s30  }
0xba: {  	s0 =	sor.u32 s3, s0;
	s1 =	sshll.u32 s1, $0x11  }
0xbb: {  	s0 =	sor.u32 s1, s0  }
0xbc: {  	s0 =	sadd.s32 $0x8F2B, s0  }
0xbd: {  	[sflag:s0] =	ssyncadd.remote.s32 $0x1  }
0xbe: {  	_ =	sfence.sel $0xFFFF  }
0xbf: {  	[dreg:$0x0] =	wrdreg $0xFFFFFFFF;
	(pc) =	sbr.abs _section_cstart, $3  }
0xc0: {  	[dreg:$0x1] =	wrdreg $0xFFFFFFFF  }
0xc1: {  	_ =	task.clear_ibuf [dreg:s7], $0x2FFFF;
	_ =	strace $0x9FFFFFFF  }
0xc2: {  	(tm) =	ssettm $0x7FFFFFFF  }
0xc3: {  	_ =	shalt  }
tec
execute0_lowered:
.L_overlay_start_1:
0x0: {  	(tag) =	ssettag $0x1  }
0x1: {  	s0 =	rddreg [dreg:$0x0]  }
0x2: {  	s1 =	rddreg [dreg:$0x1]  }
0x3: {  	s3 =	srdreg.scid;
	s4 =	stileid.u32  }
0x4: {  	s2 =	simm.s32 $0x0;
	s13 =	simm.s32 $0x2;
	s17 =	simm.s32 $0x1A00  }
0x5: {  	s18 =	simm.s32 $0x2200;
	s19 =	simm.s32 $0x2A00;
	s20 =	simm.s32 $0x3200  }
0x6: {  	s21 =	simm.s32 $0x3A00;
	s28 =	simm.s32 $0x6A00;
	s29 =	simm.s32 $0x7200  }
0x7: {  	s30 =	simm.s32 $0x7A00;
	s3 =	sand.u32 $0x1, s3;
	s4 =	sshll.u32 s4, $0x1  }
0x8: {  	s31 =	simm.s32 $0x1;
	[smem:$0x7FF] =	sst s2;
	s4 =	sor.u32 s3, s4  }
0x9: {  	s5 =	ssub.s32 $0x2, s3;
	_ =	strace $0x8000004A;
	s3 =	sadd.s32 $0x1A00, s0  }
0xa: {  	s22 =	sshll.u32 s4, $0x6;
	s6 =	sshrl.u32 s5, $0x1;
	s4 =	sshll.u32 s4, $0xD  }
0xb: {  	s7 =	sadd.s32 s22, s0;
	s8 =	ssub.s32 s5, s6;
	s24 =	sadd.s32 s1, s4  }
0xc: {  	s5 =	sadd.s32 $0x1B00, s0;
	s23 =	sadd.s32 $0x1200, s7;
	[dreg:$0x4] =	wrdreg s24  }
0xd: {  	s6 =	sadd.s32 $0x1C00, s0;
	s1 =	sadd.s32 $0x800, s24;
	[dreg:$0x3] =	wrdreg s23  }
0xe: {  	s22 =	simm.s32 $0x4200;
	s25 =	sadd.s32 $0x1000, s24;
	[dreg:$0x5] =	wrdreg s1  }
0xf: {  	s7 =	sadd.s32 $0x1D00, s0;
	s0 =	sadd.s32 $0x1800, s24;
	[dreg:$0x6] =	wrdreg s25  }
0x10: {  	v2 =	vlaneseq.u32;
	s26 =	smax.u32 s8, $0x1;
	s24 =	simm.s32 $0x5200;
	[dreg:$0x7] =	wrdreg s0  }
0x11: {  	vm0 =	vmmov $0xffff;
	v1 =	vshrl.u32 v2, $0x3;
	[dreg:$0x8] =	wrdreg s26;
	s23 =	simm.s32 $0x4A00;
	s25 =	simm.s32 $0x5A00  }
0x12: {  	v0 =	vand.u32 $0x7, v2;
	v2 =	vor.u32 $0x8, v2;
	v1 =	vmul.u32 $0x8, v1;
	s26 =	simm.s32 $0x6200;
	s0 =	simm.s32 $0x8200;
	s1 =	simm.s32 $0x0  }
.LBB2_1:
0x13: {  	s4 =	rddreg [dreg:$0x3]  }
0x14: {  	[tilespmem:s2], [sflag:$0x2] =	stream.linear.gather [hbm4b:s4+s2], $0x200, $0x38;
	[tilespmem:$0xC200] =	vst v63  }
0x15: {  	_ =	swait.ge [sflag:s13], $0x200  }
0x16: {  	[sflag:s13] =	ssyncset.done $0x0  }
0x17: {  	[sflag:s13] =	ssyncadd.s32 $0xFFFFFE00  }
0x18: {  	v3 =	vld [tilespmem:$0x0];
	_ =	sdelay $0x4  }
0x19: {  	v4 =	vshll.u32 v3, $0x3  }
0x1a: {  	v3 =	vand.u32 $0x7, v3;
	v4 =	vand.u32 $0xFFFFFFC0, v4  }
0x1b: {  	v3 =	vor.u32 v3, v4  }
0x1c: {  	v4 =	vperm.xlane v3, v0;
	_ =	sdelay $0x1  }
0x1d: {  	v4 =	vadd.s32 v1, v4;
	_ =	sdelay $0x3  }
0x1e: {  	s10 =	simm.s32 $0x200  }
0x1f: {  	[tilespmem:s10], [sflag:$0x1] =	stream.indirect_vreg.gather [hbm4b:s3+s2], $0x80, v4, vm0, $0xb8;
	[tilespmem:$0xC200] =	vst v63  }
0x20: {  	s11 =	simm.s32 $0xA00;
	v3 =	vperm.xlane v3, v2  }
0x21: {  	[tilespmem:s11], [sflag:$0x1] =	stream.indirect_vreg.gather [hbm4b:s5+s2], $0x80, v4, vm0, $0xb8;
	[tilespmem:$0xC200] =	vst v63  }
0x22: {  	s12 =	simm.s32 $0x1200;
	v3 =	vadd.s32 v1, v3  }
0x23: {  	[tilespmem:s12], [sflag:$0x1] =	stream.indirect_vreg.gather [hbm4b:s6+s2], $0x80, v4, vm0, $0xb8;
	[tilespmem:$0xC200] =	vst v63  }
0x24: {  	_ = 	snop  }
0x25: {  	[tilespmem:s17], [sflag:$0x1] =	stream.indirect_vreg.gather [hbm4b:s7+s2], $0x80, v4, vm0, $0xb8;
	[tilespmem:$0xC200] =	vst v63  }
0x26: {  	_ = 	snop  }
0x27: {  	[tilespmem:s18], [sflag:$0x1] =	stream.indirect_vreg.gather [hbm4b:s3+s2], $0x80, v3, vm0, $0xb8;
	[tilespmem:$0xC200] =	vst v63  }
0x28: {  	_ = 	snop  }
0x29: {  	[tilespmem:s19], [sflag:$0x1] =	stream.indirect_vreg.gather [hbm4b:s5+s2], $0x80, v3, vm0, $0xb8;
	[tilespmem:$0xC200] =	vst v63  }
0x2a: {  	_ = 	snop  }
0x2b: {  	[tilespmem:s20], [sflag:$0x1] =	stream.indirect_vreg.gather [hbm4b:s6+s2], $0x80, v3, vm0, $0xb8;
	[tilespmem:$0xC200] =	vst v63  }
0x2c: {  	_ = 	snop  }
0x2d: {  	[tilespmem:s21], [sflag:$0x1] =	stream.indirect_vreg.gather [hbm4b:s7+s2], $0x80, v3, vm0, $0xb8;
	[tilespmem:$0xC200] =	vst v63  }
0x2e: {  	v3 =	vld [tilespmem:$0x10];
	_ =	sdelay $0x4  }
0x2f: {  	v4 =	vshll.u32 v3, $0x3  }
0x30: {  	v3 =	vand.u32 $0x7, v3;
	v4 =	vand.u32 $0xFFFFFFC0, v4  }
0x31: {  	v3 =	vor.u32 v3, v4  }
0x32: {  	v4 =	vperm.xlane v3, v0;
	_ =	sdelay $0x1  }
0x33: {  	v4 =	vadd.s32 v1, v4;
	_ =	sdelay $0x4  }
0x34: {  	[tilespmem:s22], [sflag:$0x1] =	stream.indirect_vreg.gather [hbm4b:s3+s2], $0x80, v4, vm0, $0xb8;
	[tilespmem:$0xC200] =	vst v63  }
0x35: {  	v3 =	vperm.xlane v3, v2  }
0x36: {  	[tilespmem:s23], [sflag:$0x1] =	stream.indirect_vreg.gather [hbm4b:s5+s2], $0x80, v4, vm0, $0xb8;
	[tilespmem:$0xC200] =	vst v63  }
0x37: {  	v3 =	vadd.s32 v1, v3  }
0x38: {  	[tilespmem:s24], [sflag:$0x1] =	stream.indirect_vreg.gather [hbm4b:s6+s2], $0x80, v4, vm0, $0xb8;
	[tilespmem:$0xC200] =	vst v63  }
0x39: {  	_ = 	snop  }
0x3a: {  	[tilespmem:s25], [sflag:$0x1] =	stream.indirect_vreg.gather [hbm4b:s7+s2], $0x80, v4, vm0, $0xb8;
	[tilespmem:$0xC200] =	vst v63  }
0x3b: {  	_ = 	snop  }
0x3c: {  	[tilespmem:s26], [sflag:$0x1] =	stream.indirect_vreg.gather [hbm4b:s3+s2], $0x80, v3, vm0, $0xb8;
	[tilespmem:$0xC200] =	vst v63  }
0x3d: {  	_ = 	snop  }
0x3e: {  	[tilespmem:s28], [sflag:$0x1] =	stream.indirect_vreg.gather [hbm4b:s5+s2], $0x80, v3, vm0, $0xb8;
	[tilespmem:$0xC200] =	vst v63  }
0x3f: {  	_ = 	snop  }
0x40: {  	[tilespmem:s29], [sflag:$0x1] =	stream.indirect_vreg.gather [hbm4b:s6+s2], $0x80, v3, vm0, $0xb8;
	[tilespmem:$0xC200] =	vst v63  }
0x41: {  	_ = 	snop  }
0x42: {  	[tilespmem:s30], [sflag:$0x1] =	stream.indirect_vreg.gather [hbm4b:s7+s2], $0x80, v3, vm0, $0xb8;
	[tilespmem:$0xC200] =	vst v63  }
0x43: {  	_ =	swait.ge [sflag:s31], $0x8000  }
0x44: {  	s14 =	sand.u32 $0x70, s2;
	s8 =	sand.u32 $0x1C00, s2;
	[sflag:s31] =	ssyncset.done $0x0  }
0x45: {  	s4 =	sor.u32 s14, s8;
	[sflag:s31] =	ssyncadd.s32 $0xFFFF8000  }
0x46: {  	v3 =	vld [tilespmem:s4+$0x280]  }
0x47: {  	v4 =	vld [tilespmem:s4+$0x300]  }
0x48: {  	v5 =	vld [tilespmem:s4+$0x380]  }
0x49: {  	v6 =	vld [tilespmem:s4+$0x400]  }
0x4a: {  	v7 =	vld [tilespmem:s4+$0x480]  }
0x4b: {  	v8 =	vld [tilespmem:s4+$0x200]  }
0x4c: {  	v9 =	vld [tilespmem:s4+$0x2280]  }
0x4d: {  	v10 =	vld [tilespmem:s4+$0x2200]  }
0x4e: {  	v11 =	vld [tilespmem:s4+$0x2380];
	v4 =	vadd.f32 v5, v4  }
0x4f: {  	v5 =	vld [tilespmem:s4+$0x2480];
	v6 =	vadd.f32 v7, v6  }
0x50: {  	v3 =	vadd.f32 v3, v8;
	[tilespmem:s4+$0x8280] =	vst v4;
	v4 =	vld [tilespmem:s4+$0x2300]  }
0x51: {  	s15 =	sor.u32 s2, s2;
	[tilespmem:s4+$0x8300] =	vst v6;
	v6 =	vld [tilespmem:s4+$0x2400]  }
0x52: {  	s9 =	sor.u32 $0x380, s15;
	[tilespmem:s4+$0x8200] =	vst v3;
	v3 =	vld [tilespmem:s4+$0x500]  }
0x53: {  	v7 =	vld [tilespmem:s9+$0x200];
	_ =	sdelay $0x1  }
0x54: {  	v4 =	vadd.f32 v11, v4  }
0x55: {  	v5 =	vadd.f32 v5, v6  }
0x56: {  	v6 =	vadd.f32 v9, v10;
	[tilespmem:s4+$0x8480] =	vst v4  }
0x57: {  	v3 =	vadd.f32 v7, v3;
	[tilespmem:s4+$0x8500] =	vst v5  }
0x58: {  	[tilespmem:s4+$0x8400] =	vst v6  }
0x59: {  	s8 =	sor.u32 $0x2380, s15;
	[tilespmem:s4+$0x8380] =	vst v3;
	v3 =	vld [tilespmem:s4+$0x2500]  }
0x5a: {  	v4 =	vld [tilespmem:s8+$0x200];
	_ =	sdelay $0x4  }
0x5b: {  	v3 =	vadd.f32 v4, v3;
	_ =	sdelay $0x1  }
0x5c: {  	[tilespmem:s9+$0x8200] =	vst v3  }
0x5d: {  	v3 =	vld [tilespmem:s4+$0x4200]  }
0x5e: {  	v4 =	vld [tilespmem:s4+$0x4280]  }
0x5f: {  	v5 =	vld [tilespmem:s4+$0x4300]  }
0x60: {  	v6 =	vld [tilespmem:s4+$0x4380]  }
0x61: {  	v7 =	vld [tilespmem:s4+$0x4400]  }
0x62: {  	v8 =	vld [tilespmem:s4+$0x6380]  }
0x63: {  	v3 =	vadd.f32 v4, v3;
	v4 =	vld [tilespmem:s4+$0x6300]  }
0x64: {  	v60 =	vld [tilespmem:s4+$0x6280]  }
0x65: {  	[tilespmem:s4+$0xA200] =	vst v3;
	v3 =	vadd.f32 v6, v5;
	v5 =	vld [tilespmem:s4+$0x6200]  }
0x66: {  	v6 =	vld [tilespmem:s4+$0x4480]  }
0x67: {  	v61 =	vld [tilespmem:s4+$0x6400]  }
0x68: {  	v62 =	vld [tilespmem:s4+$0x6480];
	v8 =	vadd.f32 v8, v4  }
0x69: {  	[tilespmem:s4+$0xA280] =	vst v3;
	v3 =	vld [tilespmem:s4+$0x6500]  }
0x6a: {  	v4 =	vld [tilespmem:s4+$0x4580];
	[tilespmem:s4+$0xA480] =	vst v8;
	v8 =	vadd.f32 v60, v5  }
0x6b: {  	s16 =	simm.s32 $0x10;
	s11 =	simm.s32 $0x80;
	v5 =	vld [tilespmem:s4+$0x4500];
	v63 =	vadd.f32 v6, v7  }
0x6c: {  	s10 =	sand.u32 $0x70, s16;
	s12 =	sand.u32 $0x1C00, s11;
	v6 =	vld [tilespmem:s4+$0x6580];
	[tilespmem:s4+$0xA400] =	vst v8  }
0x6d: {  	s10 =	sor.u32 s10, s12;
	s12 =	simm.s32 $0x20;
	s9 =	sor.u32 s16, s11;
	v7 =	vadd.f32 v62, v61;
	[tilespmem:s4+$0xA300] =	vst v63  }
.LBB2_2:
0x6e: {  	p0 =	sne.s32 s12, $0x3F0  }
0x6f: {  	s11 =	sadd.s32 $0x80, s11;
	[tilespmem:s4+$0xA500] =	vst v7;
	s15 =	smov.u32 s12;
	s12 =	sadd.s32 $0x10, s12  }
0x70: {  	s14 =	sor.u32 s15, s11;
	v4 =	vadd.f32 v4, v5  }
0x71: {  	v3 =	vadd.f32 v6, v3  }
0x72: {  	[tilespmem:s4+$0xA380] =	vst v4;
	s4 =	smov.u32 s10  }
0x73: {  	[tilespmem:s8+$0x8200] =	vst v3  }
0x74: {  	v3 =	vld [tilespmem:s4+$0x280]  }
0x75: {  	v4 =	vld [tilespmem:s4+$0x300]  }
0x76: {  	v5 =	vld [tilespmem:s4+$0x380]  }
0x77: {  	v6 =	vld [tilespmem:s4+$0x400]  }
0x78: {  	v7 =	vld [tilespmem:s4+$0x480]  }
0x79: {  	v8 =	vld [tilespmem:s4+$0x200]  }
0x7a: {  	v9 =	vld [tilespmem:s4+$0x2280]  }
0x7b: {  	v10 =	vld [tilespmem:s4+$0x2200]  }
0x7c: {  	v4 =	vadd.f32 v5, v4;
	v5 =	vld [tilespmem:s4+$0x2480]  }
0x7d: {  	v6 =	vadd.f32 v7, v6;
	v7 =	vld [tilespmem:s4+$0x2380]  }
0x7e: {  	v3 =	vadd.f32 v3, v8;
	[tilespmem:s4+$0x8280] =	vst v4;
	v4 =	vld [tilespmem:s4+$0x2300]  }
0x7f: {  	[tilespmem:s4+$0x8300] =	vst v6;
	v6 =	vld [tilespmem:s4+$0x2400]  }
0x80: {  	s16 =	sor.u32 $0x380, s9;
	[tilespmem:s4+$0x8200] =	vst v3;
	v3 =	vld [tilespmem:s4+$0x500]  }
0x81: {  	s10 =	sand.u32 $0x1C00, s11;
	s8 =	sand.u32 $0x70, s15;
	v8 =	vld [tilespmem:s16+$0x200]  }
0x82: {  	s10 =	sor.u32 s8, s10  }
0x83: {  	v4 =	vadd.f32 v7, v4  }
0x84: {  	v5 =	vadd.f32 v5, v6  }
0x85: {  	v6 =	vadd.f32 v9, v10;
	[tilespmem:s4+$0x8480] =	vst v4  }
0x86: {  	v3 =	vadd.f32 v8, v3;
	[tilespmem:s4+$0x8500] =	vst v5  }
0x87: {  	[tilespmem:s4+$0x8400] =	vst v6  }
0x88: {  	s8 =	sor.u32 $0x2380, s9;
	s9 =	smov.u32 s14;
	[tilespmem:s4+$0x8380] =	vst v3;
	v3 =	vld [tilespmem:s4+$0x2500]  }
0x89: {  	v4 =	vld [tilespmem:s8+$0x200];
	_ =	sdelay $0x4  }
0x8a: {  	v3 =	vadd.f32 v4, v3;
	_ =	sdelay $0x1  }
0x8b: {  	[tilespmem:s16+$0x8200] =	vst v3  }
0x8c: {  	v3 =	vld [tilespmem:s4+$0x4200]  }
0x8d: {  	v4 =	vld [tilespmem:s4+$0x4280]  }
0x8e: {  	v5 =	vld [tilespmem:s4+$0x4300]  }
0x8f: {  	v6 =	vld [tilespmem:s4+$0x4380]  }
0x90: {  	v7 =	vld [tilespmem:s4+$0x4400]  }
0x91: {  	v8 =	vld [tilespmem:s4+$0x6380]  }
0x92: {  	v3 =	vadd.f32 v4, v3;
	v4 =	vld [tilespmem:s4+$0x6300]  }
0x93: {  	v9 =	vld [tilespmem:s4+$0x6280]  }
0x94: {  	[tilespmem:s4+$0xA200] =	vst v3;
	v3 =	vadd.f32 v6, v5;
	v5 =	vld [tilespmem:s4+$0x6200]  }
0x95: {  	v6 =	vld [tilespmem:s4+$0x4480]  }
0x96: {  	[tilespmem:s4+$0xA280] =	vst v3;
	v10 =	vld [tilespmem:s4+$0x6400]  }
0x97: {  	v8 =	vadd.f32 v8, v4;
	v11 =	vld [tilespmem:s4+$0x6480]  }
0x98: {  	v3 =	vld [tilespmem:s4+$0x6500]  }
.Ltmp0:
0x99: {  	v4 =	vld [tilespmem:s4+$0x4580];
	v9 =	vadd.f32 v9, v5;
	[tilespmem:s4+$0xA480] =	vst v8;
	(pc) =	sbr.rel @p0 .LBB2_2-.Ltmp0, $4  }
0x9a: {  	v8 =	vadd.f32 v6, v7;
	v5 =	vld [tilespmem:s4+$0x4500]  }
0x9b: {  	v6 =	vld [tilespmem:s4+$0x6580]  }
0x9c: {  	[tilespmem:s4+$0xA400] =	vst v9;
	v7 =	vadd.f32 v11, v10  }
0x9d: {  	[tilespmem:s4+$0xA300] =	vst v8  }
0x9e: {  	_ = 	snop  }
0x9f: {  	v4 =	vadd.f32 v4, v5  }
0xa0: {  	[tilespmem:s4+$0xA500] =	vst v7;
	v3 =	vadd.f32 v6, v3  }
0xa1: {  	[tilespmem:s4+$0xA380] =	vst v4  }
0xa2: {  	[tilespmem:s8+$0x8200] =	vst v3  }
0xa3: {  	v3 =	vld [tilespmem:s10+$0x280]  }
0xa4: {  	v4 =	vld [tilespmem:s10+$0x300]  }
0xa5: {  	v5 =	vld [tilespmem:s10+$0x380]  }
0xa6: {  	v6 =	vld [tilespmem:s10+$0x400]  }
0xa7: {  	v7 =	vld [tilespmem:s10+$0x480]  }
0xa8: {  	v8 =	vld [tilespmem:s10+$0x200]  }
0xa9: {  	v9 =	vld [tilespmem:s10+$0x2280]  }
0xaa: {  	v10 =	vld [tilespmem:s10+$0x2200]  }
0xab: {  	v11 =	vld [tilespmem:s10+$0x2380];
	v4 =	vadd.f32 v5, v4  }
0xac: {  	v5 =	vld [tilespmem:s10+$0x2480];
	v6 =	vadd.f32 v7, v6  }
0xad: {  	v3 =	vadd.f32 v3, v8;
	[tilespmem:s10+$0x8280] =	vst v4;
	v4 =	vld [tilespmem:s10+$0x2300]  }
0xae: {  	[tilespmem:s10+$0x8300] =	vst v6;
	v6 =	vld [tilespmem:s10+$0x2400]  }
0xaf: {  	s11 =	sor.u32 $0x380, s9;
	[tilespmem:s10+$0x8200] =	vst v3;
	v3 =	vld [tilespmem:s10+$0x500]  }
0xb0: {  	v7 =	vld [tilespmem:s11+$0x200];
	_ =	sdelay $0x1  }
0xb1: {  	v4 =	vadd.f32 v11, v4  }
0xb2: {  	v5 =	vadd.f32 v5, v6  }
0xb3: {  	v6 =	vadd.f32 v9, v10;
	[tilespmem:s10+$0x8480] =	vst v4  }
0xb4: {  	v3 =	vadd.f32 v7, v3;
	[tilespmem:s10+$0x8500] =	vst v5  }
0xb5: {  	[tilespmem:s10+$0x8400] =	vst v6  }
0xb6: {  	s12 =	sor.u32 $0x2380, s9;
	[tilespmem:s10+$0x8380] =	vst v3;
	v3 =	vld [tilespmem:s10+$0x2500]  }
0xb7: {  	v4 =	vld [tilespmem:s12+$0x200];
	_ =	sdelay $0x4  }
0xb8: {  	v3 =	vadd.f32 v4, v3;
	_ =	sdelay $0x1  }
0xb9: {  	[tilespmem:s11+$0x8200] =	vst v3  }
0xba: {  	v3 =	vld [tilespmem:s10+$0x4200]  }
0xbb: {  	v4 =	vld [tilespmem:s10+$0x4280]  }
0xbc: {  	v5 =	vld [tilespmem:s10+$0x4300]  }
0xbd: {  	v6 =	vld [tilespmem:s10+$0x4380]  }
0xbe: {  	v7 =	vld [tilespmem:s10+$0x4400]  }
0xbf: {  	v8 =	vld [tilespmem:s10+$0x6380]  }
0xc0: {  	v54 =	vld [tilespmem:s10+$0x6280]  }
0xc1: {  	v3 =	vadd.f32 v4, v3;
	v4 =	vld [tilespmem:s10+$0x6300]  }
0xc2: {  	v55 =	vld [tilespmem:s10+$0x6480]  }
0xc3: {  	v56 =	vld [tilespmem:s10+$0x4580]  }
0xc4: {  	v12 =	vld [tilespmem:s10+$0x6580]  }
0xc5: {  	[tilespmem:s10+$0xA200] =	vst v3;
	v3 =	vadd.f32 v6, v5;
	v5 =	vld [tilespmem:s10+$0x6200]  }
0xc6: {  	v6 =	vld [tilespmem:s10+$0x4480];
	v4 =	vadd.f32 v8, v4  }
0xc7: {  	[tilespmem:s10+$0xA280] =	vst v3;
	v3 =	vld [tilespmem:s10+$0x6400]  }
0xc8: {  	[tilespmem:s10+$0xA480] =	vst v4;
	v4 =	vld [tilespmem:s10+$0x4500]  }
0xc9: {  	v8 =	vld [tilespmem:s10+$0x6500]  }
0xca: {  	v5 =	vadd.f32 v54, v5  }
0xcb: {  	v6 =	vadd.f32 v6, v7  }
0xcc: {  	[tilespmem:s10+$0xA400] =	vst v5;
	v3 =	vadd.f32 v55, v3  }
0xcd: {  	[tilespmem:s10+$0xA300] =	vst v6;
	v4 =	vadd.f32 v56, v4  }
0xce: {  	[tilespmem:s10+$0xA500] =	vst v3;
	v3 =	vadd.f32 v12, v8  }
0xcf: {  	[tilespmem:s10+$0xA380] =	vst v4  }
0xd0: {  	s14 =	simm.s32 $0x0;
	s15 =	rddreg [dreg:$0x4];
	[tilespmem:s12+$0x8200] =	vst v3  }
0xd1: {  	[hbm4b:s15+s14] =	stream.linear.scatter [tilespmem:s0], [sflag:$0x2], $0x4000, $0x38;
	[tilespmem:$0xC200] =	vst v63  }
0xd2: {  	_ =	swait.ge [sflag:s13], $0x4000  }
0xd3: {  	[sflag:s13] =	ssyncset.done $0x0  }
0xd4: {  	[sflag:s13] =	ssyncadd.s32 $0xFFFFC000  }
0xd5: {  	v3 =	vld [tilespmem:$0x80];
	_ =	sdelay $0x4  }
0xd6: {  	v4 =	vshll.u32 v3, $0x3  }
0xd7: {  	v3 =	vand.u32 $0x7, v3;
	v4 =	vand.u32 $0xFFFFFFC0, v4  }
0xd8: {  	v3 =	vor.u32 v3, v4  }
0xd9: {  	v4 =	vperm.xlane v3, v0;
	_ =	sdelay $0x1  }
0xda: {  	v4 =	vadd.s32 v1, v4;
	_ =	sdelay $0x3  }
0xdb: {  	s16 =	simm.s32 $0x200  }
0xdc: {  	[tilespmem:s16], [sflag:$0x1] =	stream.indirect_vreg.gather [hbm4b:s3+s14], $0x80, v4, vm0, $0xb8;
	[tilespmem:$0xC200] =	vst v63  }
0xdd: {  	s9 =	simm.s32 $0xA00;
	v3 =	vperm.xlane v3, v2  }
0xde: {  	[tilespmem:s9], [sflag:$0x1] =	stream.indirect_vreg.gather [hbm4b:s5+s14], $0x80, v4, vm0, $0xb8;
	[tilespmem:$0xC200] =	vst v63  }
0xdf: {  	s10 =	simm.s32 $0x1200;
	v3 =	vadd.s32 v1, v3  }
0xe0: {  	[tilespmem:s10], [sflag:$0x1] =	stream.indirect_vreg.gather [hbm4b:s6+s14], $0x80, v4, vm0, $0xb8;
	[tilespmem:$0xC200] =	vst v63  }
0xe1: {  	_ = 	snop  }
0xe2: {  	[tilespmem:s17], [sflag:$0x1] =	stream.indirect_vreg.gather [hbm4b:s7+s14], $0x80, v4, vm0, $0xb8;
	[tilespmem:$0xC200] =	vst v63  }
0xe3: {  	_ = 	snop  }
0xe4: {  	[tilespmem:s18], [sflag:$0x1] =	stream.indirect_vreg.gather [hbm4b:s3+s14], $0x80, v3, vm0, $0xb8;
	[tilespmem:$0xC200] =	vst v63  }
0xe5: {  	_ = 	snop  }
0xe6: {  	[tilespmem:s19], [sflag:$0x1] =	stream.indirect_vreg.gather [hbm4b:s5+s14], $0x80, v3, vm0, $0xb8;
	[tilespmem:$0xC200] =	vst v63  }
0xe7: {  	_ = 	snop  }
0xe8: {  	[tilespmem:s20], [sflag:$0x1] =	stream.indirect_vreg.gather [hbm4b:s6+s14], $0x80, v3, vm0, $0xb8;
	[tilespmem:$0xC200] =	vst v63  }
0xe9: {  	_ = 	snop  }
0xea: {  	[tilespmem:s21], [sflag:$0x1] =	stream.indirect_vreg.gather [hbm4b:s7+s14], $0x80, v3, vm0, $0xb8;
	[tilespmem:$0xC200] =	vst v63  }
0xeb: {  	v3 =	vld [tilespmem:$0x90];
	_ =	sdelay $0x4  }
0xec: {  	v4 =	vshll.u32 v3, $0x3  }
0xed: {  	v3 =	vand.u32 $0x7, v3;
	v4 =	vand.u32 $0xFFFFFFC0, v4  }
0xee: {  	v3 =	vor.u32 v3, v4  }
0xef: {  	v4 =	vperm.xlane v3, v0;
	_ =	sdelay $0x1  }
0xf0: {  	v4 =	vadd.s32 v1, v4;
	_ =	sdelay $0x4  }
0xf1: {  	[tilespmem:s22], [sflag:$0x1] =	stream.indirect_vreg.gather [hbm4b:s3+s14], $0x80, v4, vm0, $0xb8;
	[tilespmem:$0xC200] =	vst v63  }
0xf2: {  	v3 =	vperm.xlane v3, v2  }
0xf3: {  	[tilespmem:s23], [sflag:$0x1] =	stream.indirect_vreg.gather [hbm4b:s5+s14], $0x80, v4, vm0, $0xb8;
	[tilespmem:$0xC200] =	vst v63  }
0xf4: {  	v3 =	vadd.s32 v1, v3  }
0xf5: {  	[tilespmem:s24], [sflag:$0x1] =	stream.indirect_vreg.gather [hbm4b:s6+s14], $0x80, v4, vm0, $0xb8;
	[tilespmem:$0xC200] =	vst v63  }
0xf6: {  	_ = 	snop  }
0xf7: {  	[tilespmem:s25], [sflag:$0x1] =	stream.indirect_vreg.gather [hbm4b:s7+s14], $0x80, v4, vm0, $0xb8;
	[tilespmem:$0xC200] =	vst v63  }
0xf8: {  	_ = 	snop  }
0xf9: {  	[tilespmem:s26], [sflag:$0x1] =	stream.indirect_vreg.gather [hbm4b:s3+s14], $0x80, v3, vm0, $0xb8;
	[tilespmem:$0xC200] =	vst v63  }
0xfa: {  	_ = 	snop  }
0xfb: {  	[tilespmem:s28], [sflag:$0x1] =	stream.indirect_vreg.gather [hbm4b:s5+s14], $0x80, v3, vm0, $0xb8;
	[tilespmem:$0xC200] =	vst v63  }
0xfc: {  	_ = 	snop  }
0xfd: {  	[tilespmem:s29], [sflag:$0x1] =	stream.indirect_vreg.gather [hbm4b:s6+s14], $0x80, v3, vm0, $0xb8;
	[tilespmem:$0xC200] =	vst v63  }
0xfe: {  	_ = 	snop  }
0xff: {  	[tilespmem:s30], [sflag:$0x1] =	stream.indirect_vreg.gather [hbm4b:s7+s14], $0x80, v3, vm0, $0xb8;
	[tilespmem:$0xC200] =	vst v63  }
0x100: {  	_ =	swait.ge [sflag:s31], $0x8000  }
0x101: {  	s11 =	sand.u32 $0x70, s14;
	s12 =	sand.u32 $0x1C00, s14;
	[sflag:s31] =	ssyncset.done $0x0  }
0x102: {  	s4 =	sor.u32 s11, s12;
	[sflag:s31] =	ssyncadd.s32 $0xFFFF8000  }
0x103: {  	v3 =	vld [tilespmem:s4+$0x280]  }
0x104: {  	v4 =	vld [tilespmem:s4+$0x300]  }
0x105: {  	v5 =	vld [tilespmem:s4+$0x380]  }
0x106: {  	v6 =	vld [tilespmem:s4+$0x400]  }
0x107: {  	v7 =	vld [tilespmem:s4+$0x480]  }
0x108: {  	v8 =	vld [tilespmem:s4+$0x200]  }
0x109: {  	v57 =	vld [tilespmem:s4+$0x2280]  }
0x10a: {  	v58 =	vld [tilespmem:s4+$0x2200]  }
0x10b: {  	v59 =	vld [tilespmem:s4+$0x2380];
	v4 =	vadd.f32 v5, v4  }
0x10c: {  	v5 =	vld [tilespmem:s4+$0x2480];
	v6 =	vadd.f32 v7, v6  }
0x10d: {  	v3 =	vadd.f32 v3, v8;
	[tilespmem:s4+$0x8280] =	vst v4;
	v4 =	vld [tilespmem:s4+$0x2300]  }
0x10e: {  	s8 =	sor.u32 s14, s14;
	[tilespmem:s4+$0x8300] =	vst v6;
	v6 =	vld [tilespmem:s4+$0x2400]  }
0x10f: {  	s14 =	sor.u32 $0x380, s8;
	[tilespmem:s4+$0x8200] =	vst v3;
	v3 =	vld [tilespmem:s4+$0x500]  }
0x110: {  	v7 =	vld [tilespmem:s14+$0x200];
	_ =	sdelay $0x1  }
0x111: {  	v4 =	vadd.f32 v59, v4  }
0x112: {  	v5 =	vadd.f32 v5, v6  }
0x113: {  	v6 =	vadd.f32 v57, v58;
	[tilespmem:s4+$0x8480] =	vst v4  }
0x114: {  	v3 =	vadd.f32 v7, v3;
	[tilespmem:s4+$0x8500] =	vst v5  }
0x115: {  	[tilespmem:s4+$0x8400] =	vst v6  }
0x116: {  	s8 =	sor.u32 $0x2380, s8;
	[tilespmem:s4+$0x8380] =	vst v3;
	v3 =	vld [tilespmem:s4+$0x2500]  }
0x117: {  	v4 =	vld [tilespmem:s8+$0x200];
	_ =	sdelay $0x4  }
0x118: {  	v3 =	vadd.f32 v4, v3;
	_ =	sdelay $0x1  }
0x119: {  	[tilespmem:s14+$0x8200] =	vst v3  }
0x11a: {  	v3 =	vld [tilespmem:s4+$0x4200]  }
0x11b: {  	v4 =	vld [tilespmem:s4+$0x4280]  }
0x11c: {  	v5 =	vld [tilespmem:s4+$0x4300]  }
0x11d: {  	v6 =	vld [tilespmem:s4+$0x4380]  }
0x11e: {  	v7 =	vld [tilespmem:s4+$0x4400]  }
0x11f: {  	v8 =	vld [tilespmem:s4+$0x6380]  }
0x120: {  	v3 =	vadd.f32 v4, v3;
	v4 =	vld [tilespmem:s4+$0x6300]  }
0x121: {  	v60 =	vld [tilespmem:s4+$0x6280]  }
0x122: {  	[tilespmem:s4+$0xA200] =	vst v3;
	v3 =	vadd.f32 v6, v5;
	v5 =	vld [tilespmem:s4+$0x6200]  }
0x123: {  	v6 =	vld [tilespmem:s4+$0x4480]  }
0x124: {  	v61 =	vld [tilespmem:s4+$0x6400]  }
0x125: {  	v62 =	vld [tilespmem:s4+$0x6480];
	v8 =	vadd.f32 v8, v4  }
0x126: {  	[tilespmem:s4+$0xA280] =	vst v3;
	v3 =	vld [tilespmem:s4+$0x6500]  }
0x127: {  	v4 =	vld [tilespmem:s4+$0x4580];
	[tilespmem:s4+$0xA480] =	vst v8;
	v8 =	vadd.f32 v60, v5  }
0x128: {  	s15 =	simm.s32 $0x10;
	s11 =	simm.s32 $0x80;
	v5 =	vld [tilespmem:s4+$0x4500];
	v63 =	vadd.f32 v6, v7  }
0x129: {  	s12 =	sand.u32 $0x1C00, s11;
	s16 =	sand.u32 $0x70, s15;
	v6 =	vld [tilespmem:s4+$0x6580];
	[tilespmem:s4+$0xA400] =	vst v8  }
0x12a: {  	s9 =	sor.u32 s15, s11;
	s10 =	sor.u32 s16, s12;
	s12 =	simm.s32 $0x20;
	v7 =	vadd.f32 v62, v61;
	[tilespmem:s4+$0xA300] =	vst v63  }
.LBB2_4:
0x12b: {  	p0 =	sne.s32 s12, $0x3F0  }
0x12c: {  	s11 =	sadd.s32 $0x80, s11;
	[tilespmem:s4+$0xA500] =	vst v7;
	s15 =	smov.u32 s12;
	s12 =	sadd.s32 $0x10, s12  }
0x12d: {  	s14 =	sor.u32 s15, s11;
	v4 =	vadd.f32 v4, v5  }
0x12e: {  	v3 =	vadd.f32 v6, v3  }
0x12f: {  	[tilespmem:s4+$0xA380] =	vst v4;
	s4 =	smov.u32 s10  }
0x130: {  	[tilespmem:s8+$0x8200] =	vst v3  }
0x131: {  	v3 =	vld [tilespmem:s4+$0x280]  }
0x132: {  	v4 =	vld [tilespmem:s4+$0x300]  }
0x133: {  	v5 =	vld [tilespmem:s4+$0x380]  }
0x134: {  	v6 =	vld [tilespmem:s4+$0x400]  }
0x135: {  	v7 =	vld [tilespmem:s4+$0x480]  }
0x136: {  	v8 =	vld [tilespmem:s4+$0x200]  }
0x137: {  	v9 =	vld [tilespmem:s4+$0x2280]  }
0x138: {  	v10 =	vld [tilespmem:s4+$0x2200]  }
0x139: {  	v4 =	vadd.f32 v5, v4;
	v5 =	vld [tilespmem:s4+$0x2480]  }
0x13a: {  	v6 =	vadd.f32 v7, v6;
	v7 =	vld [tilespmem:s4+$0x2380]  }
0x13b: {  	v3 =	vadd.f32 v3, v8;
	[tilespmem:s4+$0x8280] =	vst v4;
	v4 =	vld [tilespmem:s4+$0x2300]  }
0x13c: {  	[tilespmem:s4+$0x8300] =	vst v6;
	v6 =	vld [tilespmem:s4+$0x2400]  }
0x13d: {  	s16 =	sor.u32 $0x380, s9;
	[tilespmem:s4+$0x8200] =	vst v3;
	v3 =	vld [tilespmem:s4+$0x500]  }
0x13e: {  	s10 =	sand.u32 $0x1C00, s11;
	s8 =	sand.u32 $0x70, s15;
	v8 =	vld [tilespmem:s16+$0x200]  }
0x13f: {  	s10 =	sor.u32 s8, s10  }
0x140: {  	v4 =	vadd.f32 v7, v4  }
0x141: {  	v5 =	vadd.f32 v5, v6  }
0x142: {  	v6 =	vadd.f32 v9, v10;
	[tilespmem:s4+$0x8480] =	vst v4  }
0x143: {  	v3 =	vadd.f32 v8, v3;
	[tilespmem:s4+$0x8500] =	vst v5  }
0x144: {  	[tilespmem:s4+$0x8400] =	vst v6  }
0x145: {  	s8 =	sor.u32 $0x2380, s9;
	s9 =	smov.u32 s14;
	[tilespmem:s4+$0x8380] =	vst v3;
	v3 =	vld [tilespmem:s4+$0x2500]  }
0x146: {  	v4 =	vld [tilespmem:s8+$0x200];
	_ =	sdelay $0x4  }
0x147: {  	v3 =	vadd.f32 v4, v3;
	_ =	sdelay $0x1  }
0x148: {  	[tilespmem:s16+$0x8200] =	vst v3  }
0x149: {  	v3 =	vld [tilespmem:s4+$0x4200]  }
0x14a: {  	v4 =	vld [tilespmem:s4+$0x4280]  }
0x14b: {  	v5 =	vld [tilespmem:s4+$0x4300]  }
0x14c: {  	v6 =	vld [tilespmem:s4+$0x4380]  }
0x14d: {  	v7 =	vld [tilespmem:s4+$0x4400]  }
0x14e: {  	v8 =	vld [tilespmem:s4+$0x6380]  }
0x14f: {  	v3 =	vadd.f32 v4, v3;
	v4 =	vld [tilespmem:s4+$0x6300]  }
0x150: {  	v9 =	vld [tilespmem:s4+$0x6280]  }
0x151: {  	[tilespmem:s4+$0xA200] =	vst v3;
	v3 =	vadd.f32 v6, v5;
	v5 =	vld [tilespmem:s4+$0x6200]  }
0x152: {  	v6 =	vld [tilespmem:s4+$0x4480]  }
0x153: {  	[tilespmem:s4+$0xA280] =	vst v3;
	v10 =	vld [tilespmem:s4+$0x6400]  }
0x154: {  	v8 =	vadd.f32 v8, v4;
	v11 =	vld [tilespmem:s4+$0x6480]  }
0x155: {  	v3 =	vld [tilespmem:s4+$0x6500]  }
.Ltmp1:
0x156: {  	v4 =	vld [tilespmem:s4+$0x4580];
	v9 =	vadd.f32 v9, v5;
	[tilespmem:s4+$0xA480] =	vst v8;
	(pc) =	sbr.rel @p0 .LBB2_4-.Ltmp1, $4  }
0x157: {  	v8 =	vadd.f32 v6, v7;
	v5 =	vld [tilespmem:s4+$0x4500]  }
0x158: {  	v6 =	vld [tilespmem:s4+$0x6580]  }
0x159: {  	[tilespmem:s4+$0xA400] =	vst v9;
	v7 =	vadd.f32 v11, v10  }
0x15a: {  	[tilespmem:s4+$0xA300] =	vst v8  }
0x15b: {  	_ = 	snop  }
0x15c: {  	v4 =	vadd.f32 v4, v5  }
0x15d: {  	[tilespmem:s4+$0xA500] =	vst v7;
	v3 =	vadd.f32 v6, v3  }
0x15e: {  	[tilespmem:s4+$0xA380] =	vst v4  }
0x15f: {  	[tilespmem:s8+$0x8200] =	vst v3  }
0x160: {  	v3 =	vld [tilespmem:s10+$0x280]  }
0x161: {  	v4 =	vld [tilespmem:s10+$0x300]  }
0x162: {  	v5 =	vld [tilespmem:s10+$0x380]  }
0x163: {  	v6 =	vld [tilespmem:s10+$0x400]  }
0x164: {  	v7 =	vld [tilespmem:s10+$0x480]  }
0x165: {  	v8 =	vld [tilespmem:s10+$0x200]  }
0x166: {  	v9 =	vld [tilespmem:s10+$0x2280]  }
0x167: {  	v10 =	vld [tilespmem:s10+$0x2200]  }
0x168: {  	v11 =	vld [tilespmem:s10+$0x2380];
	v4 =	vadd.f32 v5, v4  }
0x169: {  	v5 =	vld [tilespmem:s10+$0x2480];
	v6 =	vadd.f32 v7, v6  }
0x16a: {  	v3 =	vadd.f32 v3, v8;
	[tilespmem:s10+$0x8280] =	vst v4;
	v4 =	vld [tilespmem:s10+$0x2300]  }
0x16b: {  	[tilespmem:s10+$0x8300] =	vst v6;
	v6 =	vld [tilespmem:s10+$0x2400]  }
0x16c: {  	s11 =	sor.u32 $0x380, s9;
	[tilespmem:s10+$0x8200] =	vst v3;
	v3 =	vld [tilespmem:s10+$0x500]  }
0x16d: {  	v7 =	vld [tilespmem:s11+$0x200];
	_ =	sdelay $0x1  }
0x16e: {  	v4 =	vadd.f32 v11, v4  }
0x16f: {  	v5 =	vadd.f32 v5, v6  }
0x170: {  	v6 =	vadd.f32 v9, v10;
	[tilespmem:s10+$0x8480] =	vst v4  }
0x171: {  	v3 =	vadd.f32 v7, v3;
	[tilespmem:s10+$0x8500] =	vst v5  }
0x172: {  	[tilespmem:s10+$0x8400] =	vst v6  }
0x173: {  	s12 =	sor.u32 $0x2380, s9;
	[tilespmem:s10+$0x8380] =	vst v3;
	v3 =	vld [tilespmem:s10+$0x2500]  }
0x174: {  	v4 =	vld [tilespmem:s12+$0x200];
	_ =	sdelay $0x4  }
0x175: {  	v3 =	vadd.f32 v4, v3;
	_ =	sdelay $0x1  }
0x176: {  	[tilespmem:s11+$0x8200] =	vst v3  }
0x177: {  	v3 =	vld [tilespmem:s10+$0x4200]  }
0x178: {  	v4 =	vld [tilespmem:s10+$0x4280]  }
0x179: {  	v5 =	vld [tilespmem:s10+$0x4300]  }
0x17a: {  	v6 =	vld [tilespmem:s10+$0x4380]  }
0x17b: {  	v7 =	vld [tilespmem:s10+$0x4400]  }
0x17c: {  	v8 =	vld [tilespmem:s10+$0x6380]  }
0x17d: {  	v54 =	vld [tilespmem:s10+$0x6280]  }
0x17e: {  	v3 =	vadd.f32 v4, v3;
	v4 =	vld [tilespmem:s10+$0x6300]  }
0x17f: {  	v55 =	vld [tilespmem:s10+$0x6480]  }
0x180: {  	v56 =	vld [tilespmem:s10+$0x4580]  }
0x181: {  	v12 =	vld [tilespmem:s10+$0x6580]  }
0x182: {  	[tilespmem:s10+$0xA200] =	vst v3;
	v3 =	vadd.f32 v6, v5;
	v5 =	vld [tilespmem:s10+$0x6200]  }
0x183: {  	v6 =	vld [tilespmem:s10+$0x4480];
	v4 =	vadd.f32 v8, v4  }
0x184: {  	[tilespmem:s10+$0xA280] =	vst v3;
	v3 =	vld [tilespmem:s10+$0x6400]  }
0x185: {  	[tilespmem:s10+$0xA480] =	vst v4;
	v4 =	vld [tilespmem:s10+$0x4500]  }
0x186: {  	v8 =	vld [tilespmem:s10+$0x6500]  }
0x187: {  	v5 =	vadd.f32 v54, v5  }
0x188: {  	v6 =	vadd.f32 v6, v7  }
0x189: {  	[tilespmem:s10+$0xA400] =	vst v5;
	v3 =	vadd.f32 v55, v3  }
0x18a: {  	[tilespmem:s10+$0xA300] =	vst v6;
	v4 =	vadd.f32 v56, v4  }
0x18b: {  	[tilespmem:s10+$0xA500] =	vst v3;
	v3 =	vadd.f32 v12, v8  }
0x18c: {  	[tilespmem:s10+$0xA380] =	vst v4  }
0x18d: {  	s14 =	simm.s32 $0x0;
	s15 =	rddreg [dreg:$0x5];
	[tilespmem:s12+$0x8200] =	vst v3  }
0x18e: {  	[hbm4b:s15+s14] =	stream.linear.scatter [tilespmem:s0], [sflag:$0x2], $0x4000, $0x38;
	[tilespmem:$0xC200] =	vst v63  }
0x18f: {  	_ =	swait.ge [sflag:s13], $0x4000  }
0x190: {  	[sflag:s13] =	ssyncset.done $0x0  }
0x191: {  	[sflag:s13] =	ssyncadd.s32 $0xFFFFC000  }
0x192: {  	v3 =	vld [tilespmem:$0x100];
	_ =	sdelay $0x4  }
0x193: {  	v4 =	vshll.u32 v3, $0x3  }
0x194: {  	v3 =	vand.u32 $0x7, v3;
	v4 =	vand.u32 $0xFFFFFFC0, v4  }
0x195: {  	v3 =	vor.u32 v3, v4  }
0x196: {  	v4 =	vperm.xlane v3, v0;
	_ =	sdelay $0x1  }
0x197: {  	v4 =	vadd.s32 v1, v4;
	_ =	sdelay $0x3  }
0x198: {  	s16 =	simm.s32 $0x200  }
0x199: {  	[tilespmem:s16], [sflag:$0x1] =	stream.indirect_vreg.gather [hbm4b:s3+s14], $0x80, v4, vm0, $0xb8;
	[tilespmem:$0xC200] =	vst v63  }
0x19a: {  	s9 =	simm.s32 $0xA00;
	v3 =	vperm.xlane v3, v2  }
0x19b: {  	[tilespmem:s9], [sflag:$0x1] =	stream.indirect_vreg.gather [hbm4b:s5+s14], $0x80, v4, vm0, $0xb8;
	[tilespmem:$0xC200] =	vst v63  }
0x19c: {  	s10 =	simm.s32 $0x1200;
	v3 =	vadd.s32 v1, v3  }
0x19d: {  	[tilespmem:s10], [sflag:$0x1] =	stream.indirect_vreg.gather [hbm4b:s6+s14], $0x80, v4, vm0, $0xb8;
	[tilespmem:$0xC200] =	vst v63  }
0x19e: {  	_ = 	snop  }
0x19f: {  	[tilespmem:s17], [sflag:$0x1] =	stream.indirect_vreg.gather [hbm4b:s7+s14], $0x80, v4, vm0, $0xb8;
	[tilespmem:$0xC200] =	vst v63  }
0x1a0: {  	_ = 	snop  }
0x1a1: {  	[tilespmem:s18], [sflag:$0x1] =	stream.indirect_vreg.gather [hbm4b:s3+s14], $0x80, v3, vm0, $0xb8;
	[tilespmem:$0xC200] =	vst v63  }
0x1a2: {  	_ = 	snop  }
0x1a3: {  	[tilespmem:s19], [sflag:$0x1] =	stream.indirect_vreg.gather [hbm4b:s5+s14], $0x80, v3, vm0, $0xb8;
	[tilespmem:$0xC200] =	vst v63  }
0x1a4: {  	_ = 	snop  }
0x1a5: {  	[tilespmem:s20], [sflag:$0x1] =	stream.indirect_vreg.gather [hbm4b:s6+s14], $0x80, v3, vm0, $0xb8;
	[tilespmem:$0xC200] =	vst v63  }
0x1a6: {  	_ = 	snop  }
0x1a7: {  	[tilespmem:s21], [sflag:$0x1] =	stream.indirect_vreg.gather [hbm4b:s7+s14], $0x80, v3, vm0, $0xb8;
	[tilespmem:$0xC200] =	vst v63  }
0x1a8: {  	v3 =	vld [tilespmem:$0x110];
	_ =	sdelay $0x4  }
0x1a9: {  	v4 =	vshll.u32 v3, $0x3  }
0x1aa: {  	v3 =	vand.u32 $0x7, v3;
	v4 =	vand.u32 $0xFFFFFFC0, v4  }
0x1ab: {  	v3 =	vor.u32 v3, v4  }
0x1ac: {  	v4 =	vperm.xlane v3, v0;
	_ =	sdelay $0x1  }
0x1ad: {  	v4 =	vadd.s32 v1, v4;
	_ =	sdelay $0x4  }
0x1ae: {  	[tilespmem:s22], [sflag:$0x1] =	stream.indirect_vreg.gather [hbm4b:s3+s14], $0x80, v4, vm0, $0xb8;
	[tilespmem:$0xC200] =	vst v63  }
0x1af: {  	v3 =	vperm.xlane v3, v2  }
0x1b0: {  	[tilespmem:s23], [sflag:$0x1] =	stream.indirect_vreg.gather [hbm4b:s5+s14], $0x80, v4, vm0, $0xb8;
	[tilespmem:$0xC200] =	vst v63  }
0x1b1: {  	v3 =	vadd.s32 v1, v3  }
0x1b2: {  	[tilespmem:s24], [sflag:$0x1] =	stream.indirect_vreg.gather [hbm4b:s6+s14], $0x80, v4, vm0, $0xb8;
	[tilespmem:$0xC200] =	vst v63  }
0x1b3: {  	_ = 	snop  }
0x1b4: {  	[tilespmem:s25], [sflag:$0x1] =	stream.indirect_vreg.gather [hbm4b:s7+s14], $0x80, v4, vm0, $0xb8;
	[tilespmem:$0xC200] =	vst v63  }
0x1b5: {  	_ = 	snop  }
0x1b6: {  	[tilespmem:s26], [sflag:$0x1] =	stream.indirect_vreg.gather [hbm4b:s3+s14], $0x80, v3, vm0, $0xb8;
	[tilespmem:$0xC200] =	vst v63  }
0x1b7: {  	_ = 	snop  }
0x1b8: {  	[tilespmem:s28], [sflag:$0x1] =	stream.indirect_vreg.gather [hbm4b:s5+s14], $0x80, v3, vm0, $0xb8;
	[tilespmem:$0xC200] =	vst v63  }
0x1b9: {  	_ = 	snop  }
0x1ba: {  	[tilespmem:s29], [sflag:$0x1] =	stream.indirect_vreg.gather [hbm4b:s6+s14], $0x80, v3, vm0, $0xb8;
	[tilespmem:$0xC200] =	vst v63  }
0x1bb: {  	_ = 	snop  }
0x1bc: {  	[tilespmem:s30], [sflag:$0x1] =	stream.indirect_vreg.gather [hbm4b:s7+s14], $0x80, v3, vm0, $0xb8;
	[tilespmem:$0xC200] =	vst v63  }
0x1bd: {  	_ =	swait.ge [sflag:s31], $0x8000  }
0x1be: {  	s11 =	sand.u32 $0x70, s14;
	s12 =	sand.u32 $0x1C00, s14;
	[sflag:s31] =	ssyncset.done $0x0  }
0x1bf: {  	s4 =	sor.u32 s11, s12;
	[sflag:s31] =	ssyncadd.s32 $0xFFFF8000  }
0x1c0: {  	v3 =	vld [tilespmem:s4+$0x280]  }
0x1c1: {  	v4 =	vld [tilespmem:s4+$0x300]  }
0x1c2: {  	v5 =	vld [tilespmem:s4+$0x380]  }
0x1c3: {  	v6 =	vld [tilespmem:s4+$0x400]  }
0x1c4: {  	v7 =	vld [tilespmem:s4+$0x480]  }
0x1c5: {  	v8 =	vld [tilespmem:s4+$0x200]  }
0x1c6: {  	v57 =	vld [tilespmem:s4+$0x2280]  }
0x1c7: {  	v58 =	vld [tilespmem:s4+$0x2200]  }
0x1c8: {  	v59 =	vld [tilespmem:s4+$0x2380];
	v4 =	vadd.f32 v5, v4  }
0x1c9: {  	v5 =	vld [tilespmem:s4+$0x2480];
	v6 =	vadd.f32 v7, v6  }
0x1ca: {  	v3 =	vadd.f32 v3, v8;
	[tilespmem:s4+$0x8280] =	vst v4;
	v4 =	vld [tilespmem:s4+$0x2300]  }
0x1cb: {  	s8 =	sor.u32 s14, s14;
	[tilespmem:s4+$0x8300] =	vst v6;
	v6 =	vld [tilespmem:s4+$0x2400]  }
0x1cc: {  	s14 =	sor.u32 $0x380, s8;
	[tilespmem:s4+$0x8200] =	vst v3;
	v3 =	vld [tilespmem:s4+$0x500]  }
0x1cd: {  	v7 =	vld [tilespmem:s14+$0x200];
	_ =	sdelay $0x1  }
0x1ce: {  	v4 =	vadd.f32 v59, v4  }
0x1cf: {  	v5 =	vadd.f32 v5, v6  }
0x1d0: {  	v6 =	vadd.f32 v57, v58;
	[tilespmem:s4+$0x8480] =	vst v4  }
0x1d1: {  	v3 =	vadd.f32 v7, v3;
	[tilespmem:s4+$0x8500] =	vst v5  }
0x1d2: {  	[tilespmem:s4+$0x8400] =	vst v6  }
0x1d3: {  	s8 =	sor.u32 $0x2380, s8;
	[tilespmem:s4+$0x8380] =	vst v3;
	v3 =	vld [tilespmem:s4+$0x2500]  }
0x1d4: {  	v4 =	vld [tilespmem:s8+$0x200];
	_ =	sdelay $0x4  }
0x1d5: {  	v3 =	vadd.f32 v4, v3;
	_ =	sdelay $0x1  }
0x1d6: {  	[tilespmem:s14+$0x8200] =	vst v3  }
0x1d7: {  	v3 =	vld [tilespmem:s4+$0x4200]  }
0x1d8: {  	v4 =	vld [tilespmem:s4+$0x4280]  }
0x1d9: {  	v5 =	vld [tilespmem:s4+$0x4300]  }
0x1da: {  	v6 =	vld [tilespmem:s4+$0x4380]  }
0x1db: {  	v7 =	vld [tilespmem:s4+$0x4400]  }
0x1dc: {  	v8 =	vld [tilespmem:s4+$0x6380]  }
0x1dd: {  	v3 =	vadd.f32 v4, v3;
	v4 =	vld [tilespmem:s4+$0x6300]  }
0x1de: {  	v60 =	vld [tilespmem:s4+$0x6280]  }
0x1df: {  	[tilespmem:s4+$0xA200] =	vst v3;
	v3 =	vadd.f32 v6, v5;
	v5 =	vld [tilespmem:s4+$0x6200]  }
0x1e0: {  	v6 =	vld [tilespmem:s4+$0x4480]  }
0x1e1: {  	v61 =	vld [tilespmem:s4+$0x6400]  }
0x1e2: {  	v62 =	vld [tilespmem:s4+$0x6480];
	v8 =	vadd.f32 v8, v4  }
0x1e3: {  	[tilespmem:s4+$0xA280] =	vst v3;
	v3 =	vld [tilespmem:s4+$0x6500]  }
0x1e4: {  	v4 =	vld [tilespmem:s4+$0x4580];
	[tilespmem:s4+$0xA480] =	vst v8;
	v8 =	vadd.f32 v60, v5  }
0x1e5: {  	s15 =	simm.s32 $0x10;
	s11 =	simm.s32 $0x80;
	v5 =	vld [tilespmem:s4+$0x4500];
	v63 =	vadd.f32 v6, v7  }
0x1e6: {  	s12 =	sand.u32 $0x1C00, s11;
	s16 =	sand.u32 $0x70, s15;
	v6 =	vld [tilespmem:s4+$0x6580];
	[tilespmem:s4+$0xA400] =	vst v8  }
0x1e7: {  	s9 =	sor.u32 s15, s11;
	s10 =	sor.u32 s16, s12;
	s12 =	simm.s32 $0x20;
	v7 =	vadd.f32 v62, v61;
	[tilespmem:s4+$0xA300] =	vst v63  }
.LBB2_6:
0x1e8: {  	p0 =	sne.s32 s12, $0x3F0  }
0x1e9: {  	s11 =	sadd.s32 $0x80, s11;
	[tilespmem:s4+$0xA500] =	vst v7;
	s15 =	smov.u32 s12;
	s12 =	sadd.s32 $0x10, s12  }
0x1ea: {  	s14 =	sor.u32 s15, s11;
	v4 =	vadd.f32 v4, v5  }
0x1eb: {  	v3 =	vadd.f32 v6, v3  }
0x1ec: {  	[tilespmem:s4+$0xA380] =	vst v4;
	s4 =	smov.u32 s10  }
0x1ed: {  	[tilespmem:s8+$0x8200] =	vst v3  }
0x1ee: {  	v3 =	vld [tilespmem:s4+$0x280]  }
0x1ef: {  	v4 =	vld [tilespmem:s4+$0x300]  }
0x1f0: {  	v5 =	vld [tilespmem:s4+$0x380]  }
0x1f1: {  	v6 =	vld [tilespmem:s4+$0x400]  }
0x1f2: {  	v7 =	vld [tilespmem:s4+$0x480]  }
0x1f3: {  	v8 =	vld [tilespmem:s4+$0x200]  }
0x1f4: {  	v9 =	vld [tilespmem:s4+$0x2280]  }
0x1f5: {  	v10 =	vld [tilespmem:s4+$0x2200]  }
0x1f6: {  	v4 =	vadd.f32 v5, v4;
	v5 =	vld [tilespmem:s4+$0x2480]  }
0x1f7: {  	v6 =	vadd.f32 v7, v6;
	v7 =	vld [tilespmem:s4+$0x2380]  }
0x1f8: {  	v3 =	vadd.f32 v3, v8;
	[tilespmem:s4+$0x8280] =	vst v4;
	v4 =	vld [tilespmem:s4+$0x2300]  }
0x1f9: {  	[tilespmem:s4+$0x8300] =	vst v6;
	v6 =	vld [tilespmem:s4+$0x2400]  }
0x1fa: {  	s16 =	sor.u32 $0x380, s9;
	[tilespmem:s4+$0x8200] =	vst v3;
	v3 =	vld [tilespmem:s4+$0x500]  }
0x1fb: {  	s10 =	sand.u32 $0x1C00, s11;
	s8 =	sand.u32 $0x70, s15;
	v8 =	vld [tilespmem:s16+$0x200]  }
0x1fc: {  	s10 =	sor.u32 s8, s10  }
0x1fd: {  	v4 =	vadd.f32 v7, v4  }
0x1fe: {  	v5 =	vadd.f32 v5, v6  }
0x1ff: {  	v6 =	vadd.f32 v9, v10;
	[tilespmem:s4+$0x8480] =	vst v4  }
0x200: {  	v3 =	vadd.f32 v8, v3;
	[tilespmem:s4+$0x8500] =	vst v5  }
0x201: {  	[tilespmem:s4+$0x8400] =	vst v6  }
0x202: {  	s8 =	sor.u32 $0x2380, s9;
	s9 =	smov.u32 s14;
	[tilespmem:s4+$0x8380] =	vst v3;
	v3 =	vld [tilespmem:s4+$0x2500]  }
0x203: {  	v4 =	vld [tilespmem:s8+$0x200];
	_ =	sdelay $0x4  }
0x204: {  	v3 =	vadd.f32 v4, v3;
	_ =	sdelay $0x1  }
0x205: {  	[tilespmem:s16+$0x8200] =	vst v3  }
0x206: {  	v3 =	vld [tilespmem:s4+$0x4200]  }
0x207: {  	v4 =	vld [tilespmem:s4+$0x4280]  }
0x208: {  	v5 =	vld [tilespmem:s4+$0x4300]  }
0x209: {  	v6 =	vld [tilespmem:s4+$0x4380]  }
0x20a: {  	v7 =	vld [tilespmem:s4+$0x4400]  }
0x20b: {  	v8 =	vld [tilespmem:s4+$0x6380]  }
0x20c: {  	v3 =	vadd.f32 v4, v3;
	v4 =	vld [tilespmem:s4+$0x6300]  }
0x20d: {  	v9 =	vld [tilespmem:s4+$0x6280]  }
0x20e: {  	[tilespmem:s4+$0xA200] =	vst v3;
	v3 =	vadd.f32 v6, v5;
	v5 =	vld [tilespmem:s4+$0x6200]  }
0x20f: {  	v6 =	vld [tilespmem:s4+$0x4480]  }
0x210: {  	[tilespmem:s4+$0xA280] =	vst v3;
	v10 =	vld [tilespmem:s4+$0x6400]  }
0x211: {  	v8 =	vadd.f32 v8, v4;
	v11 =	vld [tilespmem:s4+$0x6480]  }
0x212: {  	v3 =	vld [tilespmem:s4+$0x6500]  }
.Ltmp2:
0x213: {  	v4 =	vld [tilespmem:s4+$0x4580];
	v9 =	vadd.f32 v9, v5;
	[tilespmem:s4+$0xA480] =	vst v8;
	(pc) =	sbr.rel @p0 .LBB2_6-.Ltmp2, $4  }
0x214: {  	v8 =	vadd.f32 v6, v7;
	v5 =	vld [tilespmem:s4+$0x4500]  }
0x215: {  	v6 =	vld [tilespmem:s4+$0x6580]  }
0x216: {  	[tilespmem:s4+$0xA400] =	vst v9;
	v7 =	vadd.f32 v11, v10  }
0x217: {  	[tilespmem:s4+$0xA300] =	vst v8  }
0x218: {  	_ = 	snop  }
0x219: {  	v4 =	vadd.f32 v4, v5  }
0x21a: {  	[tilespmem:s4+$0xA500] =	vst v7;
	v3 =	vadd.f32 v6, v3  }
0x21b: {  	[tilespmem:s4+$0xA380] =	vst v4  }
0x21c: {  	[tilespmem:s8+$0x8200] =	vst v3  }
0x21d: {  	v3 =	vld [tilespmem:s10+$0x280]  }
0x21e: {  	v4 =	vld [tilespmem:s10+$0x300]  }
0x21f: {  	v5 =	vld [tilespmem:s10+$0x380]  }
0x220: {  	v6 =	vld [tilespmem:s10+$0x400]  }
0x221: {  	v7 =	vld [tilespmem:s10+$0x480]  }
0x222: {  	v8 =	vld [tilespmem:s10+$0x200]  }
0x223: {  	v9 =	vld [tilespmem:s10+$0x2280]  }
0x224: {  	v10 =	vld [tilespmem:s10+$0x2200]  }
0x225: {  	v11 =	vld [tilespmem:s10+$0x2380];
	v4 =	vadd.f32 v5, v4  }
0x226: {  	v5 =	vld [tilespmem:s10+$0x2480];
	v6 =	vadd.f32 v7, v6  }
0x227: {  	v3 =	vadd.f32 v3, v8;
	[tilespmem:s10+$0x8280] =	vst v4;
	v4 =	vld [tilespmem:s10+$0x2300]  }
0x228: {  	[tilespmem:s10+$0x8300] =	vst v6;
	v6 =	vld [tilespmem:s10+$0x2400]  }
0x229: {  	s11 =	sor.u32 $0x380, s9;
	[tilespmem:s10+$0x8200] =	vst v3;
	v3 =	vld [tilespmem:s10+$0x500]  }
0x22a: {  	v7 =	vld [tilespmem:s11+$0x200];
	_ =	sdelay $0x1  }
0x22b: {  	v4 =	vadd.f32 v11, v4  }
0x22c: {  	v5 =	vadd.f32 v5, v6  }
0x22d: {  	v6 =	vadd.f32 v9, v10;
	[tilespmem:s10+$0x8480] =	vst v4  }
0x22e: {  	v3 =	vadd.f32 v7, v3;
	[tilespmem:s10+$0x8500] =	vst v5  }
0x22f: {  	[tilespmem:s10+$0x8400] =	vst v6  }
0x230: {  	s12 =	sor.u32 $0x2380, s9;
	[tilespmem:s10+$0x8380] =	vst v3;
	v3 =	vld [tilespmem:s10+$0x2500]  }
0x231: {  	v4 =	vld [tilespmem:s12+$0x200];
	_ =	sdelay $0x4  }
0x232: {  	v3 =	vadd.f32 v4, v3;
	_ =	sdelay $0x1  }
0x233: {  	[tilespmem:s11+$0x8200] =	vst v3  }
0x234: {  	v3 =	vld [tilespmem:s10+$0x4200]  }
0x235: {  	v4 =	vld [tilespmem:s10+$0x4280]  }
0x236: {  	v5 =	vld [tilespmem:s10+$0x4300]  }
0x237: {  	v6 =	vld [tilespmem:s10+$0x4380]  }
0x238: {  	v7 =	vld [tilespmem:s10+$0x4400]  }
0x239: {  	v8 =	vld [tilespmem:s10+$0x6380]  }
0x23a: {  	v54 =	vld [tilespmem:s10+$0x6280]  }
0x23b: {  	v3 =	vadd.f32 v4, v3;
	v4 =	vld [tilespmem:s10+$0x6300]  }
0x23c: {  	v55 =	vld [tilespmem:s10+$0x6480]  }
0x23d: {  	v56 =	vld [tilespmem:s10+$0x4580]  }
0x23e: {  	v12 =	vld [tilespmem:s10+$0x6580]  }
0x23f: {  	[tilespmem:s10+$0xA200] =	vst v3;
	v3 =	vadd.f32 v6, v5;
	v5 =	vld [tilespmem:s10+$0x6200]  }
0x240: {  	v6 =	vld [tilespmem:s10+$0x4480];
	v4 =	vadd.f32 v8, v4  }
0x241: {  	[tilespmem:s10+$0xA280] =	vst v3;
	v3 =	vld [tilespmem:s10+$0x6400]  }
0x242: {  	[tilespmem:s10+$0xA480] =	vst v4;
	v4 =	vld [tilespmem:s10+$0x4500]  }
0x243: {  	v8 =	vld [tilespmem:s10+$0x6500]  }
0x244: {  	v5 =	vadd.f32 v54, v5  }
0x245: {  	v6 =	vadd.f32 v6, v7  }
0x246: {  	[tilespmem:s10+$0xA400] =	vst v5;
	v3 =	vadd.f32 v55, v3  }
0x247: {  	[tilespmem:s10+$0xA300] =	vst v6;
	v4 =	vadd.f32 v56, v4  }
0x248: {  	[tilespmem:s10+$0xA500] =	vst v3;
	v3 =	vadd.f32 v12, v8  }
0x249: {  	[tilespmem:s10+$0xA380] =	vst v4  }
0x24a: {  	s14 =	simm.s32 $0x0;
	s15 =	rddreg [dreg:$0x6];
	[tilespmem:s12+$0x8200] =	vst v3  }
0x24b: {  	[hbm4b:s15+s14] =	stream.linear.scatter [tilespmem:s0], [sflag:$0x2], $0x4000, $0x38;
	[tilespmem:$0xC200] =	vst v63  }
0x24c: {  	_ =	swait.ge [sflag:s13], $0x4000  }
0x24d: {  	[sflag:s13] =	ssyncset.done $0x0  }
0x24e: {  	[sflag:s13] =	ssyncadd.s32 $0xFFFFC000  }
0x24f: {  	v3 =	vld [tilespmem:$0x180];
	_ =	sdelay $0x4  }
0x250: {  	v4 =	vshll.u32 v3, $0x3  }
0x251: {  	v3 =	vand.u32 $0x7, v3;
	v4 =	vand.u32 $0xFFFFFFC0, v4  }
0x252: {  	v3 =	vor.u32 v3, v4  }
0x253: {  	v4 =	vperm.xlane v3, v0;
	_ =	sdelay $0x1  }
0x254: {  	v4 =	vadd.s32 v1, v4;
	_ =	sdelay $0x3  }
0x255: {  	s16 =	simm.s32 $0x200  }
0x256: {  	[tilespmem:s16], [sflag:$0x1] =	stream.indirect_vreg.gather [hbm4b:s3+s14], $0x80, v4, vm0, $0xb8;
	[tilespmem:$0xC200] =	vst v63  }
0x257: {  	s9 =	simm.s32 $0xA00;
	v3 =	vperm.xlane v3, v2  }
0x258: {  	[tilespmem:s9], [sflag:$0x1] =	stream.indirect_vreg.gather [hbm4b:s5+s14], $0x80, v4, vm0, $0xb8;
	[tilespmem:$0xC200] =	vst v63  }
0x259: {  	s10 =	simm.s32 $0x1200;
	v3 =	vadd.s32 v1, v3  }
0x25a: {  	[tilespmem:s10], [sflag:$0x1] =	stream.indirect_vreg.gather [hbm4b:s6+s14], $0x80, v4, vm0, $0xb8;
	[tilespmem:$0xC200] =	vst v63  }
0x25b: {  	_ = 	snop  }
0x25c: {  	[tilespmem:s17], [sflag:$0x1] =	stream.indirect_vreg.gather [hbm4b:s7+s14], $0x80, v4, vm0, $0xb8;
	[tilespmem:$0xC200] =	vst v63  }
0x25d: {  	_ = 	snop  }
0x25e: {  	[tilespmem:s18], [sflag:$0x1] =	stream.indirect_vreg.gather [hbm4b:s3+s14], $0x80, v3, vm0, $0xb8;
	[tilespmem:$0xC200] =	vst v63  }
0x25f: {  	_ = 	snop  }
0x260: {  	[tilespmem:s19], [sflag:$0x1] =	stream.indirect_vreg.gather [hbm4b:s5+s14], $0x80, v3, vm0, $0xb8;
	[tilespmem:$0xC200] =	vst v63  }
0x261: {  	_ = 	snop  }
0x262: {  	[tilespmem:s20], [sflag:$0x1] =	stream.indirect_vreg.gather [hbm4b:s6+s14], $0x80, v3, vm0, $0xb8;
	[tilespmem:$0xC200] =	vst v63  }
0x263: {  	_ = 	snop  }
0x264: {  	[tilespmem:s21], [sflag:$0x1] =	stream.indirect_vreg.gather [hbm4b:s7+s14], $0x80, v3, vm0, $0xb8;
	[tilespmem:$0xC200] =	vst v63  }
0x265: {  	v3 =	vld [tilespmem:$0x190];
	_ =	sdelay $0x4  }
0x266: {  	v4 =	vshll.u32 v3, $0x3  }
0x267: {  	v3 =	vand.u32 $0x7, v3;
	v4 =	vand.u32 $0xFFFFFFC0, v4  }
0x268: {  	v3 =	vor.u32 v3, v4  }
0x269: {  	v4 =	vperm.xlane v3, v0;
	_ =	sdelay $0x1  }
0x26a: {  	v4 =	vadd.s32 v1, v4;
	_ =	sdelay $0x4  }
0x26b: {  	[tilespmem:s22], [sflag:$0x1] =	stream.indirect_vreg.gather [hbm4b:s3+s14], $0x80, v4, vm0, $0xb8;
	[tilespmem:$0xC200] =	vst v63  }
0x26c: {  	v3 =	vperm.xlane v3, v2  }
0x26d: {  	[tilespmem:s23], [sflag:$0x1] =	stream.indirect_vreg.gather [hbm4b:s5+s14], $0x80, v4, vm0, $0xb8;
	[tilespmem:$0xC200] =	vst v63  }
0x26e: {  	v3 =	vadd.s32 v1, v3  }
0x26f: {  	[tilespmem:s24], [sflag:$0x1] =	stream.indirect_vreg.gather [hbm4b:s6+s14], $0x80, v4, vm0, $0xb8;
	[tilespmem:$0xC200] =	vst v63  }
0x270: {  	_ = 	snop  }
0x271: {  	[tilespmem:s25], [sflag:$0x1] =	stream.indirect_vreg.gather [hbm4b:s7+s14], $0x80, v4, vm0, $0xb8;
	[tilespmem:$0xC200] =	vst v63  }
0x272: {  	_ = 	snop  }
0x273: {  	[tilespmem:s26], [sflag:$0x1] =	stream.indirect_vreg.gather [hbm4b:s3+s14], $0x80, v3, vm0, $0xb8;
	[tilespmem:$0xC200] =	vst v63  }
0x274: {  	_ = 	snop  }
0x275: {  	[tilespmem:s28], [sflag:$0x1] =	stream.indirect_vreg.gather [hbm4b:s5+s14], $0x80, v3, vm0, $0xb8;
	[tilespmem:$0xC200] =	vst v63  }
0x276: {  	_ = 	snop  }
0x277: {  	[tilespmem:s29], [sflag:$0x1] =	stream.indirect_vreg.gather [hbm4b:s6+s14], $0x80, v3, vm0, $0xb8;
	[tilespmem:$0xC200] =	vst v63  }
0x278: {  	_ = 	snop  }
0x279: {  	[tilespmem:s30], [sflag:$0x1] =	stream.indirect_vreg.gather [hbm4b:s7+s14], $0x80, v3, vm0, $0xb8;
	[tilespmem:$0xC200] =	vst v63  }
0x27a: {  	_ =	swait.ge [sflag:s31], $0x8000  }
0x27b: {  	s11 =	sand.u32 $0x70, s14;
	s12 =	sand.u32 $0x1C00, s14;
	[sflag:s31] =	ssyncset.done $0x0  }
0x27c: {  	s4 =	sor.u32 s11, s12;
	[sflag:s31] =	ssyncadd.s32 $0xFFFF8000  }
0x27d: {  	v3 =	vld [tilespmem:s4+$0x280]  }
0x27e: {  	v4 =	vld [tilespmem:s4+$0x300]  }
0x27f: {  	v5 =	vld [tilespmem:s4+$0x380]  }
0x280: {  	v6 =	vld [tilespmem:s4+$0x400]  }
0x281: {  	v7 =	vld [tilespmem:s4+$0x480]  }
0x282: {  	v8 =	vld [tilespmem:s4+$0x200]  }
0x283: {  	v57 =	vld [tilespmem:s4+$0x2280]  }
0x284: {  	v58 =	vld [tilespmem:s4+$0x2200]  }
0x285: {  	v59 =	vld [tilespmem:s4+$0x2380];
	v4 =	vadd.f32 v5, v4  }
0x286: {  	v5 =	vld [tilespmem:s4+$0x2480];
	v6 =	vadd.f32 v7, v6  }
0x287: {  	v3 =	vadd.f32 v3, v8;
	[tilespmem:s4+$0x8280] =	vst v4;
	v4 =	vld [tilespmem:s4+$0x2300]  }
0x288: {  	s8 =	sor.u32 s14, s14;
	[tilespmem:s4+$0x8300] =	vst v6;
	v6 =	vld [tilespmem:s4+$0x2400]  }
0x289: {  	s14 =	sor.u32 $0x380, s8;
	[tilespmem:s4+$0x8200] =	vst v3;
	v3 =	vld [tilespmem:s4+$0x500]  }
0x28a: {  	v7 =	vld [tilespmem:s14+$0x200];
	_ =	sdelay $0x1  }
0x28b: {  	v4 =	vadd.f32 v59, v4  }
0x28c: {  	v5 =	vadd.f32 v5, v6  }
0x28d: {  	v6 =	vadd.f32 v57, v58;
	[tilespmem:s4+$0x8480] =	vst v4  }
0x28e: {  	v3 =	vadd.f32 v7, v3;
	[tilespmem:s4+$0x8500] =	vst v5  }
0x28f: {  	[tilespmem:s4+$0x8400] =	vst v6  }
0x290: {  	s8 =	sor.u32 $0x2380, s8;
	[tilespmem:s4+$0x8380] =	vst v3;
	v3 =	vld [tilespmem:s4+$0x2500]  }
0x291: {  	v4 =	vld [tilespmem:s8+$0x200];
	_ =	sdelay $0x4  }
0x292: {  	v3 =	vadd.f32 v4, v3;
	_ =	sdelay $0x1  }
0x293: {  	[tilespmem:s14+$0x8200] =	vst v3  }
0x294: {  	v3 =	vld [tilespmem:s4+$0x4200]  }
0x295: {  	v4 =	vld [tilespmem:s4+$0x4280]  }
0x296: {  	v5 =	vld [tilespmem:s4+$0x4300]  }
0x297: {  	v6 =	vld [tilespmem:s4+$0x4380]  }
0x298: {  	v7 =	vld [tilespmem:s4+$0x4400]  }
0x299: {  	v8 =	vld [tilespmem:s4+$0x6380]  }
0x29a: {  	v3 =	vadd.f32 v4, v3;
	v4 =	vld [tilespmem:s4+$0x6300]  }
0x29b: {  	v60 =	vld [tilespmem:s4+$0x6280]  }
0x29c: {  	[tilespmem:s4+$0xA200] =	vst v3;
	v3 =	vadd.f32 v6, v5;
	v5 =	vld [tilespmem:s4+$0x6200]  }
0x29d: {  	v6 =	vld [tilespmem:s4+$0x4480]  }
0x29e: {  	v61 =	vld [tilespmem:s4+$0x6400]  }
0x29f: {  	v62 =	vld [tilespmem:s4+$0x6480];
	v8 =	vadd.f32 v8, v4  }
0x2a0: {  	[tilespmem:s4+$0xA280] =	vst v3;
	v3 =	vld [tilespmem:s4+$0x6500]  }
0x2a1: {  	v4 =	vld [tilespmem:s4+$0x4580];
	[tilespmem:s4+$0xA480] =	vst v8;
	v8 =	vadd.f32 v60, v5  }
0x2a2: {  	s15 =	simm.s32 $0x10;
	s11 =	simm.s32 $0x80;
	v5 =	vld [tilespmem:s4+$0x4500];
	v63 =	vadd.f32 v6, v7  }
0x2a3: {  	s12 =	sand.u32 $0x1C00, s11;
	s16 =	sand.u32 $0x70, s15;
	v6 =	vld [tilespmem:s4+$0x6580];
	[tilespmem:s4+$0xA400] =	vst v8  }
0x2a4: {  	s9 =	sor.u32 s15, s11;
	s10 =	sor.u32 s16, s12;
	s12 =	simm.s32 $0x20;
	v7 =	vadd.f32 v62, v61;
	[tilespmem:s4+$0xA300] =	vst v63  }
.LBB2_8:
0x2a5: {  	p0 =	sne.s32 s12, $0x3F0  }
0x2a6: {  	s11 =	sadd.s32 $0x80, s11;
	[tilespmem:s4+$0xA500] =	vst v7;
	s15 =	smov.u32 s12;
	s12 =	sadd.s32 $0x10, s12  }
0x2a7: {  	s14 =	sor.u32 s15, s11;
	v4 =	vadd.f32 v4, v5  }
0x2a8: {  	v3 =	vadd.f32 v6, v3  }
0x2a9: {  	[tilespmem:s4+$0xA380] =	vst v4;
	s4 =	smov.u32 s10  }
0x2aa: {  	[tilespmem:s8+$0x8200] =	vst v3  }
0x2ab: {  	v3 =	vld [tilespmem:s4+$0x280]  }
0x2ac: {  	v4 =	vld [tilespmem:s4+$0x300]  }
0x2ad: {  	v5 =	vld [tilespmem:s4+$0x380]  }
0x2ae: {  	v6 =	vld [tilespmem:s4+$0x400]  }
0x2af: {  	v7 =	vld [tilespmem:s4+$0x480]  }
0x2b0: {  	v8 =	vld [tilespmem:s4+$0x200]  }
0x2b1: {  	v9 =	vld [tilespmem:s4+$0x2280]  }
0x2b2: {  	v10 =	vld [tilespmem:s4+$0x2200]  }
0x2b3: {  	v4 =	vadd.f32 v5, v4;
	v5 =	vld [tilespmem:s4+$0x2480]  }
0x2b4: {  	v6 =	vadd.f32 v7, v6;
	v7 =	vld [tilespmem:s4+$0x2380]  }
0x2b5: {  	v3 =	vadd.f32 v3, v8;
	[tilespmem:s4+$0x8280] =	vst v4;
	v4 =	vld [tilespmem:s4+$0x2300]  }
0x2b6: {  	[tilespmem:s4+$0x8300] =	vst v6;
	v6 =	vld [tilespmem:s4+$0x2400]  }
0x2b7: {  	s16 =	sor.u32 $0x380, s9;
	[tilespmem:s4+$0x8200] =	vst v3;
	v3 =	vld [tilespmem:s4+$0x500]  }
0x2b8: {  	s10 =	sand.u32 $0x1C00, s11;
	s8 =	sand.u32 $0x70, s15;
	v8 =	vld [tilespmem:s16+$0x200]  }
0x2b9: {  	s10 =	sor.u32 s8, s10  }
0x2ba: {  	v4 =	vadd.f32 v7, v4  }
0x2bb: {  	v5 =	vadd.f32 v5, v6  }
0x2bc: {  	v6 =	vadd.f32 v9, v10;
	[tilespmem:s4+$0x8480] =	vst v4  }
0x2bd: {  	v3 =	vadd.f32 v8, v3;
	[tilespmem:s4+$0x8500] =	vst v5  }
0x2be: {  	[tilespmem:s4+$0x8400] =	vst v6  }
0x2bf: {  	s8 =	sor.u32 $0x2380, s9;
	s9 =	smov.u32 s14;
	[tilespmem:s4+$0x8380] =	vst v3;
	v3 =	vld [tilespmem:s4+$0x2500]  }
0x2c0: {  	v4 =	vld [tilespmem:s8+$0x200];
	_ =	sdelay $0x4  }
0x2c1: {  	v3 =	vadd.f32 v4, v3;
	_ =	sdelay $0x1  }
0x2c2: {  	[tilespmem:s16+$0x8200] =	vst v3  }
0x2c3: {  	v3 =	vld [tilespmem:s4+$0x4200]  }
0x2c4: {  	v4 =	vld [tilespmem:s4+$0x4280]  }
0x2c5: {  	v5 =	vld [tilespmem:s4+$0x4300]  }
0x2c6: {  	v6 =	vld [tilespmem:s4+$0x4380]  }
0x2c7: {  	v7 =	vld [tilespmem:s4+$0x4400]  }
0x2c8: {  	v8 =	vld [tilespmem:s4+$0x6380]  }
0x2c9: {  	v3 =	vadd.f32 v4, v3;
	v4 =	vld [tilespmem:s4+$0x6300]  }
0x2ca: {  	v9 =	vld [tilespmem:s4+$0x6280]  }
0x2cb: {  	[tilespmem:s4+$0xA200] =	vst v3;
	v3 =	vadd.f32 v6, v5;
	v5 =	vld [tilespmem:s4+$0x6200]  }
0x2cc: {  	v6 =	vld [tilespmem:s4+$0x4480]  }
0x2cd: {  	[tilespmem:s4+$0xA280] =	vst v3;
	v10 =	vld [tilespmem:s4+$0x6400]  }
0x2ce: {  	v8 =	vadd.f32 v8, v4;
	v11 =	vld [tilespmem:s4+$0x6480]  }
0x2cf: {  	v3 =	vld [tilespmem:s4+$0x6500]  }
.Ltmp3:
0x2d0: {  	v4 =	vld [tilespmem:s4+$0x4580];
	v9 =	vadd.f32 v9, v5;
	[tilespmem:s4+$0xA480] =	vst v8;
	(pc) =	sbr.rel @p0 .LBB2_8-.Ltmp3, $4  }
0x2d1: {  	v8 =	vadd.f32 v6, v7;
	v5 =	vld [tilespmem:s4+$0x4500]  }
0x2d2: {  	v6 =	vld [tilespmem:s4+$0x6580]  }
0x2d3: {  	[tilespmem:s4+$0xA400] =	vst v9;
	v7 =	vadd.f32 v11, v10  }
0x2d4: {  	[tilespmem:s4+$0xA300] =	vst v8  }
0x2d5: {  	_ = 	snop  }
0x2d6: {  	v4 =	vadd.f32 v4, v5  }
0x2d7: {  	[tilespmem:s4+$0xA500] =	vst v7;
	v3 =	vadd.f32 v6, v3  }
0x2d8: {  	[tilespmem:s4+$0xA380] =	vst v4  }
0x2d9: {  	[tilespmem:s8+$0x8200] =	vst v3  }
0x2da: {  	v3 =	vld [tilespmem:s10+$0x280]  }
0x2db: {  	v4 =	vld [tilespmem:s10+$0x300]  }
0x2dc: {  	v44 =	vld [tilespmem:s10+$0x380]  }
0x2dd: {  	v45 =	vld [tilespmem:s10+$0x400]  }
0x2de: {  	v7 =	vld [tilespmem:s10+$0x480]  }
0x2df: {  	v8 =	vld [tilespmem:s10+$0x200]  }
0x2e0: {  	v9 =	vld [tilespmem:s10+$0x2280]  }
0x2e1: {  	v10 =	vld [tilespmem:s10+$0x2200]  }
0x2e2: {  	v46 =	vld [tilespmem:s10+$0x2480];
	v4 =	vadd.f32 v44, v4  }
0x2e3: {  	v11 =	vld [tilespmem:s10+$0x2380];
	v6 =	vadd.f32 v7, v45  }
0x2e4: {  	v48 =	vld [tilespmem:s10+$0x2400];
	v3 =	vadd.f32 v3, v8;
	[tilespmem:s10+$0x8280] =	vst v4  }
0x2e5: {  	v47 =	vld [tilespmem:s10+$0x2300];
	[tilespmem:s10+$0x8300] =	vst v6  }
0x2e6: {  	s12 =	sor.u32 $0x380, s9;
	[tilespmem:s10+$0x8200] =	vst v3;
	v3 =	vld [tilespmem:s10+$0x500]  }
0x2e7: {  	v49 =	vld [tilespmem:s12+$0x200];
	_ =	sdelay $0x1  }
0x2e8: {  	v5 =	vadd.f32 v46, v48  }
0x2e9: {  	v50 =	vadd.f32 v9, v10  }
0x2ea: {  	v4 =	vadd.f32 v11, v47;
	[tilespmem:s10+$0x8500] =	vst v5  }
0x2eb: {  	[tilespmem:s10+$0x8400] =	vst v50;
	v3 =	vadd.f32 v49, v3  }
0x2ec: {  	[tilespmem:s10+$0x8480] =	vst v4  }
0x2ed: {  	s14 =	sor.u32 $0x2380, s9;
	[tilespmem:s10+$0x8380] =	vst v3;
	v3 =	vld [tilespmem:s10+$0x2500]  }
0x2ee: {  	v4 =	vld [tilespmem:s14+$0x200];
	_ =	sdelay $0x4  }
0x2ef: {  	v3 =	vadd.f32 v4, v3;
	_ =	sdelay $0x1  }
0x2f0: {  	[tilespmem:s12+$0x8200] =	vst v3  }
0x2f1: {  	v3 =	vld [tilespmem:s10+$0x4200]  }
0x2f2: {  	v51 =	vld [tilespmem:s10+$0x4280]  }
0x2f3: {  	v52 =	vld [tilespmem:s10+$0x4300]  }
0x2f4: {  	v53 =	vld [tilespmem:s10+$0x4380]  }
0x2f5: {  	v54 =	vld [tilespmem:s10+$0x4400]  }
0x2f6: {  	v55 =	vld [tilespmem:s10+$0x6380]  }
0x2f7: {  	v56 =	vld [tilespmem:s10+$0x6300]  }
0x2f8: {  	v57 =	vld [tilespmem:s10+$0x6280]  }
0x2f9: {  	v58 =	vld [tilespmem:s10+$0x6200]  }
0x2fa: {  	v59 =	vld [tilespmem:s10+$0x4480];
	v3 =	vadd.f32 v51, v3  }
0x2fb: {  	v60 =	vld [tilespmem:s10+$0x6480]  }
0x2fc: {  	v61 =	vld [tilespmem:s10+$0x6500];
	[tilespmem:s10+$0xA200] =	vst v3;
	v3 =	vadd.f32 v53, v52  }
0x2fd: {  	v62 =	vld [tilespmem:s10+$0x4580]  }
0x2fe: {  	[tilespmem:s10+$0xA280] =	vst v3;
	v3 =	vld [tilespmem:s10+$0x6400]  }
0x2ff: {  	v63 =	vld [tilespmem:s10+$0x4500]  }
0x300: {  	v12 =	vld [tilespmem:s10+$0x6580];
	v4 =	vadd.f32 v55, v56  }
0x301: {  	v5 =	vadd.f32 v57, v58  }
0x302: {  	v6 =	vadd.f32 v59, v54;
	[tilespmem:s10+$0xA480] =	vst v4  }
0x303: {  	[tilespmem:s10+$0xA400] =	vst v5;
	v3 =	vadd.f32 v60, v3  }
0x304: {  	[tilespmem:s10+$0xA300] =	vst v6;
	v4 =	vadd.f32 v62, v63  }
0x305: {  	[tilespmem:s10+$0xA500] =	vst v3;
	v3 =	vadd.f32 v12, v61  }
0x306: {  	[tilespmem:s10+$0xA380] =	vst v4  }
0x307: {  	s15 =	rddreg [dreg:$0x7];
	[tilespmem:s14+$0x8200] =	vst v3  }
0x308: {  	[hbm4b:s15+s2] =	stream.linear.scatter [tilespmem:s0], [sflag:$0x2], $0x4000, $0x38;
	[tilespmem:$0xC200] =	vst v63  }
0x309: {  	_ =	swait.ge [sflag:s13], $0x4000  }
0x30a: {  	s1 =	sadd.s32 $0x1, s1;
	s16 =	rddreg [dreg:$0x8]  }
0x30b: {  	p0 =	sne.s32 s1, s16  }
.Ltmp4:
0x30c: {  	_ = 	snop;
	(pc) =	sbr.rel @p0 .LBB2_1-.Ltmp4, $3  }
0x30d: {  	_ =	sdelay $0x1  }
0x30e: {  	[sflag:s13] =	ssyncset.done $0x0  }
0x30f: {  	[sflag:s13] =	ssyncadd.s32 $0xFFFFC000  }
0x310: {  	_ =	sfence.sel $0x180000  }
0x311: {  	[bflag:$0x0] =	sbarrier.arrive $0xFFFF  }
0x312: {  	_ =	strace $0x9000004A  }
0x313: {  	s0 =	stileid.u32;
	[bflag:$0x2] =	sbarrier.arrive $0xFFFF  }
0x314: {  	p0 =	sne.s32 s0, $0x0;
	s0 =	rddreg [dreg:$0x2]  }
0x315: {  	s0 =	sadd.s32 @!p0 $0x100000, s0  }
0x316: {  	[sflag:s0] =	ssyncadd.tile.s32 @!p0 $0x1;
	_ =	shalt  }
.Lfunc_end2:
_tile_overlayer_lowered:
.L_overlay_start_2:
0x317: {  	(tag) =	ssettag $0x2  }
0x318: {  	s0 =	rddreg [dreg:$0x0];
	s2 =	stileid.u32  }
0x319: {  	s1 =	rddreg [dreg:$0x1];
	p0 =	sne.s32 s2, $0x0  }
0x31a: {  	s3 =	rddreg [dreg:$0x2];
	[bflag:$0x3] =	sbarrier.arrive $0xFFFF;
	s2 =	simm.s32 @!p0 $0x1C02  }
0x31b: {  	[timem:s3], [sflag:s2] =	dma.local @!p0 [hbm:s0], s1  }
0x31c: {  	s0 =	simm.s32 @!p0 $0x2  }
0x31d: {  	_ =	swait.ge @!p0 [sflag:s0], s1  }
0x31e: {  	s1 =	ssub.s32 @!p0 $0x0, s1;
	[sflag:s0] =	ssyncset.done @!p0 $0x0  }
0x31f: {  	[sflag:s0] =	ssyncadd.s32 @!p0 s1  }
0x320: {  	[bflag:$0x3] =	sbarrier.arrive $0xFFFF  }
0x321: {  	_ =	shalt  }

</sc_bundles>
